<compile_context>
chip_gen: v7x
topology: tpu7x:2x2x1
jax: 0.10.2.dev20260603
libtpu: 0.0.44.dev20260713+nightly
codegen_flags: <defaults>
</compile_context>

<pallas_src>
import functools

import jax
import jax.numpy as jnp
from jax import lax
from jax.experimental import pallas as pl
from jax.experimental.pallas import tpu as pltpu
from jax.experimental.pallas import tpu_sc as plsc

N = 10000
E = 320000
F = 128
HDIM = 128
NCLASS = 2
WIDTH = 3
K = 3
B = 64

NC = 2
NS = 16
NTILE = NC * NS
EC = 128
EPAD = 327680
EROWS = EPAD // EC
DROWS = EROWS // NTILE
SROWS = EROWS // NS
PH = 2
HROWS = SROWS // PH
NBUF = 3
RCH = 5
FH = F // NC
ET = E // NTILE
NPAD = 10240
NPT = NPAD // NS
DPT = NPAD // NS

R = 1000
NBLK = N // R


def _leaky(x):
    return jnp.where(x >= 0, x, 0.01 * x)



def _sc_deg(dst2d, ones_h, zeros_h):
    mesh = plsc.VectorSubcoreMesh(core_axis_name="c", subcore_axis_name="s",
                                  num_cores=NC, num_subcores=NS)

    @functools.partial(
        pl.kernel,
        out_type=jax.ShapeDtypeStruct((NC, NPAD), jnp.float32),
        mesh=mesh,
        scratch_types=[
            pltpu.VMEM((DROWS, EC), jnp.int32),
            pltpu.VMEM((EC,), jnp.float32),
            pltpu.VMEM_SHARED((NPAD,), jnp.float32),
        ],
        compiler_params=pltpu.CompilerParams(use_tc_tiling_on_sc=False),
    )
    def k(dst_h, ones_hh, zeros_hh, out_h, idx_v, ones_v, acc):
        c = lax.axis_index("c")
        s = lax.axis_index("s")
        tile = c * NS + s
        pltpu.sync_copy(dst_h.at[pl.ds(tile * DROWS, DROWS)], idx_v)
        pltpu.sync_copy(ones_hh, ones_v)
        pltpu.sync_copy(zeros_hh, acc.at[pl.ds(s * DPT, DPT)])
        plsc.subcore_barrier()

        def body(j, carry):
            pltpu.sync_copy(ones_v, acc.at[idx_v.at[j]], add=True)
            return carry

        lax.fori_loop(0, DROWS, body, 0)
        plsc.subcore_barrier()
        pltpu.sync_copy(acc.at[pl.ds(s * DPT, DPT)],
                        out_h.at[c, pl.ds(s * DPT, DPT)])

    return k(dst2d, ones_h, zeros_h)



def _sc_spmm(gsp, src2d, dst2d, zrows):
    mesh = plsc.VectorSubcoreMesh(core_axis_name="c", subcore_axis_name="s",
                                  num_cores=NC, num_subcores=NS)

    @functools.partial(
        pl.kernel,
        out_type=jax.ShapeDtypeStruct((NC, NPAD, FH), jnp.float32),
        mesh=mesh,
        scratch_types=[
            pltpu.VMEM((HROWS, EC), jnp.int32),
            pltpu.VMEM((HROWS, EC), jnp.int32),
            pltpu.VMEM((NBUF, EC, FH), jnp.float32),
            pltpu.VMEM_SHARED((NPAD, FH), jnp.float32),
            pltpu.SemaphoreType.DMA,
            pltpu.SemaphoreType.DMA,
        ],
        compiler_params=pltpu.CompilerParams(use_tc_tiling_on_sc=False),
    )
    def k(g_h, src_h, dst_h, zrows_h, out_h, sidx, didx, buf, acc, gsem, ssem):
        c = lax.axis_index("c")
        s = lax.axis_index("s")
        pltpu.sync_copy(zrows_h, acc.at[pl.ds(s * NPT, NPT)])
        plsc.subcore_barrier()

        gc = g_h.at[c]

        def drain_one():
            pltpu.make_async_copy(buf.at[0], acc.at[didx.at[0]], ssem).wait()

        for h in range(PH):
            base = s * SROWS + h * HROWS
            pltpu.sync_copy(src_h.at[pl.ds(base, HROWS)], sidx)
            pltpu.sync_copy(dst_h.at[pl.ds(base, HROWS)], didx)
            pltpu.async_copy(gc.at[sidx.at[0]], buf.at[0], gsem)
            pltpu.async_copy(gc.at[sidx.at[1]], buf.at[1], gsem)

            def body(j, carry):
                slot = lax.rem(j, NBUF)
                pltpu.make_async_copy(gc.at[sidx.at[j]], buf.at[slot],
                                      gsem).wait()
                pltpu.async_copy(buf.at[slot], acc.at[didx.at[j]], ssem,
                                 add=True)

                @pl.when(j + 2 < HROWS)
                def _():
                    @pl.when(j >= 1)
                    def _():
                        drain_one()
                    pltpu.async_copy(gc.at[sidx.at[j + 2]],
                                     buf.at[lax.rem(j + 2, NBUF)], gsem)

                return carry

            lax.fori_loop(0, HROWS, body, 0)
            drain_one()
            drain_one()
            drain_one()
        plsc.subcore_barrier()
        pltpu.sync_copy(acc.at[pl.ds(s * NPT, NPT)],
                        out_h.at[c, pl.ds(s * NPT, NPT)])

    return k(gsp, src2d, dst2d, zrows)



def _dinv_from(degp_ref):
    deg = degp_ref[0, 0, :] + degp_ref[0, 1, :]
    return jnp.where(deg > 0, lax.rsqrt(jnp.maximum(deg, 1.0)), 0.0)


def _tc_pre_body(x_ref, degp_ref, xlx_ref, w1_ref, b1_ref, w2_ref,
                 b2_ref, chw_ref, chb_ref, w3_ref, b3_ref, w5_ref, b5_ref,
                 w6_ref, b6_ref, w8_ref, b8_ref, w9_ref, b9_ref,
                 h_ref, g1_ref, tmp_ref, xlxv_ref, wc_ref, bc_ref):
    i = pl.program_id(0)
    x = x_ref[...]
    h1 = _leaky(jnp.dot(x, w1_ref[...], preferred_element_type=jnp.float32)
                + b1_ref[...])
    h2 = _leaky(jnp.dot(h1, w2_ref[...], preferred_element_type=jnp.float32)
                + b2_ref[...]) + h1
    h_ref[...] = h2
    dinv = _dinv_from(degp_ref)
    g = h2 * dinv[:, None]
    g1_ref[0] = g[:, :FH]
    g1_ref[1] = g[:, FH:]

    @pl.when(i == 0)
    def _():
        xlx = xlx_ref[...]
        t = _leaky(jnp.dot(xlx, w8_ref[...],
                           preferred_element_type=jnp.float32) + b8_ref[...])
        t = _leaky(jnp.dot(t, w9_ref[...],
                           preferred_element_type=jnp.float32) + b9_ref[...])
        tmp_ref[...] = t
        v = jnp.dot(xlx, w5_ref[...],
                    preferred_element_type=jnp.float32) + b5_ref[...]
        v = jnp.dot(v, w6_ref[...],
                    preferred_element_type=jnp.float32) + b6_ref[...]
        xlxv_ref[...] = _leaky(v)
        bc = b3_ref[...]
        for kk in range(K):
            acc = jnp.zeros((F, F), dtype=jnp.float32)
            for ii in range(WIDTH):
                acc = acc + jnp.dot(chw_ref[ii, kk],
                                    w3_ref[pl.ds(ii * F, F), :],
                                    preferred_element_type=jnp.float32)
            wc_ref[kk] = acc
        for ii in range(WIDTH):
            bc = bc + jnp.dot(chb_ref[ii], w3_ref[pl.ds(ii * F, F), :],
                              preferred_element_type=jnp.float32)
        bc_ref[...] = bc


def _tc_pre(x, degp, xlx, w1, b1, w2, b2, chw, chb, w3, b3, w5, b5,
            w6, b6, w8, b8, w9, b9):
    full = lambda shape: pl.BlockSpec(shape, lambda i: tuple(0 for _ in shape))
    out_shapes = (
        jax.ShapeDtypeStruct((N, F), jnp.float32),
        jax.ShapeDtypeStruct((NC, N, FH), jnp.float32),
        jax.ShapeDtypeStruct((B, HDIM), jnp.float32),
        jax.ShapeDtypeStruct((B, HDIM), jnp.float32),
        jax.ShapeDtypeStruct((K, F, F), jnp.float32),
        jax.ShapeDtypeStruct((1, F), jnp.float32),
    )
    grid = (NBLK,)
    return pl.pallas_call(
        _tc_pre_body,
        grid=grid,
        in_specs=[
            pl.BlockSpec((R, F), lambda i: (i, 0)),
            pl.BlockSpec((1, NC, R), lambda i: (i, 0, 0)),
            full((B, F)),
            full((F, F)), full((1, F)), full((F, F)), full((1, F)),
            full((WIDTH, K, F, F)), full((WIDTH, 1, F)),
            full((WIDTH * F, HDIM)), full((1, HDIM)),
            full((F, HDIM)), full((1, HDIM)), full((HDIM, HDIM)),
            full((1, HDIM)),
            full((F, HDIM)), full((1, HDIM)), full((HDIM, HDIM)),
            full((1, HDIM)),
        ],
        out_specs=(
            pl.BlockSpec((R, F), lambda i: (i, 0)),
            pl.BlockSpec((NC, R, FH), lambda i: (0, i, 0)),
            full((B, HDIM)),
            full((B, HDIM)),
            full((K, F, F)),
            full((1, F)),
        ),
        out_shape=out_shapes,
        compiler_params=pltpu.CompilerParams(
            dimension_semantics=("arbitrary",)),
    )(x, degp, xlx, w1, b1, w2, b2, chw, chb, w3, b3, w5, b5, w6, b6,
      w8, b8, w9, b9)



def _tc_mid_body(p1_ref, degp_ref, g2_ref):
    dinv = _dinv_from(degp_ref)
    s1 = jnp.concatenate([p1_ref[0], p1_ref[1]], axis=-1)
    g2 = (-dinv * dinv)[:, None] * s1
    g2_ref[0] = g2[:, :FH]
    g2_ref[1] = g2[:, FH:]


def _tc_mid(p1, degp):
    return pl.pallas_call(
        _tc_mid_body,
        grid=(NBLK,),
        in_specs=[
            pl.BlockSpec((NC, R, FH), lambda i: (0, i, 0)),
            pl.BlockSpec((1, NC, R), lambda i: (i, 0, 0)),
        ],
        out_specs=pl.BlockSpec((NC, R, FH), lambda i: (0, i, 0)),
        out_shape=jax.ShapeDtypeStruct((NC, N, FH), jnp.float32),
        compiler_params=pltpu.CompilerParams(
            dimension_semantics=("arbitrary",)),
    )(p1, degp)



def _tc_fin_body(h_ref, g2_ref, p2_ref, degp_ref, n2g_ref, wc_ref, bc_ref,
                 w4_ref, b4_ref, tmp_ref, xlxv_ref, w7p_ref, b7p_ref,
                 accA_ref, accC_ref, emb_ref):
    i = pl.program_id(0)
    deg = degp_ref[0, 0, :] + degp_ref[0, 1, :]
    dinv = jnp.where(deg > 0, lax.rsqrt(jnp.maximum(deg, 1.0)), 0.0)
    h = h_ref[...]
    sqdeg = jnp.sqrt(jnp.maximum(deg, 1.0))
    g2 = jnp.concatenate([g2_ref[0], g2_ref[1]], axis=-1)
    tx1 = g2 * sqdeg[:, None]
    s2 = jnp.concatenate([p2_ref[0], p2_ref[1]], axis=-1)
    tx2 = -2.0 * dinv[:, None] * s2 - h
    pre = (jnp.dot(h, wc_ref[0], preferred_element_type=jnp.float32)
           + jnp.dot(tx1, wc_ref[1], preferred_element_type=jnp.float32)
           + jnp.dot(tx2, wc_ref[2], preferred_element_type=jnp.float32)
           + bc_ref[...])
    hh = _leaky(pre)
    hh = _leaky(jnp.dot(hh, w4_ref[...], preferred_element_type=jnp.float32)
                + b4_ref[...])
    n2g = n2g_ref[0, 0, :]
    onehot = (n2g[:, None] == lax.broadcasted_iota(jnp.int32, (R, B), 1)
              ).astype(jnp.float32)
    tmpn = jnp.dot(onehot, tmp_ref[...], preferred_element_type=jnp.float32)
    scores = jnp.sum(hh * tmpn, axis=1, keepdims=True)
    sh = scores * hh
    contribA = lax.dot_general(onehot, sh, (((0,), (0,)), ((), ())),
                               preferred_element_type=jnp.float32)
    ones_mat = jnp.ones((R, F), dtype=jnp.float32)
    contribC = lax.dot_general(onehot, ones_mat, (((0,), (0,)), ((), ())),
                               preferred_element_type=jnp.float32)

    @pl.when(i == 0)
    def _():
        accA_ref[...] = jnp.zeros_like(accA_ref)
        accC_ref[...] = jnp.zeros_like(accC_ref)

    accA_ref[...] += contribA
    accC_ref[...] += contribC

    @pl.when(i == NBLK - 1)
    def _():
        pooled = accA_ref[...] / jnp.maximum(accC_ref[...], 1.0)
        emb = (jnp.dot(pooled, w7p_ref[pl.ds(0, HDIM), :],
                       preferred_element_type=jnp.float32)
               + jnp.dot(xlxv_ref[...], w7p_ref[pl.ds(HDIM, HDIM), :],
                         preferred_element_type=jnp.float32)
               + b7p_ref[...])
        emb_ref[...] = emb


def _tc_fin(h, g2p, p2, degp, n2g3, wc, bc, w4, b4, tmp, xlxv, w7p, b7p):
    full = lambda shape: pl.BlockSpec(shape, lambda i: tuple(0 for _ in shape))
    return pl.pallas_call(
        _tc_fin_body,
        grid=(NBLK,),
        in_specs=[
            pl.BlockSpec((R, F), lambda i: (i, 0)),
            pl.BlockSpec((NC, R, FH), lambda i: (0, i, 0)),
            pl.BlockSpec((NC, R, FH), lambda i: (0, i, 0)),
            pl.BlockSpec((1, NC, R), lambda i: (i, 0, 0)),
            pl.BlockSpec((1, 1, R), lambda i: (i, 0, 0)),
            full((K, F, F)), full((1, F)),
            full((HDIM, HDIM)), full((1, HDIM)),
            full((B, HDIM)), full((B, HDIM)),
            full((2 * HDIM, 128)), full((1, 128)),
        ],
        out_specs=(
            full((B, HDIM)),
            full((B, HDIM)),
            full((B, 128)),
        ),
        out_shape=(
            jax.ShapeDtypeStruct((B, HDIM), jnp.float32),
            jax.ShapeDtypeStruct((B, HDIM), jnp.float32),
            jax.ShapeDtypeStruct((B, 128), jnp.float32),
        ),
        compiler_params=pltpu.CompilerParams(
            dimension_semantics=("arbitrary",)),
    )(h, g2p, p2, degp, n2g3, wc, bc, w4, b4, tmp, xlxv, w7p, b7p)



def kernel(features_list, xLx_batch, edge_index, node2graph, W1, b1, W2, b2,
           cheb_W, cheb_b, W3, b3, W4, b4, W5, b5, W6, b6, W7, b7, W8, b8,
           W9, b9):
    src2d = jnp.concatenate(
        [edge_index[0], jnp.zeros((EPAD - E,), jnp.int32)]
    ).reshape(EROWS, EC)
    dst2d = jnp.concatenate(
        [edge_index[1], jnp.full((EPAD - E,), N, jnp.int32)]
    ).reshape(EROWS, EC)
    n2g3 = node2graph.reshape(NBLK, 1, R)
    ones_ec = jnp.ones((EC,), dtype=jnp.float32)
    zeros_dpt = jnp.zeros((DPT,), dtype=jnp.float32)
    zrows = jnp.zeros((NPT, FH), dtype=jnp.float32)
    w7p = jnp.pad(W7, ((0, 0), (0, 128 - NCLASS)))
    b7p = jnp.pad(b7, (0, 128 - NCLASS)).reshape(1, 128)
    r2 = lambda v: v.reshape(1, -1)

    degp_raw = _sc_deg(dst2d, ones_ec, zeros_dpt)
    degp = degp_raw[:, :N].reshape(NC, NBLK, R).transpose(1, 0, 2)

    h, g1, tmp, xlxv, wc, bc = _tc_pre(
        features_list, degp, xLx_batch, W1, r2(b1), W2, r2(b2),
        cheb_W, cheb_b.reshape(WIDTH, 1, F), W3, r2(b3), W5, r2(b5),
        W6, r2(b6), W8, r2(b8), W9, r2(b9))

    p1 = _sc_spmm(g1, src2d, dst2d, zrows)
    g2p = _tc_mid(p1, degp)
    p2 = _sc_spmm(g2p, src2d, dst2d, zrows)

    _, _, emb = _tc_fin(h, g2p, p2, degp, n2g3, wc, bc, W4, r2(b4),
                        tmp, xlxv, w7p, b7p)
    return emb[:, :NCLASS]

# --- scband reference (transcript-rebuilt; emitter-appended) ---
"""Pipeline reference for scband-gadgnn-6803228197649 (READ-ONLY COPY).

The authoritative reference and input builder live on the scoring server;
editing this copy changes nothing except your own understanding.
"""

import jax, jax.numpy as jnp
import numpy as np

N = 10000
E = 320000
F = 128
HDIM = 128
NCLASS = 2
WIDTH = 3
K = 3
B = 64


def _leaky(x):
    return jnp.where(x >= 0, x, 0.01 * x)


def setup_inputs(seed: int = 0):
    key = jax.random.key(seed)
    ks = jax.random.split(key, 24)
    s = lambda fan: 1.0 / np.sqrt(fan)
    inp = {}
    inp['features_list'] = jax.random.normal(ks[0], (N, F), dtype=jnp.float32)
    inp['xLx_batch'] = jax.random.normal(ks[1], (B, F), dtype=jnp.float32)
    inp['edge_index'] = jax.random.randint(ks[2], (2, E), 0, N, dtype=jnp.int32)
    inp['node2graph'] = jnp.sort(jax.random.randint(ks[3], (N,), 0, B, dtype=jnp.int32))
    inp['W1'] = jax.random.normal(ks[4], (F, F), dtype=jnp.float32) * s(F)
    inp['b1'] = jnp.zeros((F,), dtype=jnp.float32)
    inp['W2'] = jax.random.normal(ks[5], (F, F), dtype=jnp.float32) * s(F)
    inp['b2'] = jnp.zeros((F,), dtype=jnp.float32)
    inp['cheb_W'] = jax.random.normal(ks[6], (WIDTH, K, F, F), dtype=jnp.float32) * s(F)
    inp['cheb_b'] = jnp.zeros((WIDTH, F), dtype=jnp.float32)
    inp['W3'] = jax.random.normal(ks[7], (F * WIDTH, HDIM), dtype=jnp.float32) * s(F * WIDTH)
    inp['b3'] = jnp.zeros((HDIM,), dtype=jnp.float32)
    inp['W4'] = jax.random.normal(ks[8], (HDIM, HDIM), dtype=jnp.float32) * s(HDIM)
    inp['b4'] = jnp.zeros((HDIM,), dtype=jnp.float32)
    inp['W5'] = jax.random.normal(ks[9], (F, HDIM), dtype=jnp.float32) * s(F)
    inp['b5'] = jnp.zeros((HDIM,), dtype=jnp.float32)
    inp['W6'] = jax.random.normal(ks[10], (HDIM, HDIM), dtype=jnp.float32) * s(HDIM)
    inp['b6'] = jnp.zeros((HDIM,), dtype=jnp.float32)
    inp['W7'] = jax.random.normal(ks[11], (2 * HDIM, NCLASS), dtype=jnp.float32) * s(2 * HDIM)
    inp['b7'] = jnp.zeros((NCLASS,), dtype=jnp.float32)
    inp['W8'] = jax.random.normal(ks[12], (F, HDIM), dtype=jnp.float32) * s(F)
    inp['b8'] = jnp.zeros((HDIM,), dtype=jnp.float32)
    inp['W9'] = jax.random.normal(ks[13], (HDIM, HDIM), dtype=jnp.float32) * s(HDIM)
    inp['b9'] = jnp.zeros((HDIM,), dtype=jnp.float32)
    return inp


def _cheb(x, src, dst, norm_w, Wk, bk):
    # ChebConv with sym normalization, lambda_max=2 -> L_hat = -D^{-1/2} A D^{-1/2}
    Tx0 = x
    out = Tx0 @ Wk[0]
    Tx1 = jax.ops.segment_sum(norm_w[:, None] * Tx0[src], dst, num_segments=N)
    out = out + Tx1 @ Wk[1]
    for k in range(2, Wk.shape[0]):
        Tx2 = 2.0 * jax.ops.segment_sum(norm_w[:, None] * Tx1[src], dst, num_segments=N) - Tx0
        out = out + Tx2 @ Wk[k]
        Tx0, Tx1 = Tx1, Tx2
    return out + bk


def reference(features_list, xLx_batch, edge_index, node2graph, W1, b1, W2, b2, cheb_W, cheb_b, W3, b3, W4, b4, W5, b5, W6, b6, W7, b7, W8, b8, W9, b9):
    src = edge_index[0]
    dst = edge_index[1]
    deg = jax.ops.segment_sum(jnp.ones((E,), dtype=jnp.float32), dst, num_segments=N)
    dinv = jnp.where(deg > 0, 1.0 / jnp.sqrt(jnp.maximum(deg, 1.0)), 0.0)
    norm_w = -dinv[src] * dinv[dst]
    h = _leaky(features_list @ W1 + b1)
    residual = h
    h = _leaky(h @ W2 + b2)
    h = h + residual
    h_final = jnp.concatenate([_cheb(h, src, dst, norm_w, cheb_W[i], cheb_b[i]) for i in range(WIDTH)], axis=-1)
    h = _leaky(h_final @ W3 + b3)
    h = _leaky(h @ W4 + b4)
    tmpscores = _leaky(xLx_batch @ W8 + b8)
    tmpscores = _leaky(tmpscores @ W9 + b9)
    # scores[n] = h[n] . tmpscores[graph_of_n]  (vectorized form of the node_belong loop)
    scores = jnp.sum(h * tmpscores[node2graph], axis=1, keepdims=True)
    # graphpool_list assumed mean pooling: pooled[b] = mean over nodes in graph b of scores[n]*h[n]
    counts = jax.ops.segment_sum(jnp.ones((N,), dtype=jnp.float32), node2graph, num_segments=B)
    pooled = jax.ops.segment_sum(scores * h, node2graph, num_segments=B) / jnp.maximum(counts, 1.0)[:, None]
    xlx = (xLx_batch @ W5 + b5) @ W6 + b6
    xlx = _leaky(xlx)
    hcat = jnp.concatenate([pooled, xlx], axis=-1)
    # normalize=False -> no BatchNorm; dropout is identity at eval
    embeddings = hcat @ W7 + b7
    return embeddings

if __name__ == "__main__":
    import jax
    _d = setup_inputs()
    print(jax.jit(kernel)(*tuple(_d.values())))

</pallas_src>

<mosaic_0001>
#map = affine_map<(d0, d1) -> (0, 0, 0)>
#map1 = affine_map<(d0, d1) -> (0, 0)>
module attributes {stable_mosaic.version = 14 : i64} {
  func.func @k(%arg0: i32, %arg1: i32, %arg2: memref<2x10000x64xf32, #tpu.memory_space<hbm>>, %arg3: memref<2560x128xi32, #tpu.memory_space<hbm>>, %arg4: memref<2560x128xi32, #tpu.memory_space<hbm>>, %arg5: memref<640x64xf32, #tpu.memory_space<hbm>>, %arg6: memref<2x10240x64xf32, #tpu.memory_space<hbm>>, %arg7: memref<80x128xi32, #tpu.memory_space<vmem>>, %arg8: memref<80x128xi32, #tpu.memory_space<vmem>>, %arg9: memref<3x128x64xf32, #tpu.memory_space<vmem>>, %arg10: memref<10240x64xf32, #tpu.memory_space<vmem_shared>>, %arg11: memref<!tpu.dma_semaphore, #tpu.memory_space<semaphore_mem>>, %arg12: memref<!tpu.dma_semaphore, #tpu.memory_space<semaphore_mem>>) attributes {dimension_semantics = [#tpu.dimension_semantics<core_parallel>, #tpu.dimension_semantics<subcore_parallel>], iteration_bounds = array<i64: 2, 16>, scalar_prefetch = 0 : i64, scratch_operands = 6 : i64, tpu.core_type = #tpu.core_type<sc_vector_subcore>, window_params = [{transform_indices = #map}, {transform_indices = #map1}, {transform_indices = #map1}, {transform_indices = #map1}, {transform_indices = #map}]} {
    %mul3A = arith.constant 640 : i32
    %mul3A_0 = arith.muli %arg1, %mul3A : i32
    "tpu.region"() ({
      %run_scoped3A = tpu.sem_alloc : memref<!tpu.dma_semaphore, #tpu.memory_space<semaphore_mem>>
      %dma_start3A_158 = arith.constant 0 : i32
      %dma_start3A_159 = tpu.memref_slice %arg10[%mul3A_0, %dma_start3A_158] : memref<10240x64xf32, #tpu.memory_space<vmem_shared>> -> memref<640x64xf32, #tpu.memory_space<vmem_shared>>
      tpu.enqueue_dma source(%arg5 : memref<640x64xf32, #tpu.memory_space<hbm>>) target(%dma_start3A_159 : memref<640x64xf32, #tpu.memory_space<vmem_shared>>) target_semaphore(%run_scoped3A : memref<!tpu.dma_semaphore, #tpu.memory_space<semaphore_mem>>)
      %dma_wait3A_160 = arith.constant 0 : i32
      %dma_wait3A_161 = tpu.memref_slice %arg10[%mul3A_0, %dma_wait3A_160] : memref<10240x64xf32, #tpu.memory_space<vmem_shared>> -> memref<640x64xf32, #tpu.memory_space<vmem_shared>>
      tpu.wait_dma2 semaphore(%run_scoped3A : memref<!tpu.dma_semaphore, #tpu.memory_space<semaphore_mem>>) src(%arg5 : memref<640x64xf32, #tpu.memory_space<hbm>>) dst(%dma_wait3A_161 : memref<640x64xf32, #tpu.memory_space<vmem_shared>>)
      tpu.yield
    }) : () -> ()
    %barrier3A = arith.constant 0 : index
    tpu.barrier barrier_id(%barrier3A)
    %mul3A_1 = arith.constant 160 : i32
    %mul3A_2 = arith.muli %arg1, %mul3A_1 : i32
    %add3A = arith.constant 0 : i32
    %add3A_3 = arith.addi %mul3A_2, %add3A : i32
    "tpu.region"() ({
      %run_scoped3A = tpu.sem_alloc : memref<!tpu.dma_semaphore, #tpu.memory_space<semaphore_mem>>
      %dma_start3A_158 = arith.constant 0 : i32
      %dma_start3A_159 = tpu.memref_slice %arg3[%add3A_3, %dma_start3A_158] : memref<2560x128xi32, #tpu.memory_space<hbm>> -> memref<80x128xi32, #tpu.memory_space<hbm>>
      %dma_start3A_160 = arith.constant 0 : i32
      %dma_start3A_161 = tpu.memref_slice %arg3[%add3A_3, %dma_start3A_160] : memref<2560x128xi32, #tpu.memory_space<hbm>> -> memref<80x128xi32, #tpu.memory_space<hbm>>
      tpu.enqueue_dma source(%dma_start3A_161 : memref<80x128xi32, #tpu.memory_space<hbm>>) target(%arg7 : memref<80x128xi32, #tpu.memory_space<vmem>>) target_semaphore(%run_scoped3A : memref<!tpu.dma_semaphore, #tpu.memory_space<semaphore_mem>>)
      %dma_wait3A_162 = arith.constant 0 : i32
      %dma_wait3A_163 = tpu.memref_slice %arg3[%add3A_3, %dma_wait3A_162] : memref<2560x128xi32, #tpu.memory_space<hbm>> -> memref<80x128xi32, #tpu.memory_space<hbm>>
      %dma_wait3A_164 = arith.constant 0 : i32
      %dma_wait3A_165 = tpu.memref_slice %arg3[%add3A_3, %dma_wait3A_164] : memref<2560x128xi32, #tpu.memory_space<hbm>> -> memref<80x128xi32, #tpu.memory_space<hbm>>
      tpu.wait_dma2 semaphore(%run_scoped3A : memref<!tpu.dma_semaphore, #tpu.memory_space<semaphore_mem>>) src(%dma_wait3A_165 : memref<80x128xi32, #tpu.memory_space<hbm>>) dst(%arg7 : memref<80x128xi32, #tpu.memory_space<vmem>>)
      tpu.yield
    }) : () -> ()
    "tpu.region"() ({
      %run_scoped3A = tpu.sem_alloc : memref<!tpu.dma_semaphore, #tpu.memory_space<semaphore_mem>>
      %dma_start3A_158 = arith.constant 0 : i32
      %dma_start3A_159 = tpu.memref_slice %arg4[%add3A_3, %dma_start3A_158] : memref<2560x128xi32, #tpu.memory_space<hbm>> -> memref<80x128xi32, #tpu.memory_space<hbm>>
      %dma_start3A_160 = arith.constant 0 : i32
      %dma_start3A_161 = tpu.memref_slice %arg4[%add3A_3, %dma_start3A_160] : memref<2560x128xi32, #tpu.memory_space<hbm>> -> memref<80x128xi32, #tpu.memory_space<hbm>>
      tpu.enqueue_dma source(%dma_start3A_161 : memref<80x128xi32, #tpu.memory_space<hbm>>) target(%arg8 : memref<80x128xi32, #tpu.memory_space<vmem>>) target_semaphore(%run_scoped3A : memref<!tpu.dma_semaphore, #tpu.memory_space<semaphore_mem>>)
      %dma_wait3A_162 = arith.constant 0 : i32
      %dma_wait3A_163 = tpu.memref_slice %arg4[%add3A_3, %dma_wait3A_162] : memref<2560x128xi32, #tpu.memory_space<hbm>> -> memref<80x128xi32, #tpu.memory_space<hbm>>
      %dma_wait3A_164 = arith.constant 0 : i32
      %dma_wait3A_165 = tpu.memref_slice %arg4[%add3A_3, %dma_wait3A_164] : memref<2560x128xi32, #tpu.memory_space<hbm>> -> memref<80x128xi32, #tpu.memory_space<hbm>>
      tpu.wait_dma2 semaphore(%run_scoped3A : memref<!tpu.dma_semaphore, #tpu.memory_space<semaphore_mem>>) src(%dma_wait3A_165 : memref<80x128xi32, #tpu.memory_space<hbm>>) dst(%arg8 : memref<80x128xi32, #tpu.memory_space<vmem>>)
      tpu.yield
    }) : () -> ()
    %dma_start3A = arith.constant 0 : i32
    %dma_start3A_4 = arith.constant 0 : i32
    %dma_start3A_5 = arith.constant 0 : i32
    %dma_start3A_6 = arith.constant 0 : i32
    %dma_start3A_7 = tpu.memref_slice %arg9[%dma_start3A_4, %dma_start3A_5, %dma_start3A_6] : memref<3x128x64xf32, #tpu.memory_space<vmem>> -> memref<1x128x64xf32, #tpu.memory_space<vmem>>
    %dma_start3A_8 = tpu.memref_squeeze %dma_start3A_7 : memref<1x128x64xf32, #tpu.memory_space<vmem>> -> memref<128x64xf32, #tpu.memory_space<vmem>>
    %dma_start3A_9 = arith.constant 0 : i32
    %dma_start3A_10 = tpu.memref_slice %arg7[%dma_start3A, %dma_start3A_9] : memref<80x128xi32, #tpu.memory_space<vmem>> -> memref<1x128xi32, #tpu.memory_space<vmem>>
    %dma_start3A_11 = tpu.memref_squeeze %dma_start3A_10 : memref<1x128xi32, #tpu.memory_space<vmem>> -> memref<128xi32, #tpu.memory_space<vmem>>
    %dma_start3A_12 = arith.constant 0 : i32
    %dma_start3A_13 = arith.constant 0 : i32
    %dma_start3A_14 = tpu.memref_slice %arg2[%arg0, %dma_start3A_12, %dma_start3A_13] : memref<2x10000x64xf32, #tpu.memory_space<hbm>> -> memref<1x10000x64xf32, #tpu.memory_space<hbm>>
    %dma_start3A_15 = tpu.memref_squeeze %dma_start3A_14 : memref<1x10000x64xf32, #tpu.memory_space<hbm>> -> memref<10000x64xf32, #tpu.memory_space<hbm>>
    %dma_start3A_16 = arith.constant 0 : i32
    %dma_start3A_17 = arith.constant 0 : i32
    %dma_start3A_18 = tpu.memref_slice %dma_start3A_15[%dma_start3A_16, %dma_start3A_17] : memref<10000x64xf32, #tpu.memory_space<hbm>> -> memref<10000x64xf32, #tpu.memory_space<hbm>>
    tpu.enqueue_indirect_dma source(%dma_start3A_18 : memref<10000x64xf32, #tpu.memory_space<hbm>>) target(%dma_start3A_8 : memref<128x64xf32, #tpu.memory_space<vmem>>) offsets(%dma_start3A_11 : memref<128xi32, #tpu.memory_space<vmem>>) semaphore(%arg11 : memref<!tpu.dma_semaphore, #tpu.memory_space<semaphore_mem>>)
    %dma_start3A_19 = arith.constant 1 : i32
    %dma_start3A_20 = arith.constant 1 : i32
    %dma_start3A_21 = arith.constant 0 : i32
    %dma_start3A_22 = arith.constant 0 : i32
    %dma_start3A_23 = tpu.memref_slice %arg9[%dma_start3A_20, %dma_start3A_21, %dma_start3A_22] : memref<3x128x64xf32, #tpu.memory_space<vmem>> -> memref<1x128x64xf32, #tpu.memory_space<vmem>>
    %dma_start3A_24 = tpu.memref_squeeze %dma_start3A_23 : memref<1x128x64xf32, #tpu.memory_space<vmem>> -> memref<128x64xf32, #tpu.memory_space<vmem>>
    %dma_start3A_25 = arith.constant 0 : i32
    %dma_start3A_26 = tpu.memref_slice %arg7[%dma_start3A_19, %dma_start3A_25] : memref<80x128xi32, #tpu.memory_space<vmem>> -> memref<1x128xi32, #tpu.memory_space<vmem>>
    %dma_start3A_27 = tpu.memref_squeeze %dma_start3A_26 : memref<1x128xi32, #tpu.memory_space<vmem>> -> memref<128xi32, #tpu.memory_space<vmem>>
    %dma_start3A_28 = arith.constant 0 : i32
    %dma_start3A_29 = arith.constant 0 : i32
    %dma_start3A_30 = tpu.memref_slice %arg2[%arg0, %dma_start3A_28, %dma_start3A_29] : memref<2x10000x64xf32, #tpu.memory_space<hbm>> -> memref<1x10000x64xf32, #tpu.memory_space<hbm>>
    %dma_start3A_31 = tpu.memref_squeeze %dma_start3A_30 : memref<1x10000x64xf32, #tpu.memory_space<hbm>> -> memref<10000x64xf32, #tpu.memory_space<hbm>>
    %dma_start3A_32 = arith.constant 0 : i32
    %dma_start3A_33 = arith.constant 0 : i32
    %dma_start3A_34 = tpu.memref_slice %dma_start3A_31[%dma_start3A_32, %dma_start3A_33] : memref<10000x64xf32, #tpu.memory_space<hbm>> -> memref<10000x64xf32, #tpu.memory_space<hbm>>
    tpu.enqueue_indirect_dma source(%dma_start3A_34 : memref<10000x64xf32, #tpu.memory_space<hbm>>) target(%dma_start3A_24 : memref<128x64xf32, #tpu.memory_space<vmem>>) offsets(%dma_start3A_27 : memref<128xi32, #tpu.memory_space<vmem>>) semaphore(%arg11 : memref<!tpu.dma_semaphore, #tpu.memory_space<semaphore_mem>>)
    %scan3A = arith.constant 0 : i32
    %scan3A_35 = arith.constant 0 : i32
    %scan3A_36 = arith.constant 80 : i32
    %scan3A_37 = arith.addi %scan3A_35, %scan3A_36 : i32
    %scan3A_38 = arith.constant 1 : i32
    scf.for %scan3A_158 = %scan3A_35 to %scan3A_37 step %scan3A_38  : i32 {
      %rem3A = arith.constant 3 : i32
      %rem3A_159 = arith.remsi %scan3A_158, %rem3A : i32
      %dma_wait3A_160 = arith.constant 0 : i32
      %dma_wait3A_161 = arith.constant 0 : i32
      %dma_wait3A_162 = tpu.memref_slice %arg9[%rem3A_159, %dma_wait3A_160, %dma_wait3A_161] : memref<3x128x64xf32, #tpu.memory_space<vmem>> -> memref<1x128x64xf32, #tpu.memory_space<vmem>>
      %dma_wait3A_163 = tpu.memref_squeeze %dma_wait3A_162 : memref<1x128x64xf32, #tpu.memory_space<vmem>> -> memref<128x64xf32, #tpu.memory_space<vmem>>
      %dma_wait3A_164 = arith.constant 0 : i32
      %dma_wait3A_165 = tpu.memref_slice %arg7[%scan3A_158, %dma_wait3A_164] : memref<80x128xi32, #tpu.memory_space<vmem>> -> memref<1x128xi32, #tpu.memory_space<vmem>>
      %dma_wait3A_166 = tpu.memref_squeeze %dma_wait3A_165 : memref<1x128xi32, #tpu.memory_space<vmem>> -> memref<128xi32, #tpu.memory_space<vmem>>
      %dma_wait3A_167 = arith.constant 0 : i32
      %dma_wait3A_168 = arith.constant 0 : i32
      %dma_wait3A_169 = tpu.memref_slice %arg2[%arg0, %dma_wait3A_167, %dma_wait3A_168] : memref<2x10000x64xf32, #tpu.memory_space<hbm>> -> memref<1x10000x64xf32, #tpu.memory_space<hbm>>
      %dma_wait3A_170 = tpu.memref_squeeze %dma_wait3A_169 : memref<1x10000x64xf32, #tpu.memory_space<hbm>> -> memref<10000x64xf32, #tpu.memory_space<hbm>>
      %dma_wait3A_171 = arith.constant 0 : i32
      %dma_wait3A_172 = arith.constant 0 : i32
      %dma_wait3A_173 = tpu.memref_slice %dma_wait3A_170[%dma_wait3A_171, %dma_wait3A_172] : memref<10000x64xf32, #tpu.memory_space<hbm>> -> memref<10000x64xf32, #tpu.memory_space<hbm>>
      tpu.wait_indirect_dma semaphore(%arg11 : memref<!tpu.dma_semaphore, #tpu.memory_space<semaphore_mem>>) src(%dma_wait3A_173 : memref<10000x64xf32, #tpu.memory_space<hbm>>) dst(%dma_wait3A_163 : memref<128x64xf32, #tpu.memory_space<vmem>>)
      %dma_start3A_174 = arith.constant 0 : i32
      %dma_start3A_175 = arith.constant 0 : i32
      %dma_start3A_176 = tpu.memref_slice %arg9[%rem3A_159, %dma_start3A_174, %dma_start3A_175] : memref<3x128x64xf32, #tpu.memory_space<vmem>> -> memref<1x128x64xf32, #tpu.memory_space<vmem>>
      %dma_start3A_177 = tpu.memref_squeeze %dma_start3A_176 : memref<1x128x64xf32, #tpu.memory_space<vmem>> -> memref<128x64xf32, #tpu.memory_space<vmem>>
      %dma_start3A_178 = arith.constant 0 : i32
      %dma_start3A_179 = tpu.memref_slice %arg8[%scan3A_158, %dma_start3A_178] : memref<80x128xi32, #tpu.memory_space<vmem>> -> memref<1x128xi32, #tpu.memory_space<vmem>>
      %dma_start3A_180 = tpu.memref_squeeze %dma_start3A_179 : memref<1x128xi32, #tpu.memory_space<vmem>> -> memref<128xi32, #tpu.memory_space<vmem>>
      %dma_start3A_181 = arith.constant 0 : i32
      %dma_start3A_182 = arith.constant 0 : i32
      %dma_start3A_183 = tpu.memref_slice %arg10[%dma_start3A_181, %dma_start3A_182] : memref<10240x64xf32, #tpu.memory_space<vmem_shared>> -> memref<10240x64xf32, #tpu.memory_space<vmem_shared>>
      tpu.enqueue_indirect_dma source(%dma_start3A_177 : memref<128x64xf32, #tpu.memory_space<vmem>>) target(%dma_start3A_183 : memref<10240x64xf32, #tpu.memory_space<vmem_shared>>) offsets(%dma_start3A_180 : memref<128xi32, #tpu.memory_space<vmem>>) semaphore(%arg12 : memref<!tpu.dma_semaphore, #tpu.memory_space<semaphore_mem>>) {add = true}
      %add3A_184 = arith.constant 2 : i32
      %add3A_185 = arith.addi %scan3A_158, %add3A_184 : i32
      %lt3A = arith.constant 80 : i32
      %lt3A_186 = arith.cmpi slt, %add3A_185, %lt3A : i32
      %convert_element_type3A = arith.extui %lt3A_186 : i1 to i32
      %cond3A = arith.constant 0 : i32
      %cond3A_187 = arith.cmpi ne, %convert_element_type3A, %cond3A : i32
      scf.if %cond3A_187 {
        %ge3A = arith.constant 1 : i32
        %ge3A_188 = arith.cmpi sge, %scan3A_158, %ge3A : i32
        %convert_element_type3A_189 = arith.extui %ge3A_188 : i1 to i32
        %cond3A_190 = arith.constant 0 : i32
        %cond3A_191 = arith.cmpi ne, %convert_element_type3A_189, %cond3A_190 : i32
        scf.if %cond3A_191 {
          %dma_wait3A_212 = arith.constant 0 : i32
          %dma_wait3A_213 = arith.constant 0 : i32
          %dma_wait3A_214 = arith.constant 0 : i32
          %dma_wait3A_215 = arith.constant 0 : i32
          %dma_wait3A_216 = tpu.memref_slice %arg9[%dma_wait3A_212, %dma_wait3A_214, %dma_wait3A_215] : memref<3x128x64xf32, #tpu.memory_space<vmem>> -> memref<1x128x64xf32, #tpu.memory_space<vmem>>
          %dma_wait3A_217 = tpu.memref_squeeze %dma_wait3A_216 : memref<1x128x64xf32, #tpu.memory_space<vmem>> -> memref<128x64xf32, #tpu.memory_space<vmem>>
          %dma_wait3A_218 = arith.constant 0 : i32
          %dma_wait3A_219 = tpu.memref_slice %arg8[%dma_wait3A_213, %dma_wait3A_218] : memref<80x128xi32, #tpu.memory_space<vmem>> -> memref<1x128xi32, #tpu.memory_space<vmem>>
          %dma_wait3A_220 = tpu.memref_squeeze %dma_wait3A_219 : memref<1x128xi32, #tpu.memory_space<vmem>> -> memref<128xi32, #tpu.memory_space<vmem>>
          %dma_wait3A_221 = arith.constant 0 : i32
          %dma_wait3A_222 = arith.constant 0 : i32
          %dma_wait3A_223 = tpu.memref_slice %arg10[%dma_wait3A_221, %dma_wait3A_222] : memref<10240x64xf32, #tpu.memory_space<vmem_shared>> -> memref<10240x64xf32, #tpu.memory_space<vmem_shared>>
          tpu.wait_indirect_dma semaphore(%arg12 : memref<!tpu.dma_semaphore, #tpu.memory_space<semaphore_mem>>) src(%dma_wait3A_217 : memref<128x64xf32, #tpu.memory_space<vmem>>) dst(%dma_wait3A_223 : memref<10240x64xf32, #tpu.memory_space<vmem_shared>>)
        } else {
        }
        %add3A_192 = arith.constant 2 : i32
        %add3A_193 = arith.addi %scan3A_158, %add3A_192 : i32
        %add3A_194 = arith.constant 2 : i32
        %add3A_195 = arith.addi %scan3A_158, %add3A_194 : i32
        %rem3A_196 = arith.constant 3 : i32
        %rem3A_197 = arith.remsi %add3A_195, %rem3A_196 : i32
        %dma_start3A_198 = arith.constant 0 : i32
        %dma_start3A_199 = arith.constant 0 : i32
        %dma_start3A_200 = tpu.memref_slice %arg9[%rem3A_197, %dma_start3A_198, %dma_start3A_199] : memref<3x128x64xf32, #tpu.memory_space<vmem>> -> memref<1x128x64xf32, #tpu.memory_space<vmem>>
        %dma_start3A_201 = tpu.memref_squeeze %dma_start3A_200 : memref<1x128x64xf32, #tpu.memory_space<vmem>> -> memref<128x64xf32, #tpu.memory_space<vmem>>
        %dma_start3A_202 = arith.constant 0 : i32
        %dma_start3A_203 = tpu.memref_slice %arg7[%add3A_193, %dma_start3A_202] : memref<80x128xi32, #tpu.memory_space<vmem>> -> memref<1x128xi32, #tpu.memory_space<vmem>>
        %dma_start3A_204 = tpu.memref_squeeze %dma_start3A_203 : memref<1x128xi32, #tpu.memory_space<vmem>> -> memref<128xi32, #tpu.memory_space<vmem>>
        %dma_start3A_205 = arith.constant 0 : i32
        %dma_start3A_206 = arith.constant 0 : i32
        %dma_start3A_207 = tpu.memref_slice %arg2[%arg0, %dma_start3A_205, %dma_start3A_206] : memref<2x10000x64xf32, #tpu.memory_space<hbm>> -> memref<1x10000x64xf32, #tpu.memory_space<hbm>>
        %dma_start3A_208 = tpu.memref_squeeze %dma_start3A_207 : memref<1x10000x64xf32, #tpu.memory_space<hbm>> -> memref<10000x64xf32, #tpu.memory_space<hbm>>
        %dma_start3A_209 = arith.constant 0 : i32
        %dma_start3A_210 = arith.constant 0 : i32
        %dma_start3A_211 = tpu.memref_slice %dma_start3A_208[%dma_start3A_209, %dma_start3A_210] : memref<10000x64xf32, #tpu.memory_space<hbm>> -> memref<10000x64xf32, #tpu.memory_space<hbm>>
        tpu.enqueue_indirect_dma source(%dma_start3A_211 : memref<10000x64xf32, #tpu.memory_space<hbm>>) target(%dma_start3A_201 : memref<128x64xf32, #tpu.memory_space<vmem>>) offsets(%dma_start3A_204 : memref<128xi32, #tpu.memory_space<vmem>>) semaphore(%arg11 : memref<!tpu.dma_semaphore, #tpu.memory_space<semaphore_mem>>)
      } else {
      }
    }
    %scan3A_39 = arith.constant 80 : i32
    %dma_wait3A = arith.constant 0 : i32
    %dma_wait3A_40 = arith.constant 0 : i32
    %dma_wait3A_41 = arith.constant 0 : i32
    %dma_wait3A_42 = arith.constant 0 : i32
    %dma_wait3A_43 = tpu.memref_slice %arg9[%dma_wait3A, %dma_wait3A_41, %dma_wait3A_42] : memref<3x128x64xf32, #tpu.memory_space<vmem>> -> memref<1x128x64xf32, #tpu.memory_space<vmem>>
    %dma_wait3A_44 = tpu.memref_squeeze %dma_wait3A_43 : memref<1x128x64xf32, #tpu.memory_space<vmem>> -> memref<128x64xf32, #tpu.memory_space<vmem>>
    %dma_wait3A_45 = arith.constant 0 : i32
    %dma_wait3A_46 = tpu.memref_slice %arg8[%dma_wait3A_40, %dma_wait3A_45] : memref<80x128xi32, #tpu.memory_space<vmem>> -> memref<1x128xi32, #tpu.memory_space<vmem>>
    %dma_wait3A_47 = tpu.memref_squeeze %dma_wait3A_46 : memref<1x128xi32, #tpu.memory_space<vmem>> -> memref<128xi32, #tpu.memory_space<vmem>>
    %dma_wait3A_48 = arith.constant 0 : i32
    %dma_wait3A_49 = arith.constant 0 : i32
    %dma_wait3A_50 = tpu.memref_slice %arg10[%dma_wait3A_48, %dma_wait3A_49] : memref<10240x64xf32, #tpu.memory_space<vmem_shared>> -> memref<10240x64xf32, #tpu.memory_space<vmem_shared>>
    tpu.wait_indirect_dma semaphore(%arg12 : memref<!tpu.dma_semaphore, #tpu.memory_space<semaphore_mem>>) src(%dma_wait3A_44 : memref<128x64xf32, #tpu.memory_space<vmem>>) dst(%dma_wait3A_50 : memref<10240x64xf32, #tpu.memory_space<vmem_shared>>)
    %dma_wait3A_51 = arith.constant 0 : i32
    %dma_wait3A_52 = arith.constant 0 : i32
    %dma_wait3A_53 = arith.constant 0 : i32
    %dma_wait3A_54 = arith.constant 0 : i32
    %dma_wait3A_55 = tpu.memref_slice %arg9[%dma_wait3A_51, %dma_wait3A_53, %dma_wait3A_54] : memref<3x128x64xf32, #tpu.memory_space<vmem>> -> memref<1x128x64xf32, #tpu.memory_space<vmem>>
    %dma_wait3A_56 = tpu.memref_squeeze %dma_wait3A_55 : memref<1x128x64xf32, #tpu.memory_space<vmem>> -> memref<128x64xf32, #tpu.memory_space<vmem>>
    %dma_wait3A_57 = arith.constant 0 : i32
    %dma_wait3A_58 = tpu.memref_slice %arg8[%dma_wait3A_52, %dma_wait3A_57] : memref<80x128xi32, #tpu.memory_space<vmem>> -> memref<1x128xi32, #tpu.memory_space<vmem>>
    %dma_wait3A_59 = tpu.memref_squeeze %dma_wait3A_58 : memref<1x128xi32, #tpu.memory_space<vmem>> -> memref<128xi32, #tpu.memory_space<vmem>>
    %dma_wait3A_60 = arith.constant 0 : i32
    %dma_wait3A_61 = arith.constant 0 : i32
    %dma_wait3A_62 = tpu.memref_slice %arg10[%dma_wait3A_60, %dma_wait3A_61] : memref<10240x64xf32, #tpu.memory_space<vmem_shared>> -> memref<10240x64xf32, #tpu.memory_space<vmem_shared>>
    tpu.wait_indirect_dma semaphore(%arg12 : memref<!tpu.dma_semaphore, #tpu.memory_space<semaphore_mem>>) src(%dma_wait3A_56 : memref<128x64xf32, #tpu.memory_space<vmem>>) dst(%dma_wait3A_62 : memref<10240x64xf32, #tpu.memory_space<vmem_shared>>)
    %dma_wait3A_63 = arith.constant 0 : i32
    %dma_wait3A_64 = arith.constant 0 : i32
    %dma_wait3A_65 = arith.constant 0 : i32
    %dma_wait3A_66 = arith.constant 0 : i32
    %dma_wait3A_67 = tpu.memref_slice %arg9[%dma_wait3A_63, %dma_wait3A_65, %dma_wait3A_66] : memref<3x128x64xf32, #tpu.memory_space<vmem>> -> memref<1x128x64xf32, #tpu.memory_space<vmem>>
    %dma_wait3A_68 = tpu.memref_squeeze %dma_wait3A_67 : memref<1x128x64xf32, #tpu.memory_space<vmem>> -> memref<128x64xf32, #tpu.memory_space<vmem>>
    %dma_wait3A_69 = arith.constant 0 : i32
    %dma_wait3A_70 = tpu.memref_slice %arg8[%dma_wait3A_64, %dma_wait3A_69] : memref<80x128xi32, #tpu.memory_space<vmem>> -> memref<1x128xi32, #tpu.memory_space<vmem>>
    %dma_wait3A_71 = tpu.memref_squeeze %dma_wait3A_70 : memref<1x128xi32, #tpu.memory_space<vmem>> -> memref<128xi32, #tpu.memory_space<vmem>>
    %dma_wait3A_72 = arith.constant 0 : i32
    %dma_wait3A_73 = arith.constant 0 : i32
    %dma_wait3A_74 = tpu.memref_slice %arg10[%dma_wait3A_72, %dma_wait3A_73] : memref<10240x64xf32, #tpu.memory_space<vmem_shared>> -> memref<10240x64xf32, #tpu.memory_space<vmem_shared>>
    tpu.wait_indirect_dma semaphore(%arg12 : memref<!tpu.dma_semaphore, #tpu.memory_space<semaphore_mem>>) src(%dma_wait3A_68 : memref<128x64xf32, #tpu.memory_space<vmem>>) dst(%dma_wait3A_74 : memref<10240x64xf32, #tpu.memory_space<vmem_shared>>)
    %mul3A_75 = arith.constant 160 : i32
    %mul3A_76 = arith.muli %arg1, %mul3A_75 : i32
    %add3A_77 = arith.constant 80 : i32
    %add3A_78 = arith.addi %mul3A_76, %add3A_77 : i32
    "tpu.region"() ({
      %run_scoped3A = tpu.sem_alloc : memref<!tpu.dma_semaphore, #tpu.memory_space<semaphore_mem>>
      %dma_start3A_158 = arith.constant 0 : i32
      %dma_start3A_159 = tpu.memref_slice %arg3[%add3A_78, %dma_start3A_158] : memref<2560x128xi32, #tpu.memory_space<hbm>> -> memref<80x128xi32, #tpu.memory_space<hbm>>
      %dma_start3A_160 = arith.constant 0 : i32
      %dma_start3A_161 = tpu.memref_slice %arg3[%add3A_78, %dma_start3A_160] : memref<2560x128xi32, #tpu.memory_space<hbm>> -> memref<80x128xi32, #tpu.memory_space<hbm>>
      tpu.enqueue_dma source(%dma_start3A_161 : memref<80x128xi32, #tpu.memory_space<hbm>>) target(%arg7 : memref<80x128xi32, #tpu.memory_space<vmem>>) target_semaphore(%run_scoped3A : memref<!tpu.dma_semaphore, #tpu.memory_space<semaphore_mem>>)
      %dma_wait3A_162 = arith.constant 0 : i32
      %dma_wait3A_163 = tpu.memref_slice %arg3[%add3A_78, %dma_wait3A_162] : memref<2560x128xi32, #tpu.memory_space<hbm>> -> memref<80x128xi32, #tpu.memory_space<hbm>>
      %dma_wait3A_164 = arith.constant 0 : i32
      %dma_wait3A_165 = tpu.memref_slice %arg3[%add3A_78, %dma_wait3A_164] : memref<2560x128xi32, #tpu.memory_space<hbm>> -> memref<80x128xi32, #tpu.memory_space<hbm>>
      tpu.wait_dma2 semaphore(%run_scoped3A : memref<!tpu.dma_semaphore, #tpu.memory_space<semaphore_mem>>) src(%dma_wait3A_165 : memref<80x128xi32, #tpu.memory_space<hbm>>) dst(%arg7 : memref<80x128xi32, #tpu.memory_space<vmem>>)
      tpu.yield
    }) : () -> ()
    "tpu.region"() ({
      %run_scoped3A = tpu.sem_alloc : memref<!tpu.dma_semaphore, #tpu.memory_space<semaphore_mem>>
      %dma_start3A_158 = arith.constant 0 : i32
      %dma_start3A_159 = tpu.memref_slice %arg4[%add3A_78, %dma_start3A_158] : memref<2560x128xi32, #tpu.memory_space<hbm>> -> memref<80x128xi32, #tpu.memory_space<hbm>>
      %dma_start3A_160 = arith.constant 0 : i32
      %dma_start3A_161 = tpu.memref_slice %arg4[%add3A_78, %dma_start3A_160] : memref<2560x128xi32, #tpu.memory_space<hbm>> -> memref<80x128xi32, #tpu.memory_space<hbm>>
      tpu.enqueue_dma source(%dma_start3A_161 : memref<80x128xi32, #tpu.memory_space<hbm>>) target(%arg8 : memref<80x128xi32, #tpu.memory_space<vmem>>) target_semaphore(%run_scoped3A : memref<!tpu.dma_semaphore, #tpu.memory_space<semaphore_mem>>)
      %dma_wait3A_162 = arith.constant 0 : i32
      %dma_wait3A_163 = tpu.memref_slice %arg4[%add3A_78, %dma_wait3A_162] : memref<2560x128xi32, #tpu.memory_space<hbm>> -> memref<80x128xi32, #tpu.memory_space<hbm>>
      %dma_wait3A_164 = arith.constant 0 : i32
      %dma_wait3A_165 = tpu.memref_slice %arg4[%add3A_78, %dma_wait3A_164] : memref<2560x128xi32, #tpu.memory_space<hbm>> -> memref<80x128xi32, #tpu.memory_space<hbm>>
      tpu.wait_dma2 semaphore(%run_scoped3A : memref<!tpu.dma_semaphore, #tpu.memory_space<semaphore_mem>>) src(%dma_wait3A_165 : memref<80x128xi32, #tpu.memory_space<hbm>>) dst(%arg8 : memref<80x128xi32, #tpu.memory_space<vmem>>)
      tpu.yield
    }) : () -> ()
    %dma_start3A_79 = arith.constant 0 : i32
    %dma_start3A_80 = arith.constant 0 : i32
    %dma_start3A_81 = arith.constant 0 : i32
    %dma_start3A_82 = arith.constant 0 : i32
    %dma_start3A_83 = tpu.memref_slice %arg9[%dma_start3A_80, %dma_start3A_81, %dma_start3A_82] : memref<3x128x64xf32, #tpu.memory_space<vmem>> -> memref<1x128x64xf32, #tpu.memory_space<vmem>>
    %dma_start3A_84 = tpu.memref_squeeze %dma_start3A_83 : memref<1x128x64xf32, #tpu.memory_space<vmem>> -> memref<128x64xf32, #tpu.memory_space<vmem>>
    %dma_start3A_85 = arith.constant 0 : i32
    %dma_start3A_86 = tpu.memref_slice %arg7[%dma_start3A_79, %dma_start3A_85] : memref<80x128xi32, #tpu.memory_space<vmem>> -> memref<1x128xi32, #tpu.memory_space<vmem>>
    %dma_start3A_87 = tpu.memref_squeeze %dma_start3A_86 : memref<1x128xi32, #tpu.memory_space<vmem>> -> memref<128xi32, #tpu.memory_space<vmem>>
    %dma_start3A_88 = arith.constant 0 : i32
    %dma_start3A_89 = arith.constant 0 : i32
    %dma_start3A_90 = tpu.memref_slice %arg2[%arg0, %dma_start3A_88, %dma_start3A_89] : memref<2x10000x64xf32, #tpu.memory_space<hbm>> -> memref<1x10000x64xf32, #tpu.memory_space<hbm>>
    %dma_start3A_91 = tpu.memref_squeeze %dma_start3A_90 : memref<1x10000x64xf32, #tpu.memory_space<hbm>> -> memref<10000x64xf32, #tpu.memory_space<hbm>>
    %dma_start3A_92 = arith.constant 0 : i32
    %dma_start3A_93 = arith.constant 0 : i32
    %dma_start3A_94 = tpu.memref_slice %dma_start3A_91[%dma_start3A_92, %dma_start3A_93] : memref<10000x64xf32, #tpu.memory_space<hbm>> -> memref<10000x64xf32, #tpu.memory_space<hbm>>
    tpu.enqueue_indirect_dma source(%dma_start3A_94 : memref<10000x64xf32, #tpu.memory_space<hbm>>) target(%dma_start3A_84 : memref<128x64xf32, #tpu.memory_space<vmem>>) offsets(%dma_start3A_87 : memref<128xi32, #tpu.memory_space<vmem>>) semaphore(%arg11 : memref<!tpu.dma_semaphore, #tpu.memory_space<semaphore_mem>>)
    %dma_start3A_95 = arith.constant 1 : i32
    %dma_start3A_96 = arith.constant 1 : i32
    %dma_start3A_97 = arith.constant 0 : i32
    %dma_start3A_98 = arith.constant 0 : i32
    %dma_start3A_99 = tpu.memref_slice %arg9[%dma_start3A_96, %dma_start3A_97, %dma_start3A_98] : memref<3x128x64xf32, #tpu.memory_space<vmem>> -> memref<1x128x64xf32, #tpu.memory_space<vmem>>
    %dma_start3A_100 = tpu.memref_squeeze %dma_start3A_99 : memref<1x128x64xf32, #tpu.memory_space<vmem>> -> memref<128x64xf32, #tpu.memory_space<vmem>>
    %dma_start3A_101 = arith.constant 0 : i32
    %dma_start3A_102 = tpu.memref_slice %arg7[%dma_start3A_95, %dma_start3A_101] : memref<80x128xi32, #tpu.memory_space<vmem>> -> memref<1x128xi32, #tpu.memory_space<vmem>>
    %dma_start3A_103 = tpu.memref_squeeze %dma_start3A_102 : memref<1x128xi32, #tpu.memory_space<vmem>> -> memref<128xi32, #tpu.memory_space<vmem>>
    %dma_start3A_104 = arith.constant 0 : i32
    %dma_start3A_105 = arith.constant 0 : i32
    %dma_start3A_106 = tpu.memref_slice %arg2[%arg0, %dma_start3A_104, %dma_start3A_105] : memref<2x10000x64xf32, #tpu.memory_space<hbm>> -> memref<1x10000x64xf32, #tpu.memory_space<hbm>>
    %dma_start3A_107 = tpu.memref_squeeze %dma_start3A_106 : memref<1x10000x64xf32, #tpu.memory_space<hbm>> -> memref<10000x64xf32, #tpu.memory_space<hbm>>
    %dma_start3A_108 = arith.constant 0 : i32
    %dma_start3A_109 = arith.constant 0 : i32
    %dma_start3A_110 = tpu.memref_slice %dma_start3A_107[%dma_start3A_108, %dma_start3A_109] : memref<10000x64xf32, #tpu.memory_space<hbm>> -> memref<10000x64xf32, #tpu.memory_space<hbm>>
    tpu.enqueue_indirect_dma source(%dma_start3A_110 : memref<10000x64xf32, #tpu.memory_space<hbm>>) target(%dma_start3A_100 : memref<128x64xf32, #tpu.memory_space<vmem>>) offsets(%dma_start3A_103 : memref<128xi32, #tpu.memory_space<vmem>>) semaphore(%arg11 : memref<!tpu.dma_semaphore, #tpu.memory_space<semaphore_mem>>)
    %scan3A_111 = arith.constant 0 : i32
    %scan3A_112 = arith.constant 0 : i32
    %scan3A_113 = arith.constant 80 : i32
    %scan3A_114 = arith.addi %scan3A_112, %scan3A_113 : i32
    %scan3A_115 = arith.constant 1 : i32
    scf.for %scan3A_158 = %scan3A_112 to %scan3A_114 step %scan3A_115  : i32 {
      %rem3A = arith.constant 3 : i32
      %rem3A_159 = arith.remsi %scan3A_158, %rem3A : i32
      %dma_wait3A_160 = arith.constant 0 : i32
      %dma_wait3A_161 = arith.constant 0 : i32
      %dma_wait3A_162 = tpu.memref_slice %arg9[%rem3A_159, %dma_wait3A_160, %dma_wait3A_161] : memref<3x128x64xf32, #tpu.memory_space<vmem>> -> memref<1x128x64xf32, #tpu.memory_space<vmem>>
      %dma_wait3A_163 = tpu.memref_squeeze %dma_wait3A_162 : memref<1x128x64xf32, #tpu.memory_space<vmem>> -> memref<128x64xf32, #tpu.memory_space<vmem>>
      %dma_wait3A_164 = arith.constant 0 : i32
      %dma_wait3A_165 = tpu.memref_slice %arg7[%scan3A_158, %dma_wait3A_164] : memref<80x128xi32, #tpu.memory_space<vmem>> -> memref<1x128xi32, #tpu.memory_space<vmem>>
      %dma_wait3A_166 = tpu.memref_squeeze %dma_wait3A_165 : memref<1x128xi32, #tpu.memory_space<vmem>> -> memref<128xi32, #tpu.memory_space<vmem>>
      %dma_wait3A_167 = arith.constant 0 : i32
      %dma_wait3A_168 = arith.constant 0 : i32
      %dma_wait3A_169 = tpu.memref_slice %arg2[%arg0, %dma_wait3A_167, %dma_wait3A_168] : memref<2x10000x64xf32, #tpu.memory_space<hbm>> -> memref<1x10000x64xf32, #tpu.memory_space<hbm>>
      %dma_wait3A_170 = tpu.memref_squeeze %dma_wait3A_169 : memref<1x10000x64xf32, #tpu.memory_space<hbm>> -> memref<10000x64xf32, #tpu.memory_space<hbm>>
      %dma_wait3A_171 = arith.constant 0 : i32
      %dma_wait3A_172 = arith.constant 0 : i32
      %dma_wait3A_173 = tpu.memref_slice %dma_wait3A_170[%dma_wait3A_171, %dma_wait3A_172] : memref<10000x64xf32, #tpu.memory_space<hbm>> -> memref<10000x64xf32, #tpu.memory_space<hbm>>
      tpu.wait_indirect_dma semaphore(%arg11 : memref<!tpu.dma_semaphore, #tpu.memory_space<semaphore_mem>>) src(%dma_wait3A_173 : memref<10000x64xf32, #tpu.memory_space<hbm>>) dst(%dma_wait3A_163 : memref<128x64xf32, #tpu.memory_space<vmem>>)
      %dma_start3A_174 = arith.constant 0 : i32
      %dma_start3A_175 = arith.constant 0 : i32
      %dma_start3A_176 = tpu.memref_slice %arg9[%rem3A_159, %dma_start3A_174, %dma_start3A_175] : memref<3x128x64xf32, #tpu.memory_space<vmem>> -> memref<1x128x64xf32, #tpu.memory_space<vmem>>
      %dma_start3A_177 = tpu.memref_squeeze %dma_start3A_176 : memref<1x128x64xf32, #tpu.memory_space<vmem>> -> memref<128x64xf32, #tpu.memory_space<vmem>>
      %dma_start3A_178 = arith.constant 0 : i32
      %dma_start3A_179 = tpu.memref_slice %arg8[%scan3A_158, %dma_start3A_178] : memref<80x128xi32, #tpu.memory_space<vmem>> -> memref<1x128xi32, #tpu.memory_space<vmem>>
      %dma_start3A_180 = tpu.memref_squeeze %dma_start3A_179 : memref<1x128xi32, #tpu.memory_space<vmem>> -> memref<128xi32, #tpu.memory_space<vmem>>
      %dma_start3A_181 = arith.constant 0 : i32
      %dma_start3A_182 = arith.constant 0 : i32
      %dma_start3A_183 = tpu.memref_slice %arg10[%dma_start3A_181, %dma_start3A_182] : memref<10240x64xf32, #tpu.memory_space<vmem_shared>> -> memref<10240x64xf32, #tpu.memory_space<vmem_shared>>
      tpu.enqueue_indirect_dma source(%dma_start3A_177 : memref<128x64xf32, #tpu.memory_space<vmem>>) target(%dma_start3A_183 : memref<10240x64xf32, #tpu.memory_space<vmem_shared>>) offsets(%dma_start3A_180 : memref<128xi32, #tpu.memory_space<vmem>>) semaphore(%arg12 : memref<!tpu.dma_semaphore, #tpu.memory_space<semaphore_mem>>) {add = true}
      %add3A_184 = arith.constant 2 : i32
      %add3A_185 = arith.addi %scan3A_158, %add3A_184 : i32
      %lt3A = arith.constant 80 : i32
      %lt3A_186 = arith.cmpi slt, %add3A_185, %lt3A : i32
      %convert_element_type3A = arith.extui %lt3A_186 : i1 to i32
      %cond3A = arith.constant 0 : i32
      %cond3A_187 = arith.cmpi ne, %convert_element_type3A, %cond3A : i32
      scf.if %cond3A_187 {
        %ge3A = arith.constant 1 : i32
        %ge3A_188 = arith.cmpi sge, %scan3A_158, %ge3A : i32
        %convert_element_type3A_189 = arith.extui %ge3A_188 : i1 to i32
        %cond3A_190 = arith.constant 0 : i32
        %cond3A_191 = arith.cmpi ne, %convert_element_type3A_189, %cond3A_190 : i32
        scf.if %cond3A_191 {
          %dma_wait3A_212 = arith.constant 0 : i32
          %dma_wait3A_213 = arith.constant 0 : i32
          %dma_wait3A_214 = arith.constant 0 : i32
          %dma_wait3A_215 = arith.constant 0 : i32
          %dma_wait3A_216 = tpu.memref_slice %arg9[%dma_wait3A_212, %dma_wait3A_214, %dma_wait3A_215] : memref<3x128x64xf32, #tpu.memory_space<vmem>> -> memref<1x128x64xf32, #tpu.memory_space<vmem>>
          %dma_wait3A_217 = tpu.memref_squeeze %dma_wait3A_216 : memref<1x128x64xf32, #tpu.memory_space<vmem>> -> memref<128x64xf32, #tpu.memory_space<vmem>>
          %dma_wait3A_218 = arith.constant 0 : i32
          %dma_wait3A_219 = tpu.memref_slice %arg8[%dma_wait3A_213, %dma_wait3A_218] : memref<80x128xi32, #tpu.memory_space<vmem>> -> memref<1x128xi32, #tpu.memory_space<vmem>>
          %dma_wait3A_220 = tpu.memref_squeeze %dma_wait3A_219 : memref<1x128xi32, #tpu.memory_space<vmem>> -> memref<128xi32, #tpu.memory_space<vmem>>
          %dma_wait3A_221 = arith.constant 0 : i32
          %dma_wait3A_222 = arith.constant 0 : i32
          %dma_wait3A_223 = tpu.memref_slice %arg10[%dma_wait3A_221, %dma_wait3A_222] : memref<10240x64xf32, #tpu.memory_space<vmem_shared>> -> memref<10240x64xf32, #tpu.memory_space<vmem_shared>>
          tpu.wait_indirect_dma semaphore(%arg12 : memref<!tpu.dma_semaphore, #tpu.memory_space<semaphore_mem>>) src(%dma_wait3A_217 : memref<128x64xf32, #tpu.memory_space<vmem>>) dst(%dma_wait3A_223 : memref<10240x64xf32, #tpu.memory_space<vmem_shared>>)
        } else {
        }
        %add3A_192 = arith.constant 2 : i32
        %add3A_193 = arith.addi %scan3A_158, %add3A_192 : i32
        %add3A_194 = arith.constant 2 : i32
        %add3A_195 = arith.addi %scan3A_158, %add3A_194 : i32
        %rem3A_196 = arith.constant 3 : i32
        %rem3A_197 = arith.remsi %add3A_195, %rem3A_196 : i32
        %dma_start3A_198 = arith.constant 0 : i32
        %dma_start3A_199 = arith.constant 0 : i32
        %dma_start3A_200 = tpu.memref_slice %arg9[%rem3A_197, %dma_start3A_198, %dma_start3A_199] : memref<3x128x64xf32, #tpu.memory_space<vmem>> -> memref<1x128x64xf32, #tpu.memory_space<vmem>>
        %dma_start3A_201 = tpu.memref_squeeze %dma_start3A_200 : memref<1x128x64xf32, #tpu.memory_space<vmem>> -> memref<128x64xf32, #tpu.memory_space<vmem>>
        %dma_start3A_202 = arith.constant 0 : i32
        %dma_start3A_203 = tpu.memref_slice %arg7[%add3A_193, %dma_start3A_202] : memref<80x128xi32, #tpu.memory_space<vmem>> -> memref<1x128xi32, #tpu.memory_space<vmem>>
        %dma_start3A_204 = tpu.memref_squeeze %dma_start3A_203 : memref<1x128xi32, #tpu.memory_space<vmem>> -> memref<128xi32, #tpu.memory_space<vmem>>
        %dma_start3A_205 = arith.constant 0 : i32
        %dma_start3A_206 = arith.constant 0 : i32
        %dma_start3A_207 = tpu.memref_slice %arg2[%arg0, %dma_start3A_205, %dma_start3A_206] : memref<2x10000x64xf32, #tpu.memory_space<hbm>> -> memref<1x10000x64xf32, #tpu.memory_space<hbm>>
        %dma_start3A_208 = tpu.memref_squeeze %dma_start3A_207 : memref<1x10000x64xf32, #tpu.memory_space<hbm>> -> memref<10000x64xf32, #tpu.memory_space<hbm>>
        %dma_start3A_209 = arith.constant 0 : i32
        %dma_start3A_210 = arith.constant 0 : i32
        %dma_start3A_211 = tpu.memref_slice %dma_start3A_208[%dma_start3A_209, %dma_start3A_210] : memref<10000x64xf32, #tpu.memory_space<hbm>> -> memref<10000x64xf32, #tpu.memory_space<hbm>>
        tpu.enqueue_indirect_dma source(%dma_start3A_211 : memref<10000x64xf32, #tpu.memory_space<hbm>>) target(%dma_start3A_201 : memref<128x64xf32, #tpu.memory_space<vmem>>) offsets(%dma_start3A_204 : memref<128xi32, #tpu.memory_space<vmem>>) semaphore(%arg11 : memref<!tpu.dma_semaphore, #tpu.memory_space<semaphore_mem>>)
      } else {
      }
    }
    %scan3A_116 = arith.constant 80 : i32
    %dma_wait3A_117 = arith.constant 0 : i32
    %dma_wait3A_118 = arith.constant 0 : i32
    %dma_wait3A_119 = arith.constant 0 : i32
    %dma_wait3A_120 = arith.constant 0 : i32
    %dma_wait3A_121 = tpu.memref_slice %arg9[%dma_wait3A_117, %dma_wait3A_119, %dma_wait3A_120] : memref<3x128x64xf32, #tpu.memory_space<vmem>> -> memref<1x128x64xf32, #tpu.memory_space<vmem>>
    %dma_wait3A_122 = tpu.memref_squeeze %dma_wait3A_121 : memref<1x128x64xf32, #tpu.memory_space<vmem>> -> memref<128x64xf32, #tpu.memory_space<vmem>>
    %dma_wait3A_123 = arith.constant 0 : i32
    %dma_wait3A_124 = tpu.memref_slice %arg8[%dma_wait3A_118, %dma_wait3A_123] : memref<80x128xi32, #tpu.memory_space<vmem>> -> memref<1x128xi32, #tpu.memory_space<vmem>>
    %dma_wait3A_125 = tpu.memref_squeeze %dma_wait3A_124 : memref<1x128xi32, #tpu.memory_space<vmem>> -> memref<128xi32, #tpu.memory_space<vmem>>
    %dma_wait3A_126 = arith.constant 0 : i32
    %dma_wait3A_127 = arith.constant 0 : i32
    %dma_wait3A_128 = tpu.memref_slice %arg10[%dma_wait3A_126, %dma_wait3A_127] : memref<10240x64xf32, #tpu.memory_space<vmem_shared>> -> memref<10240x64xf32, #tpu.memory_space<vmem_shared>>
    tpu.wait_indirect_dma semaphore(%arg12 : memref<!tpu.dma_semaphore, #tpu.memory_space<semaphore_mem>>) src(%dma_wait3A_122 : memref<128x64xf32, #tpu.memory_space<vmem>>) dst(%dma_wait3A_128 : memref<10240x64xf32, #tpu.memory_space<vmem_shared>>)
    %dma_wait3A_129 = arith.constant 0 : i32
    %dma_wait3A_130 = arith.constant 0 : i32
    %dma_wait3A_131 = arith.constant 0 : i32
    %dma_wait3A_132 = arith.constant 0 : i32
    %dma_wait3A_133 = tpu.memref_slice %arg9[%dma_wait3A_129, %dma_wait3A_131, %dma_wait3A_132] : memref<3x128x64xf32, #tpu.memory_space<vmem>> -> memref<1x128x64xf32, #tpu.memory_space<vmem>>
    %dma_wait3A_134 = tpu.memref_squeeze %dma_wait3A_133 : memref<1x128x64xf32, #tpu.memory_space<vmem>> -> memref<128x64xf32, #tpu.memory_space<vmem>>
    %dma_wait3A_135 = arith.constant 0 : i32
    %dma_wait3A_136 = tpu.memref_slice %arg8[%dma_wait3A_130, %dma_wait3A_135] : memref<80x128xi32, #tpu.memory_space<vmem>> -> memref<1x128xi32, #tpu.memory_space<vmem>>
    %dma_wait3A_137 = tpu.memref_squeeze %dma_wait3A_136 : memref<1x128xi32, #tpu.memory_space<vmem>> -> memref<128xi32, #tpu.memory_space<vmem>>
    %dma_wait3A_138 = arith.constant 0 : i32
    %dma_wait3A_139 = arith.constant 0 : i32
    %dma_wait3A_140 = tpu.memref_slice %arg10[%dma_wait3A_138, %dma_wait3A_139] : memref<10240x64xf32, #tpu.memory_space<vmem_shared>> -> memref<10240x64xf32, #tpu.memory_space<vmem_shared>>
    tpu.wait_indirect_dma semaphore(%arg12 : memref<!tpu.dma_semaphore, #tpu.memory_space<semaphore_mem>>) src(%dma_wait3A_134 : memref<128x64xf32, #tpu.memory_space<vmem>>) dst(%dma_wait3A_140 : memref<10240x64xf32, #tpu.memory_space<vmem_shared>>)
    %dma_wait3A_141 = arith.constant 0 : i32
    %dma_wait3A_142 = arith.constant 0 : i32
    %dma_wait3A_143 = arith.constant 0 : i32
    %dma_wait3A_144 = arith.constant 0 : i32
    %dma_wait3A_145 = tpu.memref_slice %arg9[%dma_wait3A_141, %dma_wait3A_143, %dma_wait3A_144] : memref<3x128x64xf32, #tpu.memory_space<vmem>> -> memref<1x128x64xf32, #tpu.memory_space<vmem>>
    %dma_wait3A_146 = tpu.memref_squeeze %dma_wait3A_145 : memref<1x128x64xf32, #tpu.memory_space<vmem>> -> memref<128x64xf32, #tpu.memory_space<vmem>>
    %dma_wait3A_147 = arith.constant 0 : i32
    %dma_wait3A_148 = tpu.memref_slice %arg8[%dma_wait3A_142, %dma_wait3A_147] : memref<80x128xi32, #tpu.memory_space<vmem>> -> memref<1x128xi32, #tpu.memory_space<vmem>>
    %dma_wait3A_149 = tpu.memref_squeeze %dma_wait3A_148 : memref<1x128xi32, #tpu.memory_space<vmem>> -> memref<128xi32, #tpu.memory_space<vmem>>
    %dma_wait3A_150 = arith.constant 0 : i32
    %dma_wait3A_151 = arith.constant 0 : i32
    %dma_wait3A_152 = tpu.memref_slice %arg10[%dma_wait3A_150, %dma_wait3A_151] : memref<10240x64xf32, #tpu.memory_space<vmem_shared>> -> memref<10240x64xf32, #tpu.memory_space<vmem_shared>>
    tpu.wait_indirect_dma semaphore(%arg12 : memref<!tpu.dma_semaphore, #tpu.memory_space<semaphore_mem>>) src(%dma_wait3A_146 : memref<128x64xf32, #tpu.memory_space<vmem>>) dst(%dma_wait3A_152 : memref<10240x64xf32, #tpu.memory_space<vmem_shared>>)
    %barrier3A_153 = arith.constant 0 : index
    tpu.barrier barrier_id(%barrier3A_153)
    %mul3A_154 = arith.constant 640 : i32
    %mul3A_155 = arith.muli %arg1, %mul3A_154 : i32
    %mul3A_156 = arith.constant 640 : i32
    %mul3A_157 = arith.muli %arg1, %mul3A_156 : i32
    "tpu.region"() ({
      %run_scoped3A = tpu.sem_alloc : memref<!tpu.dma_semaphore, #tpu.memory_space<semaphore_mem>>
      %dma_start3A_158 = arith.constant 0 : i32
      %dma_start3A_159 = tpu.memref_slice %arg6[%arg0, %mul3A_157, %dma_start3A_158] : memref<2x10240x64xf32, #tpu.memory_space<hbm>> -> memref<1x640x64xf32, #tpu.memory_space<hbm>>
      %dma_start3A_160 = tpu.memref_squeeze %dma_start3A_159 : memref<1x640x64xf32, #tpu.memory_space<hbm>> -> memref<640x64xf32, #tpu.memory_space<hbm>>
      %dma_start3A_161 = arith.constant 0 : i32
      %dma_start3A_162 = tpu.memref_slice %arg10[%mul3A_155, %dma_start3A_161] : memref<10240x64xf32, #tpu.memory_space<vmem_shared>> -> memref<640x64xf32, #tpu.memory_space<vmem_shared>>
      tpu.enqueue_dma source(%dma_start3A_162 : memref<640x64xf32, #tpu.memory_space<vmem_shared>>) target(%dma_start3A_160 : memref<640x64xf32, #tpu.memory_space<hbm>>) target_semaphore(%run_scoped3A : memref<!tpu.dma_semaphore, #tpu.memory_space<semaphore_mem>>)
      %dma_wait3A_163 = arith.constant 0 : i32
      %dma_wait3A_164 = tpu.memref_slice %arg6[%arg0, %mul3A_157, %dma_wait3A_163] : memref<2x10240x64xf32, #tpu.memory_space<hbm>> -> memref<1x640x64xf32, #tpu.memory_space<hbm>>
      %dma_wait3A_165 = tpu.memref_squeeze %dma_wait3A_164 : memref<1x640x64xf32, #tpu.memory_space<hbm>> -> memref<640x64xf32, #tpu.memory_space<hbm>>
      %dma_wait3A_166 = arith.constant 0 : i32
      %dma_wait3A_167 = tpu.memref_slice %arg10[%mul3A_155, %dma_wait3A_166] : memref<10240x64xf32, #tpu.memory_space<vmem_shared>> -> memref<640x64xf32, #tpu.memory_space<vmem_shared>>
      tpu.wait_dma2 semaphore(%run_scoped3A : memref<!tpu.dma_semaphore, #tpu.memory_space<semaphore_mem>>) src(%dma_wait3A_167 : memref<640x64xf32, #tpu.memory_space<vmem_shared>>) dst(%dma_wait3A_165 : memref<640x64xf32, #tpu.memory_space<hbm>>)
      tpu.yield
    }) : () -> ()
    return
  }
}

#map = affine_map<(d0, d1) -> (0, 0)>
#map1 = affine_map<(d0, d1) -> (0)>
module attributes {stable_mosaic.version = 14 : i64} {
  func.func @k(%arg0: i32, %arg1: i32, %arg2: memref<2560x128xi32, #tpu.memory_space<hbm>>, %arg3: memref<128xf32, #tpu.memory_space<hbm>>, %arg4: memref<640xf32, #tpu.memory_space<hbm>>, %arg5: memref<2x10240xf32, #tpu.memory_space<hbm>>, %arg6: memref<80x128xi32, #tpu.memory_space<vmem>>, %arg7: memref<128xf32, #tpu.memory_space<vmem>>, %arg8: memref<10240xf32, #tpu.memory_space<vmem_shared>>) attributes {dimension_semantics = [#tpu.dimension_semantics<core_parallel>, #tpu.dimension_semantics<subcore_parallel>], iteration_bounds = array<i64: 2, 16>, scalar_prefetch = 0 : i64, scratch_operands = 3 : i64, tpu.core_type = #tpu.core_type<sc_vector_subcore>, window_params = [{transform_indices = #map}, {transform_indices = #map1}, {transform_indices = #map1}, {transform_indices = #map}]} {
    %mul3A = arith.constant 16 : i32
    %mul3A_0 = arith.muli %arg0, %mul3A : i32
    %add3A = arith.addi %mul3A_0, %arg1 : i32
    %mul3A_1 = arith.constant 80 : i32
    %mul3A_2 = arith.muli %add3A, %mul3A_1 : i32
    "tpu.region"() ({
      %run_scoped3A = tpu.sem_alloc : memref<!tpu.dma_semaphore, #tpu.memory_space<semaphore_mem>>
      %dma_start3A = arith.constant 0 : i32
      %dma_start3A_15 = tpu.memref_slice %arg2[%mul3A_2, %dma_start3A] : memref<2560x128xi32, #tpu.memory_space<hbm>> -> memref<80x128xi32, #tpu.memory_space<hbm>>
      %dma_start3A_16 = arith.constant 0 : i32
      %dma_start3A_17 = tpu.memref_slice %arg2[%mul3A_2, %dma_start3A_16] : memref<2560x128xi32, #tpu.memory_space<hbm>> -> memref<80x128xi32, #tpu.memory_space<hbm>>
      tpu.enqueue_dma source(%dma_start3A_17 : memref<80x128xi32, #tpu.memory_space<hbm>>) target(%arg6 : memref<80x128xi32, #tpu.memory_space<vmem>>) target_semaphore(%run_scoped3A : memref<!tpu.dma_semaphore, #tpu.memory_space<semaphore_mem>>)
      %dma_wait3A = arith.constant 0 : i32
      %dma_wait3A_18 = tpu.memref_slice %arg2[%mul3A_2, %dma_wait3A] : memref<2560x128xi32, #tpu.memory_space<hbm>> -> memref<80x128xi32, #tpu.memory_space<hbm>>
      %dma_wait3A_19 = arith.constant 0 : i32
      %dma_wait3A_20 = tpu.memref_slice %arg2[%mul3A_2, %dma_wait3A_19] : memref<2560x128xi32, #tpu.memory_space<hbm>> -> memref<80x128xi32, #tpu.memory_space<hbm>>
      tpu.wait_dma2 semaphore(%run_scoped3A : memref<!tpu.dma_semaphore, #tpu.memory_space<semaphore_mem>>) src(%dma_wait3A_20 : memref<80x128xi32, #tpu.memory_space<hbm>>) dst(%arg6 : memref<80x128xi32, #tpu.memory_space<vmem>>)
      tpu.yield
    }) : () -> ()
    "tpu.region"() ({
      %run_scoped3A = tpu.sem_alloc : memref<!tpu.dma_semaphore, #tpu.memory_space<semaphore_mem>>
      tpu.enqueue_dma source(%arg3 : memref<128xf32, #tpu.memory_space<hbm>>) target(%arg7 : memref<128xf32, #tpu.memory_space<vmem>>) target_semaphore(%run_scoped3A : memref<!tpu.dma_semaphore, #tpu.memory_space<semaphore_mem>>)
      tpu.wait_dma2 semaphore(%run_scoped3A : memref<!tpu.dma_semaphore, #tpu.memory_space<semaphore_mem>>) src(%arg3 : memref<128xf32, #tpu.memory_space<hbm>>) dst(%arg7 : memref<128xf32, #tpu.memory_space<vmem>>)
      tpu.yield
    }) : () -> ()
    %mul3A_3 = arith.constant 640 : i32
    %mul3A_4 = arith.muli %arg1, %mul3A_3 : i32
    "tpu.region"() ({
      %run_scoped3A = tpu.sem_alloc : memref<!tpu.dma_semaphore, #tpu.memory_space<semaphore_mem>>
      %dma_start3A = tpu.memref_slice %arg8[%mul3A_4] : memref<10240xf32, #tpu.memory_space<vmem_shared>> -> memref<640xf32, #tpu.memory_space<vmem_shared>>
      tpu.enqueue_dma source(%arg4 : memref<640xf32, #tpu.memory_space<hbm>>) target(%dma_start3A : memref<640xf32, #tpu.memory_space<vmem_shared>>) target_semaphore(%run_scoped3A : memref<!tpu.dma_semaphore, #tpu.memory_space<semaphore_mem>>)
      %dma_wait3A = tpu.memref_slice %arg8[%mul3A_4] : memref<10240xf32, #tpu.memory_space<vmem_shared>> -> memref<640xf32, #tpu.memory_space<vmem_shared>>
      tpu.wait_dma2 semaphore(%run_scoped3A : memref<!tpu.dma_semaphore, #tpu.memory_space<semaphore_mem>>) src(%arg4 : memref<640xf32, #tpu.memory_space<hbm>>) dst(%dma_wait3A : memref<640xf32, #tpu.memory_space<vmem_shared>>)
      tpu.yield
    }) : () -> ()
    %barrier3A = arith.constant 0 : index
    tpu.barrier barrier_id(%barrier3A)
    %scan3A = arith.constant 0 : i32
    %scan3A_5 = arith.constant 0 : i32
    %scan3A_6 = arith.constant 80 : i32
    %scan3A_7 = arith.addi %scan3A_5, %scan3A_6 : i32
    %scan3A_8 = arith.constant 1 : i32
    scf.for %scan3A_15 = %scan3A_5 to %scan3A_7 step %scan3A_8  : i32 {
      "tpu.region"() ({
        %run_scoped3A = tpu.sem_alloc : memref<!tpu.dma_semaphore, #tpu.memory_space<semaphore_mem>>
        %dma_start3A = arith.constant 0 : i32
        %dma_start3A_16 = tpu.memref_slice %arg6[%scan3A_15, %dma_start3A] : memref<80x128xi32, #tpu.memory_space<vmem>> -> memref<1x128xi32, #tpu.memory_space<vmem>>
        %dma_start3A_17 = tpu.memref_squeeze %dma_start3A_16 : memref<1x128xi32, #tpu.memory_space<vmem>> -> memref<128xi32, #tpu.memory_space<vmem>>
        %dma_start3A_18 = arith.constant 0 : i32
        %dma_start3A_19 = tpu.memref_slice %arg8[%dma_start3A_18] : memref<10240xf32, #tpu.memory_space<vmem_shared>> -> memref<10240xf32, #tpu.memory_space<vmem_shared>>
        tpu.enqueue_indirect_dma source(%arg7 : memref<128xf32, #tpu.memory_space<vmem>>) target(%dma_start3A_19 : memref<10240xf32, #tpu.memory_space<vmem_shared>>) offsets(%dma_start3A_17 : memref<128xi32, #tpu.memory_space<vmem>>) semaphore(%run_scoped3A : memref<!tpu.dma_semaphore, #tpu.memory_space<semaphore_mem>>) {add = true}
        %dma_wait3A = arith.constant 0 : i32
        %dma_wait3A_20 = tpu.memref_slice %arg6[%scan3A_15, %dma_wait3A] : memref<80x128xi32, #tpu.memory_space<vmem>> -> memref<1x128xi32, #tpu.memory_space<vmem>>
        %dma_wait3A_21 = tpu.memref_squeeze %dma_wait3A_20 : memref<1x128xi32, #tpu.memory_space<vmem>> -> memref<128xi32, #tpu.memory_space<vmem>>
        %dma_wait3A_22 = arith.constant 0 : i32
        %dma_wait3A_23 = tpu.memref_slice %arg8[%dma_wait3A_22] : memref<10240xf32, #tpu.memory_space<vmem_shared>> -> memref<10240xf32, #tpu.memory_space<vmem_shared>>
        tpu.wait_indirect_dma semaphore(%run_scoped3A : memref<!tpu.dma_semaphore, #tpu.memory_space<semaphore_mem>>) src(%arg7 : memref<128xf32, #tpu.memory_space<vmem>>) dst(%dma_wait3A_23 : memref<10240xf32, #tpu.memory_space<vmem_shared>>)
        tpu.yield
      }) : () -> ()
    }
    %scan3A_9 = arith.constant 80 : i32
    %barrier3A_10 = arith.constant 0 : index
    tpu.barrier barrier_id(%barrier3A_10)
    %mul3A_11 = arith.constant 640 : i32
    %mul3A_12 = arith.muli %arg1, %mul3A_11 : i32
    %mul3A_13 = arith.constant 640 : i32
    %mul3A_14 = arith.muli %arg1, %mul3A_13 : i32
    "tpu.region"() ({
      %run_scoped3A = tpu.sem_alloc : memref<!tpu.dma_semaphore, #tpu.memory_space<semaphore_mem>>
      %dma_start3A = tpu.memref_slice %arg5[%arg0, %mul3A_14] : memref<2x10240xf32, #tpu.memory_space<hbm>> -> memref<1x640xf32, #tpu.memory_space<hbm>>
      %dma_start3A_15 = tpu.memref_squeeze %dma_start3A : memref<1x640xf32, #tpu.memory_space<hbm>> -> memref<640xf32, #tpu.memory_space<hbm>>
      %dma_start3A_16 = tpu.memref_slice %arg8[%mul3A_12] : memref<10240xf32, #tpu.memory_space<vmem_shared>> -> memref<640xf32, #tpu.memory_space<vmem_shared>>
      tpu.enqueue_dma source(%dma_start3A_16 : memref<640xf32, #tpu.memory_space<vmem_shared>>) target(%dma_start3A_15 : memref<640xf32, #tpu.memory_space<hbm>>) target_semaphore(%run_scoped3A : memref<!tpu.dma_semaphore, #tpu.memory_space<semaphore_mem>>)
      %dma_wait3A = tpu.memref_slice %arg5[%arg0, %mul3A_14] : memref<2x10240xf32, #tpu.memory_space<hbm>> -> memref<1x640xf32, #tpu.memory_space<hbm>>
      %dma_wait3A_17 = tpu.memref_squeeze %dma_wait3A : memref<1x640xf32, #tpu.memory_space<hbm>> -> memref<640xf32, #tpu.memory_space<hbm>>
      %dma_wait3A_18 = tpu.memref_slice %arg8[%mul3A_12] : memref<10240xf32, #tpu.memory_space<vmem_shared>> -> memref<640xf32, #tpu.memory_space<vmem_shared>>
      tpu.wait_dma2 semaphore(%run_scoped3A : memref<!tpu.dma_semaphore, #tpu.memory_space<semaphore_mem>>) src(%dma_wait3A_18 : memref<640xf32, #tpu.memory_space<vmem_shared>>) dst(%dma_wait3A_17 : memref<640xf32, #tpu.memory_space<hbm>>)
      tpu.yield
    }) : () -> ()
    return
  }
}

#map = affine_map<(d0, d1) -> (0, 0, 0)>
#map1 = affine_map<(d0, d1) -> (0, 0)>
module attributes {stable_mosaic.version = 14 : i64} {
  func.func @k(%arg0: i32, %arg1: i32, %arg2: memref<2x10000x64xf32, #tpu.memory_space<hbm>>, %arg3: memref<2560x128xi32, #tpu.memory_space<hbm>>, %arg4: memref<2560x128xi32, #tpu.memory_space<hbm>>, %arg5: memref<640x64xf32, #tpu.memory_space<hbm>>, %arg6: memref<2x10240x64xf32, #tpu.memory_space<hbm>>, %arg7: memref<80x128xi32, #tpu.memory_space<vmem>>, %arg8: memref<80x128xi32, #tpu.memory_space<vmem>>, %arg9: memref<3x128x64xf32, #tpu.memory_space<vmem>>, %arg10: memref<10240x64xf32, #tpu.memory_space<vmem_shared>>, %arg11: memref<!tpu.dma_semaphore, #tpu.memory_space<semaphore_mem>>, %arg12: memref<!tpu.dma_semaphore, #tpu.memory_space<semaphore_mem>>) attributes {dimension_semantics = [#tpu.dimension_semantics<core_parallel>, #tpu.dimension_semantics<subcore_parallel>], iteration_bounds = array<i64: 2, 16>, scalar_prefetch = 0 : i64, scratch_operands = 6 : i64, tpu.core_type = #tpu.core_type<sc_vector_subcore>, window_params = [{transform_indices = #map}, {transform_indices = #map1}, {transform_indices = #map1}, {transform_indices = #map1}, {transform_indices = #map}]} {
    %mul3A = arith.constant 640 : i32
    %mul3A_0 = arith.muli %arg1, %mul3A : i32
    "tpu.region"() ({
      %run_scoped3A = tpu.sem_alloc : memref<!tpu.dma_semaphore, #tpu.memory_space<semaphore_mem>>
      %dma_start3A_158 = arith.constant 0 : i32
      %dma_start3A_159 = tpu.memref_slice %arg10[%mul3A_0, %dma_start3A_158] : memref<10240x64xf32, #tpu.memory_space<vmem_shared>> -> memref<640x64xf32, #tpu.memory_space<vmem_shared>>
      tpu.enqueue_dma source(%arg5 : memref<640x64xf32, #tpu.memory_space<hbm>>) target(%dma_start3A_159 : memref<640x64xf32, #tpu.memory_space<vmem_shared>>) target_semaphore(%run_scoped3A : memref<!tpu.dma_semaphore, #tpu.memory_space<semaphore_mem>>)
      %dma_wait3A_160 = arith.constant 0 : i32
      %dma_wait3A_161 = tpu.memref_slice %arg10[%mul3A_0, %dma_wait3A_160] : memref<10240x64xf32, #tpu.memory_space<vmem_shared>> -> memref<640x64xf32, #tpu.memory_space<vmem_shared>>
      tpu.wait_dma2 semaphore(%run_scoped3A : memref<!tpu.dma_semaphore, #tpu.memory_space<semaphore_mem>>) src(%arg5 : memref<640x64xf32, #tpu.memory_space<hbm>>) dst(%dma_wait3A_161 : memref<640x64xf32, #tpu.memory_space<vmem_shared>>)
      tpu.yield
    }) : () -> ()
    %barrier3A = arith.constant 0 : index
    tpu.barrier barrier_id(%barrier3A)
    %mul3A_1 = arith.constant 160 : i32
    %mul3A_2 = arith.muli %arg1, %mul3A_1 : i32
    %add3A = arith.constant 0 : i32
    %add3A_3 = arith.addi %mul3A_2, %add3A : i32
    "tpu.region"() ({
      %run_scoped3A = tpu.sem_alloc : memref<!tpu.dma_semaphore, #tpu.memory_space<semaphore_mem>>
      %dma_start3A_158 = arith.constant 0 : i32
      %dma_start3A_159 = tpu.memref_slice %arg3[%add3A_3, %dma_start3A_158] : memref<2560x128xi32, #tpu.memory_space<hbm>> -> memref<80x128xi32, #tpu.memory_space<hbm>>
      %dma_start3A_160 = arith.constant 0 : i32
      %dma_start3A_161 = tpu.memref_slice %arg3[%add3A_3, %dma_start3A_160] : memref<2560x128xi32, #tpu.memory_space<hbm>> -> memref<80x128xi32, #tpu.memory_space<hbm>>
      tpu.enqueue_dma source(%dma_start3A_161 : memref<80x128xi32, #tpu.memory_space<hbm>>) target(%arg7 : memref<80x128xi32, #tpu.memory_space<vmem>>) target_semaphore(%run_scoped3A : memref<!tpu.dma_semaphore, #tpu.memory_space<semaphore_mem>>)
      %dma_wait3A_162 = arith.constant 0 : i32
      %dma_wait3A_163 = tpu.memref_slice %arg3[%add3A_3, %dma_wait3A_162] : memref<2560x128xi32, #tpu.memory_space<hbm>> -> memref<80x128xi32, #tpu.memory_space<hbm>>
      %dma_wait3A_164 = arith.constant 0 : i32
      %dma_wait3A_165 = tpu.memref_slice %arg3[%add3A_3, %dma_wait3A_164] : memref<2560x128xi32, #tpu.memory_space<hbm>> -> memref<80x128xi32, #tpu.memory_space<hbm>>
      tpu.wait_dma2 semaphore(%run_scoped3A : memref<!tpu.dma_semaphore, #tpu.memory_space<semaphore_mem>>) src(%dma_wait3A_165 : memref<80x128xi32, #tpu.memory_space<hbm>>) dst(%arg7 : memref<80x128xi32, #tpu.memory_space<vmem>>)
      tpu.yield
    }) : () -> ()
    "tpu.region"() ({
      %run_scoped3A = tpu.sem_alloc : memref<!tpu.dma_semaphore, #tpu.memory_space<semaphore_mem>>
      %dma_start3A_158 = arith.constant 0 : i32
      %dma_start3A_159 = tpu.memref_slice %arg4[%add3A_3, %dma_start3A_158] : memref<2560x128xi32, #tpu.memory_space<hbm>> -> memref<80x128xi32, #tpu.memory_space<hbm>>
      %dma_start3A_160 = arith.constant 0 : i32
      %dma_start3A_161 = tpu.memref_slice %arg4[%add3A_3, %dma_start3A_160] : memref<2560x128xi32, #tpu.memory_space<hbm>> -> memref<80x128xi32, #tpu.memory_space<hbm>>
      tpu.enqueue_dma source(%dma_start3A_161 : memref<80x128xi32, #tpu.memory_space<hbm>>) target(%arg8 : memref<80x128xi32, #tpu.memory_space<vmem>>) target_semaphore(%run_scoped3A : memref<!tpu.dma_semaphore, #tpu.memory_space<semaphore_mem>>)
      %dma_wait3A_162 = arith.constant 0 : i32
      %dma_wait3A_163 = tpu.memref_slice %arg4[%add3A_3, %dma_wait3A_162] : memref<2560x128xi32, #tpu.memory_space<hbm>> -> memref<80x128xi32, #tpu.memory_space<hbm>>
      %dma_wait3A_164 = arith.constant 0 : i32
      %dma_wait3A_165 = tpu.memref_slice %arg4[%add3A_3, %dma_wait3A_164] : memref<2560x128xi32, #tpu.memory_space<hbm>> -> memref<80x128xi32, #tpu.memory_space<hbm>>
      tpu.wait_dma2 semaphore(%run_scoped3A : memref<!tpu.dma_semaphore, #tpu.memory_space<semaphore_mem>>) src(%dma_wait3A_165 : memref<80x128xi32, #tpu.memory_space<hbm>>) dst(%arg8 : memref<80x128xi32, #tpu.memory_space<vmem>>)
      tpu.yield
    }) : () -> ()
    %dma_start3A = arith.constant 0 : i32
    %dma_start3A_4 = arith.constant 0 : i32
    %dma_start3A_5 = arith.constant 0 : i32
    %dma_start3A_6 = arith.constant 0 : i32
    %dma_start3A_7 = tpu.memref_slice %arg9[%dma_start3A_4, %dma_start3A_5, %dma_start3A_6] : memref<3x128x64xf32, #tpu.memory_space<vmem>> -> memref<1x128x64xf32, #tpu.memory_space<vmem>>
    %dma_start3A_8 = tpu.memref_squeeze %dma_start3A_7 : memref<1x128x64xf32, #tpu.memory_space<vmem>> -> memref<128x64xf32, #tpu.memory_space<vmem>>
    %dma_start3A_9 = arith.constant 0 : i32
    %dma_start3A_10 = tpu.memref_slice %arg7[%dma_start3A, %dma_start3A_9] : memref<80x128xi32, #tpu.memory_space<vmem>> -> memref<1x128xi32, #tpu.memory_space<vmem>>
    %dma_start3A_11 = tpu.memref_squeeze %dma_start3A_10 : memref<1x128xi32, #tpu.memory_space<vmem>> -> memref<128xi32, #tpu.memory_space<vmem>>
    %dma_start3A_12 = arith.constant 0 : i32
    %dma_start3A_13 = arith.constant 0 : i32
    %dma_start3A_14 = tpu.memref_slice %arg2[%arg0, %dma_start3A_12, %dma_start3A_13] : memref<2x10000x64xf32, #tpu.memory_space<hbm>> -> memref<1x10000x64xf32, #tpu.memory_space<hbm>>
    %dma_start3A_15 = tpu.memref_squeeze %dma_start3A_14 : memref<1x10000x64xf32, #tpu.memory_space<hbm>> -> memref<10000x64xf32, #tpu.memory_space<hbm>>
    %dma_start3A_16 = arith.constant 0 : i32
    %dma_start3A_17 = arith.constant 0 : i32
    %dma_start3A_18 = tpu.memref_slice %dma_start3A_15[%dma_start3A_16, %dma_start3A_17] : memref<10000x64xf32, #tpu.memory_space<hbm>> -> memref<10000x64xf32, #tpu.memory_space<hbm>>
    tpu.enqueue_indirect_dma source(%dma_start3A_18 : memref<10000x64xf32, #tpu.memory_space<hbm>>) target(%dma_start3A_8 : memref<128x64xf32, #tpu.memory_space<vmem>>) offsets(%dma_start3A_11 : memref<128xi32, #tpu.memory_space<vmem>>) semaphore(%arg11 : memref<!tpu.dma_semaphore, #tpu.memory_space<semaphore_mem>>)
    %dma_start3A_19 = arith.constant 1 : i32
    %dma_start3A_20 = arith.constant 1 : i32
    %dma_start3A_21 = arith.constant 0 : i32
    %dma_start3A_22 = arith.constant 0 : i32
    %dma_start3A_23 = tpu.memref_slice %arg9[%dma_start3A_20, %dma_start3A_21, %dma_start3A_22] : memref<3x128x64xf32, #tpu.memory_space<vmem>> -> memref<1x128x64xf32, #tpu.memory_space<vmem>>
    %dma_start3A_24 = tpu.memref_squeeze %dma_start3A_23 : memref<1x128x64xf32, #tpu.memory_space<vmem>> -> memref<128x64xf32, #tpu.memory_space<vmem>>
    %dma_start3A_25 = arith.constant 0 : i32
    %dma_start3A_26 = tpu.memref_slice %arg7[%dma_start3A_19, %dma_start3A_25] : memref<80x128xi32, #tpu.memory_space<vmem>> -> memref<1x128xi32, #tpu.memory_space<vmem>>
    %dma_start3A_27 = tpu.memref_squeeze %dma_start3A_26 : memref<1x128xi32, #tpu.memory_space<vmem>> -> memref<128xi32, #tpu.memory_space<vmem>>
    %dma_start3A_28 = arith.constant 0 : i32
    %dma_start3A_29 = arith.constant 0 : i32
    %dma_start3A_30 = tpu.memref_slice %arg2[%arg0, %dma_start3A_28, %dma_start3A_29] : memref<2x10000x64xf32, #tpu.memory_space<hbm>> -> memref<1x10000x64xf32, #tpu.memory_space<hbm>>
    %dma_start3A_31 = tpu.memref_squeeze %dma_start3A_30 : memref<1x10000x64xf32, #tpu.memory_space<hbm>> -> memref<10000x64xf32, #tpu.memory_space<hbm>>
    %dma_start3A_32 = arith.constant 0 : i32
    %dma_start3A_33 = arith.constant 0 : i32
    %dma_start3A_34 = tpu.memref_slice %dma_start3A_31[%dma_start3A_32, %dma_start3A_33] : memref<10000x64xf32, #tpu.memory_space<hbm>> -> memref<10000x64xf32, #tpu.memory_space<hbm>>
    tpu.enqueue_indirect_dma source(%dma_start3A_34 : memref<10000x64xf32, #tpu.memory_space<hbm>>) target(%dma_start3A_24 : memref<128x64xf32, #tpu.memory_space<vmem>>) offsets(%dma_start3A_27 : memref<128xi32, #tpu.memory_space<vmem>>) semaphore(%arg11 : memref<!tpu.dma_semaphore, #tpu.memory_space<semaphore_mem>>)
    %scan3A = arith.constant 0 : i32
    %scan3A_35 = arith.constant 0 : i32
    %scan3A_36 = arith.constant 80 : i32
    %scan3A_37 = arith.addi %scan3A_35, %scan3A_36 : i32
    %scan3A_38 = arith.constant 1 : i32
    scf.for %scan3A_158 = %scan3A_35 to %scan3A_37 step %scan3A_38  : i32 {
      %rem3A = arith.constant 3 : i32
      %rem3A_159 = arith.remsi %scan3A_158, %rem3A : i32
      %dma_wait3A_160 = arith.constant 0 : i32
      %dma_wait3A_161 = arith.constant 0 : i32
      %dma_wait3A_162 = tpu.memref_slice %arg9[%rem3A_159, %dma_wait3A_160, %dma_wait3A_161] : memref<3x128x64xf32, #tpu.memory_space<vmem>> -> memref<1x128x64xf32, #tpu.memory_space<vmem>>
      %dma_wait3A_163 = tpu.memref_squeeze %dma_wait3A_162 : memref<1x128x64xf32, #tpu.memory_space<vmem>> -> memref<128x64xf32, #tpu.memory_space<vmem>>
      %dma_wait3A_164 = arith.constant 0 : i32
      %dma_wait3A_165 = tpu.memref_slice %arg7[%scan3A_158, %dma_wait3A_164] : memref<80x128xi32, #tpu.memory_space<vmem>> -> memref<1x128xi32, #tpu.memory_space<vmem>>
      %dma_wait3A_166 = tpu.memref_squeeze %dma_wait3A_165 : memref<1x128xi32, #tpu.memory_space<vmem>> -> memref<128xi32, #tpu.memory_space<vmem>>
      %dma_wait3A_167 = arith.constant 0 : i32
      %dma_wait3A_168 = arith.constant 0 : i32
      %dma_wait3A_169 = tpu.memref_slice %arg2[%arg0, %dma_wait3A_167, %dma_wait3A_168] : memref<2x10000x64xf32, #tpu.memory_space<hbm>> -> memref<1x10000x64xf32, #tpu.memory_space<hbm>>
      %dma_wait3A_170 = tpu.memref_squeeze %dma_wait3A_169 : memref<1x10000x64xf32, #tpu.memory_space<hbm>> -> memref<10000x64xf32, #tpu.memory_space<hbm>>
      %dma_wait3A_171 = arith.constant 0 : i32
      %dma_wait3A_172 = arith.constant 0 : i32
      %dma_wait3A_173 = tpu.memref_slice %dma_wait3A_170[%dma_wait3A_171, %dma_wait3A_172] : memref<10000x64xf32, #tpu.memory_space<hbm>> -> memref<10000x64xf32, #tpu.memory_space<hbm>>
      tpu.wait_indirect_dma semaphore(%arg11 : memref<!tpu.dma_semaphore, #tpu.memory_space<semaphore_mem>>) src(%dma_wait3A_173 : memref<10000x64xf32, #tpu.memory_space<hbm>>) dst(%dma_wait3A_163 : memref<128x64xf32, #tpu.memory_space<vmem>>)
      %dma_start3A_174 = arith.constant 0 : i32
      %dma_start3A_175 = arith.constant 0 : i32
      %dma_start3A_176 = tpu.memref_slice %arg9[%rem3A_159, %dma_start3A_174, %dma_start3A_175] : memref<3x128x64xf32, #tpu.memory_space<vmem>> -> memref<1x128x64xf32, #tpu.memory_space<vmem>>
      %dma_start3A_177 = tpu.memref_squeeze %dma_start3A_176 : memref<1x128x64xf32, #tpu.memory_space<vmem>> -> memref<128x64xf32, #tpu.memory_space<vmem>>
      %dma_start3A_178 = arith.constant 0 : i32
      %dma_start3A_179 = tpu.memref_slice %arg8[%scan3A_158, %dma_start3A_178] : memref<80x128xi32, #tpu.memory_space<vmem>> -> memref<1x128xi32, #tpu.memory_space<vmem>>
      %dma_start3A_180 = tpu.memref_squeeze %dma_start3A_179 : memref<1x128xi32, #tpu.memory_space<vmem>> -> memref<128xi32, #tpu.memory_space<vmem>>
      %dma_start3A_181 = arith.constant 0 : i32
      %dma_start3A_182 = arith.constant 0 : i32
      %dma_start3A_183 = tpu.memref_slice %arg10[%dma_start3A_181, %dma_start3A_182] : memref<10240x64xf32, #tpu.memory_space<vmem_shared>> -> memref<10240x64xf32, #tpu.memory_space<vmem_shared>>
      tpu.enqueue_indirect_dma source(%dma_start3A_177 : memref<128x64xf32, #tpu.memory_space<vmem>>) target(%dma_start3A_183 : memref<10240x64xf32, #tpu.memory_space<vmem_shared>>) offsets(%dma_start3A_180 : memref<128xi32, #tpu.memory_space<vmem>>) semaphore(%arg12 : memref<!tpu.dma_semaphore, #tpu.memory_space<semaphore_mem>>) {add = true}
      %add3A_184 = arith.constant 2 : i32
      %add3A_185 = arith.addi %scan3A_158, %add3A_184 : i32
      %lt3A = arith.constant 80 : i32
      %lt3A_186 = arith.cmpi slt, %add3A_185, %lt3A : i32
      %convert_element_type3A = arith.extui %lt3A_186 : i1 to i32
      %cond3A = arith.constant 0 : i32
      %cond3A_187 = arith.cmpi ne, %convert_element_type3A, %cond3A : i32
      scf.if %cond3A_187 {
        %ge3A = arith.constant 1 : i32
        %ge3A_188 = arith.cmpi sge, %scan3A_158, %ge3A : i32
        %convert_element_type3A_189 = arith.extui %ge3A_188 : i1 to i32
        %cond3A_190 = arith.constant 0 : i32
        %cond3A_191 = arith.cmpi ne, %convert_element_type3A_189, %cond3A_190 : i32
        scf.if %cond3A_191 {
          %dma_wait3A_212 = arith.constant 0 : i32
          %dma_wait3A_213 = arith.constant 0 : i32
          %dma_wait3A_214 = arith.constant 0 : i32
          %dma_wait3A_215 = arith.constant 0 : i32
          %dma_wait3A_216 = tpu.memref_slice %arg9[%dma_wait3A_212, %dma_wait3A_214, %dma_wait3A_215] : memref<3x128x64xf32, #tpu.memory_space<vmem>> -> memref<1x128x64xf32, #tpu.memory_space<vmem>>
          %dma_wait3A_217 = tpu.memref_squeeze %dma_wait3A_216 : memref<1x128x64xf32, #tpu.memory_space<vmem>> -> memref<128x64xf32, #tpu.memory_space<vmem>>
          %dma_wait3A_218 = arith.constant 0 : i32
          %dma_wait3A_219 = tpu.memref_slice %arg8[%dma_wait3A_213, %dma_wait3A_218] : memref<80x128xi32, #tpu.memory_space<vmem>> -> memref<1x128xi32, #tpu.memory_space<vmem>>
          %dma_wait3A_220 = tpu.memref_squeeze %dma_wait3A_219 : memref<1x128xi32, #tpu.memory_space<vmem>> -> memref<128xi32, #tpu.memory_space<vmem>>
          %dma_wait3A_221 = arith.constant 0 : i32
          %dma_wait3A_222 = arith.constant 0 : i32
          %dma_wait3A_223 = tpu.memref_slice %arg10[%dma_wait3A_221, %dma_wait3A_222] : memref<10240x64xf32, #tpu.memory_space<vmem_shared>> -> memref<10240x64xf32, #tpu.memory_space<vmem_shared>>
          tpu.wait_indirect_dma semaphore(%arg12 : memref<!tpu.dma_semaphore, #tpu.memory_space<semaphore_mem>>) src(%dma_wait3A_217 : memref<128x64xf32, #tpu.memory_space<vmem>>) dst(%dma_wait3A_223 : memref<10240x64xf32, #tpu.memory_space<vmem_shared>>)
        } else {
        }
        %add3A_192 = arith.constant 2 : i32
        %add3A_193 = arith.addi %scan3A_158, %add3A_192 : i32
        %add3A_194 = arith.constant 2 : i32
        %add3A_195 = arith.addi %scan3A_158, %add3A_194 : i32
        %rem3A_196 = arith.constant 3 : i32
        %rem3A_197 = arith.remsi %add3A_195, %rem3A_196 : i32
        %dma_start3A_198 = arith.constant 0 : i32
        %dma_start3A_199 = arith.constant 0 : i32
        %dma_start3A_200 = tpu.memref_slice %arg9[%rem3A_197, %dma_start3A_198, %dma_start3A_199] : memref<3x128x64xf32, #tpu.memory_space<vmem>> -> memref<1x128x64xf32, #tpu.memory_space<vmem>>
        %dma_start3A_201 = tpu.memref_squeeze %dma_start3A_200 : memref<1x128x64xf32, #tpu.memory_space<vmem>> -> memref<128x64xf32, #tpu.memory_space<vmem>>
        %dma_start3A_202 = arith.constant 0 : i32
        %dma_start3A_203 = tpu.memref_slice %arg7[%add3A_193, %dma_start3A_202] : memref<80x128xi32, #tpu.memory_space<vmem>> -> memref<1x128xi32, #tpu.memory_space<vmem>>
        %dma_start3A_204 = tpu.memref_squeeze %dma_start3A_203 : memref<1x128xi32, #tpu.memory_space<vmem>> -> memref<128xi32, #tpu.memory_space<vmem>>
        %dma_start3A_205 = arith.constant 0 : i32
        %dma_start3A_206 = arith.constant 0 : i32
        %dma_start3A_207 = tpu.memref_slice %arg2[%arg0, %dma_start3A_205, %dma_start3A_206] : memref<2x10000x64xf32, #tpu.memory_space<hbm>> -> memref<1x10000x64xf32, #tpu.memory_space<hbm>>
        %dma_start3A_208 = tpu.memref_squeeze %dma_start3A_207 : memref<1x10000x64xf32, #tpu.memory_space<hbm>> -> memref<10000x64xf32, #tpu.memory_space<hbm>>
        %dma_start3A_209 = arith.constant 0 : i32
        %dma_start3A_210 = arith.constant 0 : i32
        %dma_start3A_211 = tpu.memref_slice %dma_start3A_208[%dma_start3A_209, %dma_start3A_210] : memref<10000x64xf32, #tpu.memory_space<hbm>> -> memref<10000x64xf32, #tpu.memory_space<hbm>>
        tpu.enqueue_indirect_dma source(%dma_start3A_211 : memref<10000x64xf32, #tpu.memory_space<hbm>>) target(%dma_start3A_201 : memref<128x64xf32, #tpu.memory_space<vmem>>) offsets(%dma_start3A_204 : memref<128xi32, #tpu.memory_space<vmem>>) semaphore(%arg11 : memref<!tpu.dma_semaphore, #tpu.memory_space<semaphore_mem>>)
      } else {
      }
    }
    %scan3A_39 = arith.constant 80 : i32
    %dma_wait3A = arith.constant 0 : i32
    %dma_wait3A_40 = arith.constant 0 : i32
    %dma_wait3A_41 = arith.constant 0 : i32
    %dma_wait3A_42 = arith.constant 0 : i32
    %dma_wait3A_43 = tpu.memref_slice %arg9[%dma_wait3A, %dma_wait3A_41, %dma_wait3A_42] : memref<3x128x64xf32, #tpu.memory_space<vmem>> -> memref<1x128x64xf32, #tpu.memory_space<vmem>>
    %dma_wait3A_44 = tpu.memref_squeeze %dma_wait3A_43 : memref<1x128x64xf32, #tpu.memory_space<vmem>> -> memref<128x64xf32, #tpu.memory_space<vmem>>
    %dma_wait3A_45 = arith.constant 0 : i32
    %dma_wait3A_46 = tpu.memref_slice %arg8[%dma_wait3A_40, %dma_wait3A_45] : memref<80x128xi32, #tpu.memory_space<vmem>> -> memref<1x128xi32, #tpu.memory_space<vmem>>
    %dma_wait3A_47 = tpu.memref_squeeze %dma_wait3A_46 : memref<1x128xi32, #tpu.memory_space<vmem>> -> memref<128xi32, #tpu.memory_space<vmem>>
    %dma_wait3A_48 = arith.constant 0 : i32
    %dma_wait3A_49 = arith.constant 0 : i32
    %dma_wait3A_50 = tpu.memref_slice %arg10[%dma_wait3A_48, %dma_wait3A_49] : memref<10240x64xf32, #tpu.memory_space<vmem_shared>> -> memref<10240x64xf32, #tpu.memory_space<vmem_shared>>
    tpu.wait_indirect_dma semaphore(%arg12 : memref<!tpu.dma_semaphore, #tpu.memory_space<semaphore_mem>>) src(%dma_wait3A_44 : memref<128x64xf32, #tpu.memory_space<vmem>>) dst(%dma_wait3A_50 : memref<10240x64xf32, #tpu.memory_space<vmem_shared>>)
    %dma_wait3A_51 = arith.constant 0 : i32
    %dma_wait3A_52 = arith.constant 0 : i32
    %dma_wait3A_53 = arith.constant 0 : i32
    %dma_wait3A_54 = arith.constant 0 : i32
    %dma_wait3A_55 = tpu.memref_slice %arg9[%dma_wait3A_51, %dma_wait3A_53, %dma_wait3A_54] : memref<3x128x64xf32, #tpu.memory_space<vmem>> -> memref<1x128x64xf32, #tpu.memory_space<vmem>>
    %dma_wait3A_56 = tpu.memref_squeeze %dma_wait3A_55 : memref<1x128x64xf32, #tpu.memory_space<vmem>> -> memref<128x64xf32, #tpu.memory_space<vmem>>
    %dma_wait3A_57 = arith.constant 0 : i32
    %dma_wait3A_58 = tpu.memref_slice %arg8[%dma_wait3A_52, %dma_wait3A_57] : memref<80x128xi32, #tpu.memory_space<vmem>> -> memref<1x128xi32, #tpu.memory_space<vmem>>
    %dma_wait3A_59 = tpu.memref_squeeze %dma_wait3A_58 : memref<1x128xi32, #tpu.memory_space<vmem>> -> memref<128xi32, #tpu.memory_space<vmem>>
    %dma_wait3A_60 = arith.constant 0 : i32
    %dma_wait3A_61 = arith.constant 0 : i32
    %dma_wait3A_62 = tpu.memref_slice %arg10[%dma_wait3A_60, %dma_wait3A_61] : memref<10240x64xf32, #tpu.memory_space<vmem_shared>> -> memref<10240x64xf32, #tpu.memory_space<vmem_shared>>
    tpu.wait_indirect_dma semaphore(%arg12 : memref<!tpu.dma_semaphore, #tpu.memory_space<semaphore_mem>>) src(%dma_wait3A_56 : memref<128x64xf32, #tpu.memory_space<vmem>>) dst(%dma_wait3A_62 : memref<10240x64xf32, #tpu.memory_space<vmem_shared>>)
    %dma_wait3A_63 = arith.constant 0 : i32
    %dma_wait3A_64 = arith.constant 0 : i32
    %dma_wait3A_65 = arith.constant 0 : i32
    %dma_wait3A_66 = arith.constant 0 : i32
    %dma_wait3A_67 = tpu.memref_slice %arg9[%dma_wait3A_63, %dma_wait3A_65, %dma_wait3A_66] : memref<3x128x64xf32, #tpu.memory_space<vmem>> -> memref<1x128x64xf32, #tpu.memory_space<vmem>>
    %dma_wait3A_68 = tpu.memref_squeeze %dma_wait3A_67 : memref<1x128x64xf32, #tpu.memory_space<vmem>> -> memref<128x64xf32, #tpu.memory_space<vmem>>
    %dma_wait3A_69 = arith.constant 0 : i32
    %dma_wait3A_70 = tpu.memref_slice %arg8[%dma_wait3A_64, %dma_wait3A_69] : memref<80x128xi32, #tpu.memory_space<vmem>> -> memref<1x128xi32, #tpu.memory_space<vmem>>
    %dma_wait3A_71 = tpu.memref_squeeze %dma_wait3A_70 : memref<1x128xi32, #tpu.memory_space<vmem>> -> memref<128xi32, #tpu.memory_space<vmem>>
    %dma_wait3A_72 = arith.constant 0 : i32
    %dma_wait3A_73 = arith.constant 0 : i32
    %dma_wait3A_74 = tpu.memref_slice %arg10[%dma_wait3A_72, %dma_wait3A_73] : memref<10240x64xf32, #tpu.memory_space<vmem_shared>> -> memref<10240x64xf32, #tpu.memory_space<vmem_shared>>
    tpu.wait_indirect_dma semaphore(%arg12 : memref<!tpu.dma_semaphore, #tpu.memory_space<semaphore_mem>>) src(%dma_wait3A_68 : memref<128x64xf32, #tpu.memory_space<vmem>>) dst(%dma_wait3A_74 : memref<10240x64xf32, #tpu.memory_space<vmem_shared>>)
    %mul3A_75 = arith.constant 160 : i32
    %mul3A_76 = arith.muli %arg1, %mul3A_75 : i32
    %add3A_77 = arith.constant 80 : i32
    %add3A_78 = arith.addi %mul3A_76, %add3A_77 : i32
    "tpu.region"() ({
      %run_scoped3A = tpu.sem_alloc : memref<!tpu.dma_semaphore, #tpu.memory_space<semaphore_mem>>
      %dma_start3A_158 = arith.constant 0 : i32
      %dma_start3A_159 = tpu.memref_slice %arg3[%add3A_78, %dma_start3A_158] : memref<2560x128xi32, #tpu.memory_space<hbm>> -> memref<80x128xi32, #tpu.memory_space<hbm>>
      %dma_start3A_160 = arith.constant 0 : i32
      %dma_start3A_161 = tpu.memref_slice %arg3[%add3A_78, %dma_start3A_160] : memref<2560x128xi32, #tpu.memory_space<hbm>> -> memref<80x128xi32, #tpu.memory_space<hbm>>
      tpu.enqueue_dma source(%dma_start3A_161 : memref<80x128xi32, #tpu.memory_space<hbm>>) target(%arg7 : memref<80x128xi32, #tpu.memory_space<vmem>>) target_semaphore(%run_scoped3A : memref<!tpu.dma_semaphore, #tpu.memory_space<semaphore_mem>>)
      %dma_wait3A_162 = arith.constant 0 : i32
      %dma_wait3A_163 = tpu.memref_slice %arg3[%add3A_78, %dma_wait3A_162] : memref<2560x128xi32, #tpu.memory_space<hbm>> -> memref<80x128xi32, #tpu.memory_space<hbm>>
      %dma_wait3A_164 = arith.constant 0 : i32
      %dma_wait3A_165 = tpu.memref_slice %arg3[%add3A_78, %dma_wait3A_164] : memref<2560x128xi32, #tpu.memory_space<hbm>> -> memref<80x128xi32, #tpu.memory_space<hbm>>
      tpu.wait_dma2 semaphore(%run_scoped3A : memref<!tpu.dma_semaphore, #tpu.memory_space<semaphore_mem>>) src(%dma_wait3A_165 : memref<80x128xi32, #tpu.memory_space<hbm>>) dst(%arg7 : memref<80x128xi32, #tpu.memory_space<vmem>>)
      tpu.yield
    }) : () -> ()
    "tpu.region"() ({
      %run_scoped3A = tpu.sem_alloc : memref<!tpu.dma_semaphore, #tpu.memory_space<semaphore_mem>>
      %dma_start3A_158 = arith.constant 0 : i32
      %dma_start3A_159 = tpu.memref_slice %arg4[%add3A_78, %dma_start3A_158] : memref<2560x128xi32, #tpu.memory_space<hbm>> -> memref<80x128xi32, #tpu.memory_space<hbm>>
      %dma_start3A_160 = arith.constant 0 : i32
      %dma_start3A_161 = tpu.memref_slice %arg4[%add3A_78, %dma_start3A_160] : memref<2560x128xi32, #tpu.memory_space<hbm>> -> memref<80x128xi32, #tpu.memory_space<hbm>>
      tpu.enqueue_dma source(%dma_start3A_161 : memref<80x128xi32, #tpu.memory_space<hbm>>) target(%arg8 : memref<80x128xi32, #tpu.memory_space<vmem>>) target_semaphore(%run_scoped3A : memref<!tpu.dma_semaphore, #tpu.memory_space<semaphore_mem>>)
      %dma_wait3A_162 = arith.constant 0 : i32
      %dma_wait3A_163 = tpu.memref_slice %arg4[%add3A_78, %dma_wait3A_162] : memref<2560x128xi32, #tpu.memory_space<hbm>> -> memref<80x128xi32, #tpu.memory_space<hbm>>
      %dma_wait3A_164 = arith.constant 0 : i32
      %dma_wait3A_165 = tpu.memref_slice %arg4[%add3A_78, %dma_wait3A_164] : memref<2560x128xi32, #tpu.memory_space<hbm>> -> memref<80x128xi32, #tpu.memory_space<hbm>>
      tpu.wait_dma2 semaphore(%run_scoped3A : memref<!tpu.dma_semaphore, #tpu.memory_space<semaphore_mem>>) src(%dma_wait3A_165 : memref<80x128xi32, #tpu.memory_space<hbm>>) dst(%arg8 : memref<80x128xi32, #tpu.memory_space<vmem>>)
      tpu.yield
    }) : () -> ()
    %dma_start3A_79 = arith.constant 0 : i32
    %dma_start3A_80 = arith.constant 0 : i32
    %dma_start3A_81 = arith.constant 0 : i32
    %dma_start3A_82 = arith.constant 0 : i32
    %dma_start3A_83 = tpu.memref_slice %arg9[%dma_start3A_80, %dma_start3A_81, %dma_start3A_82] : memref<3x128x64xf32, #tpu.memory_space<vmem>> -> memref<1x128x64xf32, #tpu.memory_space<vmem>>
    %dma_start3A_84 = tpu.memref_squeeze %dma_start3A_83 : memref<1x128x64xf32, #tpu.memory_space<vmem>> -> memref<128x64xf32, #tpu.memory_space<vmem>>
    %dma_start3A_85 = arith.constant 0 : i32
    %dma_start3A_86 = tpu.memref_slice %arg7[%dma_start3A_79, %dma_start3A_85] : memref<80x128xi32, #tpu.memory_space<vmem>> -> memref<1x128xi32, #tpu.memory_space<vmem>>
    %dma_start3A_87 = tpu.memref_squeeze %dma_start3A_86 : memref<1x128xi32, #tpu.memory_space<vmem>> -> memref<128xi32, #tpu.memory_space<vmem>>
    %dma_start3A_88 = arith.constant 0 : i32
    %dma_start3A_89 = arith.constant 0 : i32
    %dma_start3A_90 = tpu.memref_slice %arg2[%arg0, %dma_start3A_88, %dma_start3A_89] : memref<2x10000x64xf32, #tpu.memory_space<hbm>> -> memref<1x10000x64xf32, #tpu.memory_space<hbm>>
    %dma_start3A_91 = tpu.memref_squeeze %dma_start3A_90 : memref<1x10000x64xf32, #tpu.memory_space<hbm>> -> memref<10000x64xf32, #tpu.memory_space<hbm>>
    %dma_start3A_92 = arith.constant 0 : i32
    %dma_start3A_93 = arith.constant 0 : i32
    %dma_start3A_94 = tpu.memref_slice %dma_start3A_91[%dma_start3A_92, %dma_start3A_93] : memref<10000x64xf32, #tpu.memory_space<hbm>> -> memref<10000x64xf32, #tpu.memory_space<hbm>>
    tpu.enqueue_indirect_dma source(%dma_start3A_94 : memref<10000x64xf32, #tpu.memory_space<hbm>>) target(%dma_start3A_84 : memref<128x64xf32, #tpu.memory_space<vmem>>) offsets(%dma_start3A_87 : memref<128xi32, #tpu.memory_space<vmem>>) semaphore(%arg11 : memref<!tpu.dma_semaphore, #tpu.memory_space<semaphore_mem>>)
    %dma_start3A_95 = arith.constant 1 : i32
    %dma_start3A_96 = arith.constant 1 : i32
    %dma_start3A_97 = arith.constant 0 : i32
    %dma_start3A_98 = arith.constant 0 : i32
    %dma_start3A_99 = tpu.memref_slice %arg9[%dma_start3A_96, %dma_start3A_97, %dma_start3A_98] : memref<3x128x64xf32, #tpu.memory_space<vmem>> -> memref<1x128x64xf32, #tpu.memory_space<vmem>>
    %dma_start3A_100 = tpu.memref_squeeze %dma_start3A_99 : memref<1x128x64xf32, #tpu.memory_space<vmem>> -> memref<128x64xf32, #tpu.memory_space<vmem>>
    %dma_start3A_101 = arith.constant 0 : i32
    %dma_start3A_102 = tpu.memref_slice %arg7[%dma_start3A_95, %dma_start3A_101] : memref<80x128xi32, #tpu.memory_space<vmem>> -> memref<1x128xi32, #tpu.memory_space<vmem>>
    %dma_start3A_103 = tpu.memref_squeeze %dma_start3A_102 : memref<1x128xi32, #tpu.memory_space<vmem>> -> memref<128xi32, #tpu.memory_space<vmem>>
    %dma_start3A_104 = arith.constant 0 : i32
    %dma_start3A_105 = arith.constant 0 : i32
    %dma_start3A_106 = tpu.memref_slice %arg2[%arg0, %dma_start3A_104, %dma_start3A_105] : memref<2x10000x64xf32, #tpu.memory_space<hbm>> -> memref<1x10000x64xf32, #tpu.memory_space<hbm>>
    %dma_start3A_107 = tpu.memref_squeeze %dma_start3A_106 : memref<1x10000x64xf32, #tpu.memory_space<hbm>> -> memref<10000x64xf32, #tpu.memory_space<hbm>>
    %dma_start3A_108 = arith.constant 0 : i32
    %dma_start3A_109 = arith.constant 0 : i32
    %dma_start3A_110 = tpu.memref_slice %dma_start3A_107[%dma_start3A_108, %dma_start3A_109] : memref<10000x64xf32, #tpu.memory_space<hbm>> -> memref<10000x64xf32, #tpu.memory_space<hbm>>
    tpu.enqueue_indirect_dma source(%dma_start3A_110 : memref<10000x64xf32, #tpu.memory_space<hbm>>) target(%dma_start3A_100 : memref<128x64xf32, #tpu.memory_space<vmem>>) offsets(%dma_start3A_103 : memref<128xi32, #tpu.memory_space<vmem>>) semaphore(%arg11 : memref<!tpu.dma_semaphore, #tpu.memory_space<semaphore_mem>>)
    %scan3A_111 = arith.constant 0 : i32
    %scan3A_112 = arith.constant 0 : i32
    %scan3A_113 = arith.constant 80 : i32
    %scan3A_114 = arith.addi %scan3A_112, %scan3A_113 : i32
    %scan3A_115 = arith.constant 1 : i32
    scf.for %scan3A_158 = %scan3A_112 to %scan3A_114 step %scan3A_115  : i32 {
      %rem3A = arith.constant 3 : i32
      %rem3A_159 = arith.remsi %scan3A_158, %rem3A : i32
      %dma_wait3A_160 = arith.constant 0 : i32
      %dma_wait3A_161 = arith.constant 0 : i32
      %dma_wait3A_162 = tpu.memref_slice %arg9[%rem3A_159, %dma_wait3A_160, %dma_wait3A_161] : memref<3x128x64xf32, #tpu.memory_space<vmem>> -> memref<1x128x64xf32, #tpu.memory_space<vmem>>
      %dma_wait3A_163 = tpu.memref_squeeze %dma_wait3A_162 : memref<1x128x64xf32, #tpu.memory_space<vmem>> -> memref<128x64xf32, #tpu.memory_space<vmem>>
      %dma_wait3A_164 = arith.constant 0 : i32
      %dma_wait3A_165 = tpu.memref_slice %arg7[%scan3A_158, %dma_wait3A_164] : memref<80x128xi32, #tpu.memory_space<vmem>> -> memref<1x128xi32, #tpu.memory_space<vmem>>
      %dma_wait3A_166 = tpu.memref_squeeze %dma_wait3A_165 : memref<1x128xi32, #tpu.memory_space<vmem>> -> memref<128xi32, #tpu.memory_space<vmem>>
      %dma_wait3A_167 = arith.constant 0 : i32
      %dma_wait3A_168 = arith.constant 0 : i32
      %dma_wait3A_169 = tpu.memref_slice %arg2[%arg0, %dma_wait3A_167, %dma_wait3A_168] : memref<2x10000x64xf32, #tpu.memory_space<hbm>> -> memref<1x10000x64xf32, #tpu.memory_space<hbm>>
      %dma_wait3A_170 = tpu.memref_squeeze %dma_wait3A_169 : memref<1x10000x64xf32, #tpu.memory_space<hbm>> -> memref<10000x64xf32, #tpu.memory_space<hbm>>
      %dma_wait3A_171 = arith.constant 0 : i32
      %dma_wait3A_172 = arith.constant 0 : i32
      %dma_wait3A_173 = tpu.memref_slice %dma_wait3A_170[%dma_wait3A_171, %dma_wait3A_172] : memref<10000x64xf32, #tpu.memory_space<hbm>> -> memref<10000x64xf32, #tpu.memory_space<hbm>>
      tpu.wait_indirect_dma semaphore(%arg11 : memref<!tpu.dma_semaphore, #tpu.memory_space<semaphore_mem>>) src(%dma_wait3A_173 : memref<10000x64xf32, #tpu.memory_space<hbm>>) dst(%dma_wait3A_163 : memref<128x64xf32, #tpu.memory_space<vmem>>)
      %dma_start3A_174 = arith.constant 0 : i32
      %dma_start3A_175 = arith.constant 0 : i32
      %dma_start3A_176 = tpu.memref_slice %arg9[%rem3A_159, %dma_start3A_174, %dma_start3A_175] : memref<3x128x64xf32, #tpu.memory_space<vmem>> -> memref<1x128x64xf32, #tpu.memory_space<vmem>>
      %dma_start3A_177 = tpu.memref_squeeze %dma_start3A_176 : memref<1x128x64xf32, #tpu.memory_space<vmem>> -> memref<128x64xf32, #tpu.memory_space<vmem>>
      %dma_start3A_178 = arith.constant 0 : i32
      %dma_start3A_179 = tpu.memref_slice %arg8[%scan3A_158, %dma_start3A_178] : memref<80x128xi32, #tpu.memory_space<vmem>> -> memref<1x128xi32, #tpu.memory_space<vmem>>
      %dma_start3A_180 = tpu.memref_squeeze %dma_start3A_179 : memref<1x128xi32, #tpu.memory_space<vmem>> -> memref<128xi32, #tpu.memory_space<vmem>>
      %dma_start3A_181 = arith.constant 0 : i32
      %dma_start3A_182 = arith.constant 0 : i32
      %dma_start3A_183 = tpu.memref_slice %arg10[%dma_start3A_181, %dma_start3A_182] : memref<10240x64xf32, #tpu.memory_space<vmem_shared>> -> memref<10240x64xf32, #tpu.memory_space<vmem_shared>>
      tpu.enqueue_indirect_dma source(%dma_start3A_177 : memref<128x64xf32, #tpu.memory_space<vmem>>) target(%dma_start3A_183 : memref<10240x64xf32, #tpu.memory_space<vmem_shared>>) offsets(%dma_start3A_180 : memref<128xi32, #tpu.memory_space<vmem>>) semaphore(%arg12 : memref<!tpu.dma_semaphore, #tpu.memory_space<semaphore_mem>>) {add = true}
      %add3A_184 = arith.constant 2 : i32
      %add3A_185 = arith.addi %scan3A_158, %add3A_184 : i32
      %lt3A = arith.constant 80 : i32
      %lt3A_186 = arith.cmpi slt, %add3A_185, %lt3A : i32
      %convert_element_type3A = arith.extui %lt3A_186 : i1 to i32
      %cond3A = arith.constant 0 : i32
      %cond3A_187 = arith.cmpi ne, %convert_element_type3A, %cond3A : i32
      scf.if %cond3A_187 {
        %ge3A = arith.constant 1 : i32
        %ge3A_188 = arith.cmpi sge, %scan3A_158, %ge3A : i32
        %convert_element_type3A_189 = arith.extui %ge3A_188 : i1 to i32
        %cond3A_190 = arith.constant 0 : i32
        %cond3A_191 = arith.cmpi ne, %convert_element_type3A_189, %cond3A_190 : i32
        scf.if %cond3A_191 {
          %dma_wait3A_212 = arith.constant 0 : i32
          %dma_wait3A_213 = arith.constant 0 : i32
          %dma_wait3A_214 = arith.constant 0 : i32
          %dma_wait3A_215 = arith.constant 0 : i32
          %dma_wait3A_216 = tpu.memref_slice %arg9[%dma_wait3A_212, %dma_wait3A_214, %dma_wait3A_215] : memref<3x128x64xf32, #tpu.memory_space<vmem>> -> memref<1x128x64xf32, #tpu.memory_space<vmem>>
          %dma_wait3A_217 = tpu.memref_squeeze %dma_wait3A_216 : memref<1x128x64xf32, #tpu.memory_space<vmem>> -> memref<128x64xf32, #tpu.memory_space<vmem>>
          %dma_wait3A_218 = arith.constant 0 : i32
          %dma_wait3A_219 = tpu.memref_slice %arg8[%dma_wait3A_213, %dma_wait3A_218] : memref<80x128xi32, #tpu.memory_space<vmem>> -> memref<1x128xi32, #tpu.memory_space<vmem>>
          %dma_wait3A_220 = tpu.memref_squeeze %dma_wait3A_219 : memref<1x128xi32, #tpu.memory_space<vmem>> -> memref<128xi32, #tpu.memory_space<vmem>>
          %dma_wait3A_221 = arith.constant 0 : i32
          %dma_wait3A_222 = arith.constant 0 : i32
          %dma_wait3A_223 = tpu.memref_slice %arg10[%dma_wait3A_221, %dma_wait3A_222] : memref<10240x64xf32, #tpu.memory_space<vmem_shared>> -> memref<10240x64xf32, #tpu.memory_space<vmem_shared>>
          tpu.wait_indirect_dma semaphore(%arg12 : memref<!tpu.dma_semaphore, #tpu.memory_space<semaphore_mem>>) src(%dma_wait3A_217 : memref<128x64xf32, #tpu.memory_space<vmem>>) dst(%dma_wait3A_223 : memref<10240x64xf32, #tpu.memory_space<vmem_shared>>)
        } else {
        }
        %add3A_192 = arith.constant 2 : i32
        %add3A_193 = arith.addi %scan3A_158, %add3A_192 : i32
        %add3A_194 = arith.constant 2 : i32
        %add3A_195 = arith.addi %scan3A_158, %add3A_194 : i32
        %rem3A_196 = arith.constant 3 : i32
        %rem3A_197 = arith.remsi %add3A_195, %rem3A_196 : i32
        %dma_start3A_198 = arith.constant 0 : i32
        %dma_start3A_199 = arith.constant 0 : i32
        %dma_start3A_200 = tpu.memref_slice %arg9[%rem3A_197, %dma_start3A_198, %dma_start3A_199] : memref<3x128x64xf32, #tpu.memory_space<vmem>> -> memref<1x128x64xf32, #tpu.memory_space<vmem>>
        %dma_start3A_201 = tpu.memref_squeeze %dma_start3A_200 : memref<1x128x64xf32, #tpu.memory_space<vmem>> -> memref<128x64xf32, #tpu.memory_space<vmem>>
        %dma_start3A_202 = arith.constant 0 : i32
        %dma_start3A_203 = tpu.memref_slice %arg7[%add3A_193, %dma_start3A_202] : memref<80x128xi32, #tpu.memory_space<vmem>> -> memref<1x128xi32, #tpu.memory_space<vmem>>
        %dma_start3A_204 = tpu.memref_squeeze %dma_start3A_203 : memref<1x128xi32, #tpu.memory_space<vmem>> -> memref<128xi32, #tpu.memory_space<vmem>>
        %dma_start3A_205 = arith.constant 0 : i32
        %dma_start3A_206 = arith.constant 0 : i32
        %dma_start3A_207 = tpu.memref_slice %arg2[%arg0, %dma_start3A_205, %dma_start3A_206] : memref<2x10000x64xf32, #tpu.memory_space<hbm>> -> memref<1x10000x64xf32, #tpu.memory_space<hbm>>
        %dma_start3A_208 = tpu.memref_squeeze %dma_start3A_207 : memref<1x10000x64xf32, #tpu.memory_space<hbm>> -> memref<10000x64xf32, #tpu.memory_space<hbm>>
        %dma_start3A_209 = arith.constant 0 : i32
        %dma_start3A_210 = arith.constant 0 : i32
        %dma_start3A_211 = tpu.memref_slice %dma_start3A_208[%dma_start3A_209, %dma_start3A_210] : memref<10000x64xf32, #tpu.memory_space<hbm>> -> memref<10000x64xf32, #tpu.memory_space<hbm>>
        tpu.enqueue_indirect_dma source(%dma_start3A_211 : memref<10000x64xf32, #tpu.memory_space<hbm>>) target(%dma_start3A_201 : memref<128x64xf32, #tpu.memory_space<vmem>>) offsets(%dma_start3A_204 : memref<128xi32, #tpu.memory_space<vmem>>) semaphore(%arg11 : memref<!tpu.dma_semaphore, #tpu.memory_space<semaphore_mem>>)
      } else {
      }
    }
    %scan3A_116 = arith.constant 80 : i32
    %dma_wait3A_117 = arith.constant 0 : i32
    %dma_wait3A_118 = arith.constant 0 : i32
    %dma_wait3A_119 = arith.constant 0 : i32
    %dma_wait3A_120 = arith.constant 0 : i32
    %dma_wait3A_121 = tpu.memref_slice %arg9[%dma_wait3A_117, %dma_wait3A_119, %dma_wait3A_120] : memref<3x128x64xf32, #tpu.memory_space<vmem>> -> memref<1x128x64xf32, #tpu.memory_space<vmem>>
    %dma_wait3A_122 = tpu.memref_squeeze %dma_wait3A_121 : memref<1x128x64xf32, #tpu.memory_space<vmem>> -> memref<128x64xf32, #tpu.memory_space<vmem>>
    %dma_wait3A_123 = arith.constant 0 : i32
    %dma_wait3A_124 = tpu.memref_slice %arg8[%dma_wait3A_118, %dma_wait3A_123] : memref<80x128xi32, #tpu.memory_space<vmem>> -> memref<1x128xi32, #tpu.memory_space<vmem>>
    %dma_wait3A_125 = tpu.memref_squeeze %dma_wait3A_124 : memref<1x128xi32, #tpu.memory_space<vmem>> -> memref<128xi32, #tpu.memory_space<vmem>>
    %dma_wait3A_126 = arith.constant 0 : i32
    %dma_wait3A_127 = arith.constant 0 : i32
    %dma_wait3A_128 = tpu.memref_slice %arg10[%dma_wait3A_126, %dma_wait3A_127] : memref<10240x64xf32, #tpu.memory_space<vmem_shared>> -> memref<10240x64xf32, #tpu.memory_space<vmem_shared>>
    tpu.wait_indirect_dma semaphore(%arg12 : memref<!tpu.dma_semaphore, #tpu.memory_space<semaphore_mem>>) src(%dma_wait3A_122 : memref<128x64xf32, #tpu.memory_space<vmem>>) dst(%dma_wait3A_128 : memref<10240x64xf32, #tpu.memory_space<vmem_shared>>)
    %dma_wait3A_129 = arith.constant 0 : i32
    %dma_wait3A_130 = arith.constant 0 : i32
    %dma_wait3A_131 = arith.constant 0 : i32
    %dma_wait3A_132 = arith.constant 0 : i32
    %dma_wait3A_133 = tpu.memref_slice %arg9[%dma_wait3A_129, %dma_wait3A_131, %dma_wait3A_132] : memref<3x128x64xf32, #tpu.memory_space<vmem>> -> memref<1x128x64xf32, #tpu.memory_space<vmem>>
    %dma_wait3A_134 = tpu.memref_squeeze %dma_wait3A_133 : memref<1x128x64xf32, #tpu.memory_space<vmem>> -> memref<128x64xf32, #tpu.memory_space<vmem>>
    %dma_wait3A_135 = arith.constant 0 : i32
    %dma_wait3A_136 = tpu.memref_slice %arg8[%dma_wait3A_130, %dma_wait3A_135] : memref<80x128xi32, #tpu.memory_space<vmem>> -> memref<1x128xi32, #tpu.memory_space<vmem>>
    %dma_wait3A_137 = tpu.memref_squeeze %dma_wait3A_136 : memref<1x128xi32, #tpu.memory_space<vmem>> -> memref<128xi32, #tpu.memory_space<vmem>>
    %dma_wait3A_138 = arith.constant 0 : i32
    %dma_wait3A_139 = arith.constant 0 : i32
    %dma_wait3A_140 = tpu.memref_slice %arg10[%dma_wait3A_138, %dma_wait3A_139] : memref<10240x64xf32, #tpu.memory_space<vmem_shared>> -> memref<10240x64xf32, #tpu.memory_space<vmem_shared>>
    tpu.wait_indirect_dma semaphore(%arg12 : memref<!tpu.dma_semaphore, #tpu.memory_space<semaphore_mem>>) src(%dma_wait3A_134 : memref<128x64xf32, #tpu.memory_space<vmem>>) dst(%dma_wait3A_140 : memref<10240x64xf32, #tpu.memory_space<vmem_shared>>)
    %dma_wait3A_141 = arith.constant 0 : i32
    %dma_wait3A_142 = arith.constant 0 : i32
    %dma_wait3A_143 = arith.constant 0 : i32
    %dma_wait3A_144 = arith.constant 0 : i32
    %dma_wait3A_145 = tpu.memref_slice %arg9[%dma_wait3A_141, %dma_wait3A_143, %dma_wait3A_144] : memref<3x128x64xf32, #tpu.memory_space<vmem>> -> memref<1x128x64xf32, #tpu.memory_space<vmem>>
    %dma_wait3A_146 = tpu.memref_squeeze %dma_wait3A_145 : memref<1x128x64xf32, #tpu.memory_space<vmem>> -> memref<128x64xf32, #tpu.memory_space<vmem>>
    %dma_wait3A_147 = arith.constant 0 : i32
    %dma_wait3A_148 = tpu.memref_slice %arg8[%dma_wait3A_142, %dma_wait3A_147] : memref<80x128xi32, #tpu.memory_space<vmem>> -> memref<1x128xi32, #tpu.memory_space<vmem>>
    %dma_wait3A_149 = tpu.memref_squeeze %dma_wait3A_148 : memref<1x128xi32, #tpu.memory_space<vmem>> -> memref<128xi32, #tpu.memory_space<vmem>>
    %dma_wait3A_150 = arith.constant 0 : i32
    %dma_wait3A_151 = arith.constant 0 : i32
    %dma_wait3A_152 = tpu.memref_slice %arg10[%dma_wait3A_150, %dma_wait3A_151] : memref<10240x64xf32, #tpu.memory_space<vmem_shared>> -> memref<10240x64xf32, #tpu.memory_space<vmem_shared>>
    tpu.wait_indirect_dma semaphore(%arg12 : memref<!tpu.dma_semaphore, #tpu.memory_space<semaphore_mem>>) src(%dma_wait3A_146 : memref<128x64xf32, #tpu.memory_space<vmem>>) dst(%dma_wait3A_152 : memref<10240x64xf32, #tpu.memory_space<vmem_shared>>)
    %barrier3A_153 = arith.constant 0 : index
    tpu.barrier barrier_id(%barrier3A_153)
    %mul3A_154 = arith.constant 640 : i32
    %mul3A_155 = arith.muli %arg1, %mul3A_154 : i32
    %mul3A_156 = arith.constant 640 : i32
    %mul3A_157 = arith.muli %arg1, %mul3A_156 : i32
    "tpu.region"() ({
      %run_scoped3A = tpu.sem_alloc : memref<!tpu.dma_semaphore, #tpu.memory_space<semaphore_mem>>
      %dma_start3A_158 = arith.constant 0 : i32
      %dma_start3A_159 = tpu.memref_slice %arg6[%arg0, %mul3A_157, %dma_start3A_158] : memref<2x10240x64xf32, #tpu.memory_space<hbm>> -> memref<1x640x64xf32, #tpu.memory_space<hbm>>
      %dma_start3A_160 = tpu.memref_squeeze %dma_start3A_159 : memref<1x640x64xf32, #tpu.memory_space<hbm>> -> memref<640x64xf32, #tpu.memory_space<hbm>>
      %dma_start3A_161 = arith.constant 0 : i32
      %dma_start3A_162 = tpu.memref_slice %arg10[%mul3A_155, %dma_start3A_161] : memref<10240x64xf32, #tpu.memory_space<vmem_shared>> -> memref<640x64xf32, #tpu.memory_space<vmem_shared>>
      tpu.enqueue_dma source(%dma_start3A_162 : memref<640x64xf32, #tpu.memory_space<vmem_shared>>) target(%dma_start3A_160 : memref<640x64xf32, #tpu.memory_space<hbm>>) target_semaphore(%run_scoped3A : memref<!tpu.dma_semaphore, #tpu.memory_space<semaphore_mem>>)
      %dma_wait3A_163 = arith.constant 0 : i32
      %dma_wait3A_164 = tpu.memref_slice %arg6[%arg0, %mul3A_157, %dma_wait3A_163] : memref<2x10240x64xf32, #tpu.memory_space<hbm>> -> memref<1x640x64xf32, #tpu.memory_space<hbm>>
      %dma_wait3A_165 = tpu.memref_squeeze %dma_wait3A_164 : memref<1x640x64xf32, #tpu.memory_space<hbm>> -> memref<640x64xf32, #tpu.memory_space<hbm>>
      %dma_wait3A_166 = arith.constant 0 : i32
      %dma_wait3A_167 = tpu.memref_slice %arg10[%mul3A_155, %dma_wait3A_166] : memref<10240x64xf32, #tpu.memory_space<vmem_shared>> -> memref<640x64xf32, #tpu.memory_space<vmem_shared>>
      tpu.wait_dma2 semaphore(%run_scoped3A : memref<!tpu.dma_semaphore, #tpu.memory_space<semaphore_mem>>) src(%dma_wait3A_167 : memref<640x64xf32, #tpu.memory_space<vmem_shared>>) dst(%dma_wait3A_165 : memref<640x64xf32, #tpu.memory_space<hbm>>)
      tpu.yield
    }) : () -> ()
    return
  }
}

module attributes {stable_mosaic.version = 14 : i64} {
  func.func @_tc_pre_body(%arg0: i32, %arg1: memref<1000x128xf32, #tpu.memory_space<vmem>>, %arg2: memref<1x2x1000xf32, #tpu.memory_space<vmem>>, %arg3: memref<64x128xf32, #tpu.memory_space<vmem>>, %arg4: memref<128x128xf32, #tpu.memory_space<vmem>>, %arg5: memref<1x128xf32, #tpu.memory_space<vmem>>, %arg6: memref<128x128xf32, #tpu.memory_space<vmem>>, %arg7: memref<1x128xf32, #tpu.memory_space<vmem>>, %arg8: memref<3x3x128x128xf32, #tpu.memory_space<vmem>>, %arg9: memref<3x1x128xf32, #tpu.memory_space<vmem>>, %arg10: memref<384x128xf32, #tpu.memory_space<vmem>>, %arg11: memref<1x128xf32, #tpu.memory_space<vmem>>, %arg12: memref<128x128xf32, #tpu.memory_space<vmem>>, %arg13: memref<1x128xf32, #tpu.memory_space<vmem>>, %arg14: memref<128x128xf32, #tpu.memory_space<vmem>>, %arg15: memref<1x128xf32, #tpu.memory_space<vmem>>, %arg16: memref<128x128xf32, #tpu.memory_space<vmem>>, %arg17: memref<1x128xf32, #tpu.memory_space<vmem>>, %arg18: memref<128x128xf32, #tpu.memory_space<vmem>>, %arg19: memref<1x128xf32, #tpu.memory_space<vmem>>, %arg20: memref<1000x128xf32, #tpu.memory_space<vmem>>, %arg21: memref<2x1000x64xf32, #tpu.memory_space<vmem>>, %arg22: memref<64x128xf32, #tpu.memory_space<vmem>>, %arg23: memref<64x128xf32, #tpu.memory_space<vmem>>, %arg24: memref<3x128x128xf32, #tpu.memory_space<vmem>>, %arg25: memref<1x128xf32, #tpu.memory_space<vmem>>) attributes {dimension_semantics = [#tpu.dimension_semantics<arbitrary>], iteration_bounds = array<i64: 10>, scalar_prefetch = 0 : i64, scratch_operands = 0 : i64, tpu.core_type = #tpu.core_type<tc>, window_params = [{transform_indices = @transform_0, window_bounds = array<i64: 1000, 128>}, {transform_indices = @transform_1, window_bounds = array<i64: 1, 2, 1000>}, {pipeline_mode = #tpu.pipeline_mode<synchronous>, transform_indices = @transform_2, window_bounds = array<i64: 64, 128>}, {pipeline_mode = #tpu.pipeline_mode<synchronous>, transform_indices = @transform_3, window_bounds = array<i64: 128, 128>}, {pipeline_mode = #tpu.pipeline_mode<synchronous>, transform_indices = @transform_4, window_bounds = array<i64: 1, 128>}, {pipeline_mode = #tpu.pipeline_mode<synchronous>, transform_indices = @transform_5, window_bounds = array<i64: 128, 128>}, {pipeline_mode = #tpu.pipeline_mode<synchronous>, transform_indices = @transform_6, window_bounds = array<i64: 1, 128>}, {pipeline_mode = #tpu.pipeline_mode<synchronous>, transform_indices = @transform_7, window_bounds = array<i64: 3, 3, 128, 128>}, {pipeline_mode = #tpu.pipeline_mode<synchronous>, transform_indices = @transform_8, window_bounds = array<i64: 3, 1, 128>}, {pipeline_mode = #tpu.pipeline_mode<synchronous>, transform_indices = @transform_9, window_bounds = array<i64: 384, 128>}, {pipeline_mode = #tpu.pipeline_mode<synchronous>, transform_indices = @transform_10, window_bounds = array<i64: 1, 128>}, {pipeline_mode = #tpu.pipeline_mode<synchronous>, transform_indices = @transform_11, window_bounds = array<i64: 128, 128>}, {pipeline_mode = #tpu.pipeline_mode<synchronous>, transform_indices = @transform_12, window_bounds = array<i64: 1, 128>}, {pipeline_mode = #tpu.pipeline_mode<synchronous>, transform_indices = @transform_13, window_bounds = array<i64: 128, 128>}, {pipeline_mode = #tpu.pipeline_mode<synchronous>, transform_indices = @transform_14, window_bounds = array<i64: 1, 128>}, {pipeline_mode = #tpu.pipeline_mode<synchronous>, transform_indices = @transform_15, window_bounds = array<i64: 128, 128>}, {pipeline_mode = #tpu.pipeline_mode<synchronous>, transform_indices = @transform_16, window_bounds = array<i64: 1, 128>}, {pipeline_mode = #tpu.pipeline_mode<synchronous>, transform_indices = @transform_17, window_bounds = array<i64: 128, 128>}, {pipeline_mode = #tpu.pipeline_mode<synchronous>, transform_indices = @transform_18, window_bounds = array<i64: 1, 128>}, {transform_indices = @transform_19, window_bounds = array<i64: 1000, 128>}, {transform_indices = @transform_20, window_bounds = array<i64: 2, 1000, 64>}, {pipeline_mode = #tpu.pipeline_mode<synchronous>, transform_indices = @transform_21, window_bounds = array<i64: 64, 128>}, {pipeline_mode = #tpu.pipeline_mode<synchronous>, transform_indices = @transform_22, window_bounds = array<i64: 64, 128>}, {pipeline_mode = #tpu.pipeline_mode<synchronous>, transform_indices = @transform_23, window_bounds = array<i64: 3, 128, 128>}, {pipeline_mode = #tpu.pipeline_mode<synchronous>, transform_indices = @transform_24, window_bounds = array<i64: 1, 128>}]} {
    %get3A = arith.constant 0 : index
    %get3A_0 = arith.constant 0 : index
    %get3A_1 = vector.load %arg1[%get3A, %get3A_0] : memref<1000x128xf32, #tpu.memory_space<vmem>>, vector<1000x128xf32>
    %get3A_2 = arith.constant 0 : index
    %get3A_3 = arith.constant 0 : index
    %get3A_4 = vector.load %arg4[%get3A_2, %get3A_3] : memref<128x128xf32, #tpu.memory_space<vmem>>, vector<128x128xf32>
    %dot_general3A = arith.constant dense<0.000000e+00> : vector<1000x128xf32>
    %dot_general3A_5 = tpu.matmul %get3A_1, %get3A_4, %dot_general3A {dimension_numbers = #tpu.dot_dimension_numbers<[1], [0], [0], [1], [0, 0, 1, 1], [], []>, transpose_lhs_hint = false} : vector<1000x128xf32>, vector<128x128xf32>, vector<1000x128xf32> -> vector<1000x128xf32>
    %get3A_6 = arith.constant 0 : index
    %get3A_7 = arith.constant 0 : index
    %get3A_8 = vector.load %arg5[%get3A_6, %get3A_7] : memref<1x128xf32, #tpu.memory_space<vmem>>, vector<1x128xf32>
    %add3A = vector.broadcast %get3A_8 : vector<1x128xf32> to vector<1000x128xf32>
    %add3A_9 = arith.addf %dot_general3A_5, %add3A : vector<1000x128xf32>
    %ge3A = arith.constant 0.000000e+00 : f32
    %ge3A_10 = vector.broadcast %ge3A : f32 to vector<1000x128xf32>
    %ge3A_11 = arith.cmpf oge, %add3A_9, %ge3A_10 : vector<1000x128xf32>
    %mul3A = arith.constant 0.00999999977 : f32
    %mul3A_12 = vector.broadcast %mul3A : f32 to vector<1000x128xf32>
    %mul3A_13 = arith.mulf %mul3A_12, %add3A_9 : vector<1000x128xf32>
    %select_n3A = arith.select %ge3A_11, %add3A_9, %mul3A_13 : vector<1000x128xi1>, vector<1000x128xf32>
    %get3A_14 = arith.constant 0 : index
    %get3A_15 = arith.constant 0 : index
    %get3A_16 = vector.load %arg6[%get3A_14, %get3A_15] : memref<128x128xf32, #tpu.memory_space<vmem>>, vector<128x128xf32>
    %dot_general3A_17 = arith.constant dense<0.000000e+00> : vector<1000x128xf32>
    %dot_general3A_18 = tpu.matmul %select_n3A, %get3A_16, %dot_general3A_17 {dimension_numbers = #tpu.dot_dimension_numbers<[1], [0], [0], [1], [0, 0, 1, 1], [], []>, transpose_lhs_hint = false} : vector<1000x128xf32>, vector<128x128xf32>, vector<1000x128xf32> -> vector<1000x128xf32>
    %get3A_19 = arith.constant 0 : index
    %get3A_20 = arith.constant 0 : index
    %get3A_21 = vector.load %arg7[%get3A_19, %get3A_20] : memref<1x128xf32, #tpu.memory_space<vmem>>, vector<1x128xf32>
    %add3A_22 = vector.broadcast %get3A_21 : vector<1x128xf32> to vector<1000x128xf32>
    %add3A_23 = arith.addf %dot_general3A_18, %add3A_22 : vector<1000x128xf32>
    %ge3A_24 = arith.constant 0.000000e+00 : f32
    %ge3A_25 = vector.broadcast %ge3A_24 : f32 to vector<1000x128xf32>
    %ge3A_26 = arith.cmpf oge, %add3A_23, %ge3A_25 : vector<1000x128xf32>
    %mul3A_27 = arith.constant 0.00999999977 : f32
    %mul3A_28 = vector.broadcast %mul3A_27 : f32 to vector<1000x128xf32>
    %mul3A_29 = arith.mulf %mul3A_28, %add3A_23 : vector<1000x128xf32>
    %select_n3A_30 = arith.select %ge3A_26, %add3A_23, %mul3A_29 : vector<1000x128xi1>, vector<1000x128xf32>
    %add3A_31 = arith.addf %select_n3A_30, %select_n3A : vector<1000x128xf32>
    %swap3A = arith.constant 0 : index
    %swap3A_32 = arith.constant 0 : index
    %swap3A_33 = vector.load %arg20[%swap3A, %swap3A_32] : memref<1000x128xf32, #tpu.memory_space<vmem>>, vector<1000x128xf32>
    tpu.vector_store %arg20[%swap3A, %swap3A_32], %add3A_31 {strides = array<i32>} : memref<1000x128xf32, #tpu.memory_space<vmem>>, vector<1000x128xf32>,
    %get3A_34 = arith.constant 0 : index
    %get3A_35 = arith.constant 0 : index
    %get3A_36 = arith.constant 0 : index
    %get3A_37 = vector.load %arg2[%get3A_34, %get3A_35, %get3A_36] : memref<1x2x1000xf32, #tpu.memory_space<vmem>>, vector<1x1x1000xf32>
    %get3A_38 = vector.shape_cast %get3A_37 : vector<1x1x1000xf32> to vector<1000xf32>
    %get3A_39 = arith.constant 0 : index
    %get3A_40 = arith.constant 1 : index
    %get3A_41 = arith.constant 0 : index
    %get3A_42 = vector.load %arg2[%get3A_39, %get3A_40, %get3A_41] : memref<1x2x1000xf32, #tpu.memory_space<vmem>>, vector<1x1x1000xf32>
    %get3A_43 = vector.shape_cast %get3A_42 : vector<1x1x1000xf32> to vector<1000xf32>
    %add3A_44 = arith.addf %get3A_38, %get3A_43 : vector<1000xf32>
    %gt3A = arith.constant 0.000000e+00 : f32
    %gt3A_45 = vector.broadcast %gt3A : f32 to vector<1000xf32>
    %gt3A_46 = arith.cmpf ogt, %add3A_44, %gt3A_45 : vector<1000xf32>
    %max3A = arith.constant 1.000000e+00 : f32
    %max3A_47 = vector.broadcast %max3A : f32 to vector<1000xf32>
    %max3A_48 = arith.maximumf %add3A_44, %max3A_47 : vector<1000xf32>
    %rsqrt3A = math.rsqrt %max3A_48 : vector<1000xf32>
    %jit3A = arith.constant 0.000000e+00 : f32
    %broadcast_in_dim3A = vector.broadcast %jit3A : f32 to vector<1000xf32>
    %select_n3A_49 = arith.select %gt3A_46, %rsqrt3A, %broadcast_in_dim3A : vector<1000xi1>, vector<1000xf32>
    %broadcast_in_dim3A_50 = vector.shape_cast %select_n3A_49 : vector<1000xf32> to vector<1000x1xf32>
    %mul3A_51 = vector.broadcast %broadcast_in_dim3A_50 : vector<1000x1xf32> to vector<1000x128xf32>
    %mul3A_52 = arith.mulf %add3A_31, %mul3A_51 : vector<1000x128xf32>
    %slice3A = vector.extract_strided_slice %mul3A_52 {offsets = [0, 0], sizes = [1000, 64], strides = [1, 1]} : vector<1000x128xf32> to vector<1000x64xf32>
    %swap3A_53 = arith.constant 0 : index
    %swap3A_54 = arith.constant 0 : index
    %swap3A_55 = arith.constant 0 : index
    %swap3A_56 = vector.load %arg21[%swap3A_53, %swap3A_54, %swap3A_55] : memref<2x1000x64xf32, #tpu.memory_space<vmem>>, vector<1x1000x64xf32>
    %swap3A_57 = vector.shape_cast %swap3A_56 : vector<1x1000x64xf32> to vector<1000x64xf32>
    %swap3A_58 = vector.shape_cast %slice3A : vector<1000x64xf32> to vector<1x1000x64xf32>
    tpu.vector_store %arg21[%swap3A_53, %swap3A_54, %swap3A_55], %swap3A_58 {strides = array<i32>} : memref<2x1000x64xf32, #tpu.memory_space<vmem>>, vector<1x1000x64xf32>,
    %slice3A_59 = vector.extract_strided_slice %mul3A_52 {offsets = [0, 64], sizes = [1000, 64], strides = [1, 1]} : vector<1000x128xf32> to vector<1000x64xf32>
    %swap3A_60 = arith.constant 1 : index
    %swap3A_61 = arith.constant 0 : index
    %swap3A_62 = arith.constant 0 : index
    %swap3A_63 = vector.load %arg21[%swap3A_60, %swap3A_61, %swap3A_62] : memref<2x1000x64xf32, #tpu.memory_space<vmem>>, vector<1x1000x64xf32>
    %swap3A_64 = vector.shape_cast %swap3A_63 : vector<1x1000x64xf32> to vector<1000x64xf32>
    %swap3A_65 = vector.shape_cast %slice3A_59 : vector<1000x64xf32> to vector<1x1000x64xf32>
    tpu.vector_store %arg21[%swap3A_60, %swap3A_61, %swap3A_62], %swap3A_65 {strides = array<i32>} : memref<2x1000x64xf32, #tpu.memory_space<vmem>>, vector<1x1000x64xf32>,
    %eq3A = arith.constant 0 : i32
    %eq3A_66 = arith.cmpi eq, %arg0, %eq3A : i32
    %convert_element_type3A = arith.extui %eq3A_66 : i1 to i32
    %cond3A = arith.constant 0 : i32
    %cond3A_67 = arith.cmpi ne, %convert_element_type3A, %cond3A : i32
    scf.if %cond3A_67 {
      %get3A_68 = arith.constant 0 : index
      %get3A_69 = arith.constant 0 : index
      %get3A_70 = vector.load %arg3[%get3A_68, %get3A_69] : memref<64x128xf32, #tpu.memory_space<vmem>>, vector<64x128xf32>
      %get3A_71 = arith.constant 0 : index
      %get3A_72 = arith.constant 0 : index
      %get3A_73 = vector.load %arg16[%get3A_71, %get3A_72] : memref<128x128xf32, #tpu.memory_space<vmem>>, vector<128x128xf32>
      %dot_general3A_74 = arith.constant dense<0.000000e+00> : vector<64x128xf32>
      %dot_general3A_75 = tpu.matmul %get3A_70, %get3A_73, %dot_general3A_74 {dimension_numbers = #tpu.dot_dimension_numbers<[1], [0], [0], [1], [0, 0, 1, 1], [], []>, transpose_lhs_hint = false} : vector<64x128xf32>, vector<128x128xf32>, vector<64x128xf32> -> vector<64x128xf32>
      %get3A_76 = arith.constant 0 : index
      %get3A_77 = arith.constant 0 : index
      %get3A_78 = vector.load %arg17[%get3A_76, %get3A_77] : memref<1x128xf32, #tpu.memory_space<vmem>>, vector<1x128xf32>
      %add3A_79 = vector.broadcast %get3A_78 : vector<1x128xf32> to vector<64x128xf32>
      %add3A_80 = arith.addf %dot_general3A_75, %add3A_79 : vector<64x128xf32>
      %ge3A_81 = arith.constant 0.000000e+00 : f32
      %ge3A_82 = vector.broadcast %ge3A_81 : f32 to vector<64x128xf32>
      %ge3A_83 = arith.cmpf oge, %add3A_80, %ge3A_82 : vector<64x128xf32>
      %mul3A_84 = arith.constant 0.00999999977 : f32
      %mul3A_85 = vector.broadcast %mul3A_84 : f32 to vector<64x128xf32>
      %mul3A_86 = arith.mulf %mul3A_85, %add3A_80 : vector<64x128xf32>
      %select_n3A_87 = arith.select %ge3A_83, %add3A_80, %mul3A_86 : vector<64x128xi1>, vector<64x128xf32>
      %get3A_88 = arith.constant 0 : index
      %get3A_89 = arith.constant 0 : index
      %get3A_90 = vector.load %arg18[%get3A_88, %get3A_89] : memref<128x128xf32, #tpu.memory_space<vmem>>, vector<128x128xf32>
      %dot_general3A_91 = arith.constant dense<0.000000e+00> : vector<64x128xf32>
      %dot_general3A_92 = tpu.matmul %select_n3A_87, %get3A_90, %dot_general3A_91 {dimension_numbers = #tpu.dot_dimension_numbers<[1], [0], [0], [1], [0, 0, 1, 1], [], []>, transpose_lhs_hint = false} : vector<64x128xf32>, vector<128x128xf32>, vector<64x128xf32> -> vector<64x128xf32>
      %get3A_93 = arith.constant 0 : index
      %get3A_94 = arith.constant 0 : index
      %get3A_95 = vector.load %arg19[%get3A_93, %get3A_94] : memref<1x128xf32, #tpu.memory_space<vmem>>, vector<1x128xf32>
      %add3A_96 = vector.broadcast %get3A_95 : vector<1x128xf32> to vector<64x128xf32>
      %add3A_97 = arith.addf %dot_general3A_92, %add3A_96 : vector<64x128xf32>
      %ge3A_98 = arith.constant 0.000000e+00 : f32
      %ge3A_99 = vector.broadcast %ge3A_98 : f32 to vector<64x128xf32>
      %ge3A_100 = arith.cmpf oge, %add3A_97, %ge3A_99 : vector<64x128xf32>
      %mul3A_101 = arith.constant 0.00999999977 : f32
      %mul3A_102 = vector.broadcast %mul3A_101 : f32 to vector<64x128xf32>
      %mul3A_103 = arith.mulf %mul3A_102, %add3A_97 : vector<64x128xf32>
      %select_n3A_104 = arith.select %ge3A_100, %add3A_97, %mul3A_103 : vector<64x128xi1>, vector<64x128xf32>
      %swap3A_105 = arith.constant 0 : index
      %swap3A_106 = arith.constant 0 : index
      %swap3A_107 = vector.load %arg22[%swap3A_105, %swap3A_106] : memref<64x128xf32, #tpu.memory_space<vmem>>, vector<64x128xf32>
      tpu.vector_store %arg22[%swap3A_105, %swap3A_106], %select_n3A_104 {strides = array<i32>} : memref<64x128xf32, #tpu.memory_space<vmem>>, vector<64x128xf32>,
      %get3A_108 = arith.constant 0 : index
      %get3A_109 = arith.constant 0 : index
      %get3A_110 = vector.load %arg12[%get3A_108, %get3A_109] : memref<128x128xf32, #tpu.memory_space<vmem>>, vector<128x128xf32>
      %dot_general3A_111 = arith.constant dense<0.000000e+00> : vector<64x128xf32>
      %dot_general3A_112 = tpu.matmul %get3A_70, %get3A_110, %dot_general3A_111 {dimension_numbers = #tpu.dot_dimension_numbers<[1], [0], [0], [1], [0, 0, 1, 1], [], []>, transpose_lhs_hint = false} : vector<64x128xf32>, vector<128x128xf32>, vector<64x128xf32> -> vector<64x128xf32>
      %get3A_113 = arith.constant 0 : index
      %get3A_114 = arith.constant 0 : index
      %get3A_115 = vector.load %arg13[%get3A_113, %get3A_114] : memref<1x128xf32, #tpu.memory_space<vmem>>, vector<1x128xf32>
      %add3A_116 = vector.broadcast %get3A_115 : vector<1x128xf32> to vector<64x128xf32>
      %add3A_117 = arith.addf %dot_general3A_112, %add3A_116 : vector<64x128xf32>
      %get3A_118 = arith.constant 0 : index
      %get3A_119 = arith.constant 0 : index
      %get3A_120 = vector.load %arg14[%get3A_118, %get3A_119] : memref<128x128xf32, #tpu.memory_space<vmem>>, vector<128x128xf32>
      %dot_general3A_121 = arith.constant dense<0.000000e+00> : vector<64x128xf32>
      %dot_general3A_122 = tpu.matmul %add3A_117, %get3A_120, %dot_general3A_121 {dimension_numbers = #tpu.dot_dimension_numbers<[1], [0], [0], [1], [0, 0, 1, 1], [], []>, transpose_lhs_hint = false} : vector<64x128xf32>, vector<128x128xf32>, vector<64x128xf32> -> vector<64x128xf32>
      %get3A_123 = arith.constant 0 : index
      %get3A_124 = arith.constant 0 : index
      %get3A_125 = vector.load %arg15[%get3A_123, %get3A_124] : memref<1x128xf32, #tpu.memory_space<vmem>>, vector<1x128xf32>
      %add3A_126 = vector.broadcast %get3A_125 : vector<1x128xf32> to vector<64x128xf32>
      %add3A_127 = arith.addf %dot_general3A_122, %add3A_126 : vector<64x128xf32>
      %ge3A_128 = arith.constant 0.000000e+00 : f32
      %ge3A_129 = vector.broadcast %ge3A_128 : f32 to vector<64x128xf32>
      %ge3A_130 = arith.cmpf oge, %add3A_127, %ge3A_129 : vector<64x128xf32>
      %mul3A_131 = arith.constant 0.00999999977 : f32
      %mul3A_132 = vector.broadcast %mul3A_131 : f32 to vector<64x128xf32>
      %mul3A_133 = arith.mulf %mul3A_132, %add3A_127 : vector<64x128xf32>
      %select_n3A_134 = arith.select %ge3A_130, %add3A_127, %mul3A_133 : vector<64x128xi1>, vector<64x128xf32>
      %swap3A_135 = arith.constant 0 : index
      %swap3A_136 = arith.constant 0 : index
      %swap3A_137 = vector.load %arg23[%swap3A_135, %swap3A_136] : memref<64x128xf32, #tpu.memory_space<vmem>>, vector<64x128xf32>
      tpu.vector_store %arg23[%swap3A_135, %swap3A_136], %select_n3A_134 {strides = array<i32>} : memref<64x128xf32, #tpu.memory_space<vmem>>, vector<64x128xf32>,
      %get3A_138 = arith.constant 0 : index
      %get3A_139 = arith.constant 0 : index
      %get3A_140 = vector.load %arg11[%get3A_138, %get3A_139] : memref<1x128xf32, #tpu.memory_space<vmem>>, vector<1x128xf32>
      %broadcast_in_dim3A_141 = arith.constant 0.000000e+00 : f32
      %broadcast_in_dim3A_142 = vector.broadcast %broadcast_in_dim3A_141 : f32 to vector<128x128xf32>
      %get3A_143 = arith.constant 0 : index
      %get3A_144 = arith.constant 0 : index
      %get3A_145 = arith.constant 0 : index
      %get3A_146 = arith.constant 0 : index
      %get3A_147 = vector.load %arg8[%get3A_143, %get3A_144, %get3A_145, %get3A_146] : memref<3x3x128x128xf32, #tpu.memory_space<vmem>>, vector<1x1x128x128xf32>
      %get3A_148 = vector.shape_cast %get3A_147 : vector<1x1x128x128xf32> to vector<128x128xf32>
      %get3A_149 = arith.constant 0 : index
      %get3A_150 = arith.constant 0 : index
      %get3A_151 = vector.load %arg10[%get3A_149, %get3A_150] : memref<384x128xf32, #tpu.memory_space<vmem>>, vector<128x128xf32>
      %dot_general3A_152 = arith.constant dense<0.000000e+00> : vector<128x128xf32>
      %dot_general3A_153 = tpu.matmul %get3A_148, %get3A_151, %dot_general3A_152 {dimension_numbers = #tpu.dot_dimension_numbers<[1], [0], [0], [1], [0, 0, 1, 1], [], []>, transpose_lhs_hint = false} : vector<128x128xf32>, vector<128x128xf32>, vector<128x128xf32> -> vector<128x128xf32>
      %add3A_154 = arith.addf %broadcast_in_dim3A_142, %dot_general3A_153 : vector<128x128xf32>
      %get3A_155 = arith.constant 1 : index
      %get3A_156 = arith.constant 0 : index
      %get3A_157 = arith.constant 0 : index
      %get3A_158 = arith.constant 0 : index
      %get3A_159 = vector.load %arg8[%get3A_155, %get3A_156, %get3A_157, %get3A_158] : memref<3x3x128x128xf32, #tpu.memory_space<vmem>>, vector<1x1x128x128xf32>
      %get3A_160 = vector.shape_cast %get3A_159 : vector<1x1x128x128xf32> to vector<128x128xf32>
      %get3A_161 = arith.constant 128 : index
      %get3A_162 = arith.constant 0 : index
      %get3A_163 = vector.load %arg10[%get3A_161, %get3A_162] : memref<384x128xf32, #tpu.memory_space<vmem>>, vector<128x128xf32>
      %dot_general3A_164 = arith.constant dense<0.000000e+00> : vector<128x128xf32>
      %dot_general3A_165 = tpu.matmul %get3A_160, %get3A_163, %dot_general3A_164 {dimension_numbers = #tpu.dot_dimension_numbers<[1], [0], [0], [1], [0, 0, 1, 1], [], []>, transpose_lhs_hint = false} : vector<128x128xf32>, vector<128x128xf32>, vector<128x128xf32> -> vector<128x128xf32>
      %add3A_166 = arith.addf %add3A_154, %dot_general3A_165 : vector<128x128xf32>
      %get3A_167 = arith.constant 2 : index
      %get3A_168 = arith.constant 0 : index
      %get3A_169 = arith.constant 0 : index
      %get3A_170 = arith.constant 0 : index
      %get3A_171 = vector.load %arg8[%get3A_167, %get3A_168, %get3A_169, %get3A_170] : memref<3x3x128x128xf32, #tpu.memory_space<vmem>>, vector<1x1x128x128xf32>
      %get3A_172 = vector.shape_cast %get3A_171 : vector<1x1x128x128xf32> to vector<128x128xf32>
      %get3A_173 = arith.constant 256 : index
      %get3A_174 = arith.constant 0 : index
      %get3A_175 = vector.load %arg10[%get3A_173, %get3A_174] : memref<384x128xf32, #tpu.memory_space<vmem>>, vector<128x128xf32>
      %dot_general3A_176 = arith.constant dense<0.000000e+00> : vector<128x128xf32>
      %dot_general3A_177 = tpu.matmul %get3A_172, %get3A_175, %dot_general3A_176 {dimension_numbers = #tpu.dot_dimension_numbers<[1], [0], [0], [1], [0, 0, 1, 1], [], []>, transpose_lhs_hint = false} : vector<128x128xf32>, vector<128x128xf32>, vector<128x128xf32> -> vector<128x128xf32>
      %add3A_178 = arith.addf %add3A_166, %dot_general3A_177 : vector<128x128xf32>
      %swap3A_179 = arith.constant 0 : index
      %swap3A_180 = arith.constant 0 : index
      %swap3A_181 = arith.constant 0 : index
      %swap3A_182 = vector.load %arg24[%swap3A_179, %swap3A_180, %swap3A_181] : memref<3x128x128xf32, #tpu.memory_space<vmem>>, vector<1x128x128xf32>
      %swap3A_183 = vector.shape_cast %swap3A_182 : vector<1x128x128xf32> to vector<128x128xf32>
      %swap3A_184 = vector.shape_cast %add3A_178 : vector<128x128xf32> to vector<1x128x128xf32>
      tpu.vector_store %arg24[%swap3A_179, %swap3A_180, %swap3A_181], %swap3A_184 {strides = array<i32>} : memref<3x128x128xf32, #tpu.memory_space<vmem>>, vector<1x128x128xf32>,
      %broadcast_in_dim3A_185 = arith.constant 0.000000e+00 : f32
      %broadcast_in_dim3A_186 = vector.broadcast %broadcast_in_dim3A_185 : f32 to vector<128x128xf32>
      %get3A_187 = arith.constant 0 : index
      %get3A_188 = arith.constant 1 : index
      %get3A_189 = arith.constant 0 : index
      %get3A_190 = arith.constant 0 : index
      %get3A_191 = vector.load %arg8[%get3A_187, %get3A_188, %get3A_189, %get3A_190] : memref<3x3x128x128xf32, #tpu.memory_space<vmem>>, vector<1x1x128x128xf32>
      %get3A_192 = vector.shape_cast %get3A_191 : vector<1x1x128x128xf32> to vector<128x128xf32>
      %get3A_193 = arith.constant 0 : index
      %get3A_194 = arith.constant 0 : index
      %get3A_195 = vector.load %arg10[%get3A_193, %get3A_194] : memref<384x128xf32, #tpu.memory_space<vmem>>, vector<128x128xf32>
      %dot_general3A_196 = arith.constant dense<0.000000e+00> : vector<128x128xf32>
      %dot_general3A_197 = tpu.matmul %get3A_192, %get3A_195, %dot_general3A_196 {dimension_numbers = #tpu.dot_dimension_numbers<[1], [0], [0], [1], [0, 0, 1, 1], [], []>, transpose_lhs_hint = false} : vector<128x128xf32>, vector<128x128xf32>, vector<128x128xf32> -> vector<128x128xf32>
      %add3A_198 = arith.addf %broadcast_in_dim3A_186, %dot_general3A_197 : vector<128x128xf32>
      %get3A_199 = arith.constant 1 : index
      %get3A_200 = arith.constant 1 : index
      %get3A_201 = arith.constant 0 : index
      %get3A_202 = arith.constant 0 : index
      %get3A_203 = vector.load %arg8[%get3A_199, %get3A_200, %get3A_201, %get3A_202] : memref<3x3x128x128xf32, #tpu.memory_space<vmem>>, vector<1x1x128x128xf32>
      %get3A_204 = vector.shape_cast %get3A_203 : vector<1x1x128x128xf32> to vector<128x128xf32>
      %get3A_205 = arith.constant 128 : index
      %get3A_206 = arith.constant 0 : index
      %get3A_207 = vector.load %arg10[%get3A_205, %get3A_206] : memref<384x128xf32, #tpu.memory_space<vmem>>, vector<128x128xf32>
      %dot_general3A_208 = arith.constant dense<0.000000e+00> : vector<128x128xf32>
      %dot_general3A_209 = tpu.matmul %get3A_204, %get3A_207, %dot_general3A_208 {dimension_numbers = #tpu.dot_dimension_numbers<[1], [0], [0], [1], [0, 0, 1, 1], [], []>, transpose_lhs_hint = false} : vector<128x128xf32>, vector<128x128xf32>, vector<128x128xf32> -> vector<128x128xf32>
      %add3A_210 = arith.addf %add3A_198, %dot_general3A_209 : vector<128x128xf32>
      %get3A_211 = arith.constant 2 : index
      %get3A_212 = arith.constant 1 : index
      %get3A_213 = arith.constant 0 : index
      %get3A_214 = arith.constant 0 : index
      %get3A_215 = vector.load %arg8[%get3A_211, %get3A_212, %get3A_213, %get3A_214] : memref<3x3x128x128xf32, #tpu.memory_space<vmem>>, vector<1x1x128x128xf32>
      %get3A_216 = vector.shape_cast %get3A_215 : vector<1x1x128x128xf32> to vector<128x128xf32>
      %get3A_217 = arith.constant 256 : index
      %get3A_218 = arith.constant 0 : index
      %get3A_219 = vector.load %arg10[%get3A_217, %get3A_218] : memref<384x128xf32, #tpu.memory_space<vmem>>, vector<128x128xf32>
      %dot_general3A_220 = arith.constant dense<0.000000e+00> : vector<128x128xf32>
      %dot_general3A_221 = tpu.matmul %get3A_216, %get3A_219, %dot_general3A_220 {dimension_numbers = #tpu.dot_dimension_numbers<[1], [0], [0], [1], [0, 0, 1, 1], [], []>, transpose_lhs_hint = false} : vector<128x128xf32>, vector<128x128xf32>, vector<128x128xf32> -> vector<128x128xf32>
      %add3A_222 = arith.addf %add3A_210, %dot_general3A_221 : vector<128x128xf32>
      %swap3A_223 = arith.constant 1 : index
      %swap3A_224 = arith.constant 0 : index
      %swap3A_225 = arith.constant 0 : index
      %swap3A_226 = vector.load %arg24[%swap3A_223, %swap3A_224, %swap3A_225] : memref<3x128x128xf32, #tpu.memory_space<vmem>>, vector<1x128x128xf32>
      %swap3A_227 = vector.shape_cast %swap3A_226 : vector<1x128x128xf32> to vector<128x128xf32>
      %swap3A_228 = vector.shape_cast %add3A_222 : vector<128x128xf32> to vector<1x128x128xf32>
      tpu.vector_store %arg24[%swap3A_223, %swap3A_224, %swap3A_225], %swap3A_228 {strides = array<i32>} : memref<3x128x128xf32, #tpu.memory_space<vmem>>, vector<1x128x128xf32>,
      %broadcast_in_dim3A_229 = arith.constant 0.000000e+00 : f32
      %broadcast_in_dim3A_230 = vector.broadcast %broadcast_in_dim3A_229 : f32 to vector<128x128xf32>
      %get3A_231 = arith.constant 0 : index
      %get3A_232 = arith.constant 2 : index
      %get3A_233 = arith.constant 0 : index
      %get3A_234 = arith.constant 0 : index
      %get3A_235 = vector.load %arg8[%get3A_231, %get3A_232, %get3A_233, %get3A_234] : memref<3x3x128x128xf32, #tpu.memory_space<vmem>>, vector<1x1x128x128xf32>
      %get3A_236 = vector.shape_cast %get3A_235 : vector<1x1x128x128xf32> to vector<128x128xf32>
      %get3A_237 = arith.constant 0 : index
      %get3A_238 = arith.constant 0 : index
      %get3A_239 = vector.load %arg10[%get3A_237, %get3A_238] : memref<384x128xf32, #tpu.memory_space<vmem>>, vector<128x128xf32>
      %dot_general3A_240 = arith.constant dense<0.000000e+00> : vector<128x128xf32>
      %dot_general3A_241 = tpu.matmul %get3A_236, %get3A_239, %dot_general3A_240 {dimension_numbers = #tpu.dot_dimension_numbers<[1], [0], [0], [1], [0, 0, 1, 1], [], []>, transpose_lhs_hint = false} : vector<128x128xf32>, vector<128x128xf32>, vector<128x128xf32> -> vector<128x128xf32>
      %add3A_242 = arith.addf %broadcast_in_dim3A_230, %dot_general3A_241 : vector<128x128xf32>
      %get3A_243 = arith.constant 1 : index
      %get3A_244 = arith.constant 2 : index
      %get3A_245 = arith.constant 0 : index
      %get3A_246 = arith.constant 0 : index
      %get3A_247 = vector.load %arg8[%get3A_243, %get3A_244, %get3A_245, %get3A_246] : memref<3x3x128x128xf32, #tpu.memory_space<vmem>>, vector<1x1x128x128xf32>
      %get3A_248 = vector.shape_cast %get3A_247 : vector<1x1x128x128xf32> to vector<128x128xf32>
      %get3A_249 = arith.constant 128 : index
      %get3A_250 = arith.constant 0 : index
      %get3A_251 = vector.load %arg10[%get3A_249, %get3A_250] : memref<384x128xf32, #tpu.memory_space<vmem>>, vector<128x128xf32>
      %dot_general3A_252 = arith.constant dense<0.000000e+00> : vector<128x128xf32>
      %dot_general3A_253 = tpu.matmul %get3A_248, %get3A_251, %dot_general3A_252 {dimension_numbers = #tpu.dot_dimension_numbers<[1], [0], [0], [1], [0, 0, 1, 1], [], []>, transpose_lhs_hint = false} : vector<128x128xf32>, vector<128x128xf32>, vector<128x128xf32> -> vector<128x128xf32>
      %add3A_254 = arith.addf %add3A_242, %dot_general3A_253 : vector<128x128xf32>
      %get3A_255 = arith.constant 2 : index
      %get3A_256 = arith.constant 2 : index
      %get3A_257 = arith.constant 0 : index
      %get3A_258 = arith.constant 0 : index
      %get3A_259 = vector.load %arg8[%get3A_255, %get3A_256, %get3A_257, %get3A_258] : memref<3x3x128x128xf32, #tpu.memory_space<vmem>>, vector<1x1x128x128xf32>
      %get3A_260 = vector.shape_cast %get3A_259 : vector<1x1x128x128xf32> to vector<128x128xf32>
      %get3A_261 = arith.constant 256 : index
      %get3A_262 = arith.constant 0 : index
      %get3A_263 = vector.load %arg10[%get3A_261, %get3A_262] : memref<384x128xf32, #tpu.memory_space<vmem>>, vector<128x128xf32>
      %dot_general3A_264 = arith.constant dense<0.000000e+00> : vector<128x128xf32>
      %dot_general3A_265 = tpu.matmul %get3A_260, %get3A_263, %dot_general3A_264 {dimension_numbers = #tpu.dot_dimension_numbers<[1], [0], [0], [1], [0, 0, 1, 1], [], []>, transpose_lhs_hint = false} : vector<128x128xf32>, vector<128x128xf32>, vector<128x128xf32> -> vector<128x128xf32>
      %add3A_266 = arith.addf %add3A_254, %dot_general3A_265 : vector<128x128xf32>
      %swap3A_267 = arith.constant 2 : index
      %swap3A_268 = arith.constant 0 : index
      %swap3A_269 = arith.constant 0 : index
      %swap3A_270 = vector.load %arg24[%swap3A_267, %swap3A_268, %swap3A_269] : memref<3x128x128xf32, #tpu.memory_space<vmem>>, vector<1x128x128xf32>
      %swap3A_271 = vector.shape_cast %swap3A_270 : vector<1x128x128xf32> to vector<128x128xf32>
      %swap3A_272 = vector.shape_cast %add3A_266 : vector<128x128xf32> to vector<1x128x128xf32>
      tpu.vector_store %arg24[%swap3A_267, %swap3A_268, %swap3A_269], %swap3A_272 {strides = array<i32>} : memref<3x128x128xf32, #tpu.memory_space<vmem>>, vector<1x128x128xf32>,
      %get3A_273 = arith.constant 0 : index
      %get3A_274 = arith.constant 0 : index
      %get3A_275 = arith.constant 0 : index
      %get3A_276 = vector.load %arg9[%get3A_273, %get3A_274, %get3A_275] : memref<3x1x128xf32, #tpu.memory_space<vmem>>, vector<1x1x128xf32>
      %get3A_277 = vector.shape_cast %get3A_276 : vector<1x1x128xf32> to vector<1x128xf32>
      %get3A_278 = arith.constant 0 : index
      %get3A_279 = arith.constant 0 : index
      %get3A_280 = vector.load %arg10[%get3A_278, %get3A_279] : memref<384x128xf32, #tpu.memory_space<vmem>>, vector<128x128xf32>
      %dot_general3A_281 = arith.constant dense<0.000000e+00> : vector<1x128xf32>
      %dot_general3A_282 = tpu.matmul %get3A_277, %get3A_280, %dot_general3A_281 {dimension_numbers = #tpu.dot_dimension_numbers<[1], [0], [0], [1], [0, 0, 1, 1], [], []>, transpose_lhs_hint = false} : vector<1x128xf32>, vector<128x128xf32>, vector<1x128xf32> -> vector<1x128xf32>
      %add3A_283 = arith.addf %get3A_140, %dot_general3A_282 : vector<1x128xf32>
      %get3A_284 = arith.constant 1 : index
      %get3A_285 = arith.constant 0 : index
      %get3A_286 = arith.constant 0 : index
      %get3A_287 = vector.load %arg9[%get3A_284, %get3A_285, %get3A_286] : memref<3x1x128xf32, #tpu.memory_space<vmem>>, vector<1x1x128xf32>
      %get3A_288 = vector.shape_cast %get3A_287 : vector<1x1x128xf32> to vector<1x128xf32>
      %get3A_289 = arith.constant 128 : index
      %get3A_290 = arith.constant 0 : index
      %get3A_291 = vector.load %arg10[%get3A_289, %get3A_290] : memref<384x128xf32, #tpu.memory_space<vmem>>, vector<128x128xf32>
      %dot_general3A_292 = arith.constant dense<0.000000e+00> : vector<1x128xf32>
      %dot_general3A_293 = tpu.matmul %get3A_288, %get3A_291, %dot_general3A_292 {dimension_numbers = #tpu.dot_dimension_numbers<[1], [0], [0], [1], [0, 0, 1, 1], [], []>, transpose_lhs_hint = false} : vector<1x128xf32>, vector<128x128xf32>, vector<1x128xf32> -> vector<1x128xf32>
      %add3A_294 = arith.addf %add3A_283, %dot_general3A_293 : vector<1x128xf32>
      %get3A_295 = arith.constant 2 : index
      %get3A_296 = arith.constant 0 : index
      %get3A_297 = arith.constant 0 : index
      %get3A_298 = vector.load %arg9[%get3A_295, %get3A_296, %get3A_297] : memref<3x1x128xf32, #tpu.memory_space<vmem>>, vector<1x1x128xf32>
      %get3A_299 = vector.shape_cast %get3A_298 : vector<1x1x128xf32> to vector<1x128xf32>
      %get3A_300 = arith.constant 256 : index
      %get3A_301 = arith.constant 0 : index
      %get3A_302 = vector.load %arg10[%get3A_300, %get3A_301] : memref<384x128xf32, #tpu.memory_space<vmem>>, vector<128x128xf32>
      %dot_general3A_303 = arith.constant dense<0.000000e+00> : vector<1x128xf32>
      %dot_general3A_304 = tpu.matmul %get3A_299, %get3A_302, %dot_general3A_303 {dimension_numbers = #tpu.dot_dimension_numbers<[1], [0], [0], [1], [0, 0, 1, 1], [], []>, transpose_lhs_hint = false} : vector<1x128xf32>, vector<128x128xf32>, vector<1x128xf32> -> vector<1x128xf32>
      %add3A_305 = arith.addf %add3A_294, %dot_general3A_304 : vector<1x128xf32>
      %swap3A_306 = arith.constant 0 : index
      %swap3A_307 = arith.constant 0 : index
      %swap3A_308 = vector.load %arg25[%swap3A_306, %swap3A_307] : memref<1x128xf32, #tpu.memory_space<vmem>>, vector<1x128xf32>
      tpu.vector_store %arg25[%swap3A_306, %swap3A_307], %add3A_305 {strides = array<i32>} : memref<1x128xf32, #tpu.memory_space<vmem>>, vector<1x128xf32>,
    } else {
    }
    return
  }
  func.func @transform_0(%arg0: i32) -> (i32, i32) {
    %c0_i32 = arith.constant 0 : i32
    %c0_i32_0 = arith.constant 0 : i32
    return %arg0, %c0_i32 : i32, i32
  }
  func.func @transform_1(%arg0: i32) -> (i32, i32, i32) {
    %c0_i32 = arith.constant 0 : i32
    %c0_i32_0 = arith.constant 0 : i32
    %c0_i32_1 = arith.constant 0 : i32
    return %arg0, %c0_i32, %c0_i32_0 : i32, i32, i32
  }
  func.func @transform_2(%arg0: i32) -> (i32, i32) {
    %c0_i32 = arith.constant 0 : i32
    %c0_i32_0 = arith.constant 0 : i32
    %c0_i32_1 = arith.constant 0 : i32
    return %c0_i32, %c0_i32_0 : i32, i32
  }
  func.func @transform_3(%arg0: i32) -> (i32, i32) {
    %c0_i32 = arith.constant 0 : i32
    %c0_i32_0 = arith.constant 0 : i32
    %c0_i32_1 = arith.constant 0 : i32
    return %c0_i32, %c0_i32_0 : i32, i32
  }
  func.func @transform_4(%arg0: i32) -> (i32, i32) {
    %c0_i32 = arith.constant 0 : i32
    %c0_i32_0 = arith.constant 0 : i32
    %c0_i32_1 = arith.constant 0 : i32
    return %c0_i32, %c0_i32_0 : i32, i32
  }
  func.func @transform_5(%arg0: i32) -> (i32, i32) {
    %c0_i32 = arith.constant 0 : i32
    %c0_i32_0 = arith.constant 0 : i32
    %c0_i32_1 = arith.constant 0 : i32
    return %c0_i32, %c0_i32_0 : i32, i32
  }
  func.func @transform_6(%arg0: i32) -> (i32, i32) {
    %c0_i32 = arith.constant 0 : i32
    %c0_i32_0 = arith.constant 0 : i32
    %c0_i32_1 = arith.constant 0 : i32
    return %c0_i32, %c0_i32_0 : i32, i32
  }
  func.func @transform_7(%arg0: i32) -> (i32, i32, i32, i32) {
    %c0_i32 = arith.constant 0 : i32
    %c0_i32_0 = arith.constant 0 : i32
    %c0_i32_1 = arith.constant 0 : i32
    %c0_i32_2 = arith.constant 0 : i32
    %c0_i32_3 = arith.constant 0 : i32
    return %c0_i32, %c0_i32_0, %c0_i32_1, %c0_i32_2 : i32, i32, i32, i32
  }
  func.func @transform_8(%arg0: i32) -> (i32, i32, i32) {
    %c0_i32 = arith.constant 0 : i32
    %c0_i32_0 = arith.constant 0 : i32
    %c0_i32_1 = arith.constant 0 : i32
    %c0_i32_2 = arith.constant 0 : i32
    return %c0_i32, %c0_i32_0, %c0_i32_1 : i32, i32, i32
  }
  func.func @transform_9(%arg0: i32) -> (i32, i32) {
    %c0_i32 = arith.constant 0 : i32
    %c0_i32_0 = arith.constant 0 : i32
    %c0_i32_1 = arith.constant 0 : i32
    return %c0_i32, %c0_i32_0 : i32, i32
  }
  func.func @transform_10(%arg0: i32) -> (i32, i32) {
    %c0_i32 = arith.constant 0 : i32
    %c0_i32_0 = arith.constant 0 : i32
    %c0_i32_1 = arith.constant 0 : i32
    return %c0_i32, %c0_i32_0 : i32, i32
  }
  func.func @transform_11(%arg0: i32) -> (i32, i32) {
    %c0_i32 = arith.constant 0 : i32
    %c0_i32_0 = arith.constant 0 : i32
    %c0_i32_1 = arith.constant 0 : i32
    return %c0_i32, %c0_i32_0 : i32, i32
  }
  func.func @transform_12(%arg0: i32) -> (i32, i32) {
    %c0_i32 = arith.constant 0 : i32
    %c0_i32_0 = arith.constant 0 : i32
    %c0_i32_1 = arith.constant 0 : i32
    return %c0_i32, %c0_i32_0 : i32, i32
  }
  func.func @transform_13(%arg0: i32) -> (i32, i32) {
    %c0_i32 = arith.constant 0 : i32
    %c0_i32_0 = arith.constant 0 : i32
    %c0_i32_1 = arith.constant 0 : i32
    return %c0_i32, %c0_i32_0 : i32, i32
  }
  func.func @transform_14(%arg0: i32) -> (i32, i32) {
    %c0_i32 = arith.constant 0 : i32
    %c0_i32_0 = arith.constant 0 : i32
    %c0_i32_1 = arith.constant 0 : i32
    return %c0_i32, %c0_i32_0 : i32, i32
  }
  func.func @transform_15(%arg0: i32) -> (i32, i32) {
    %c0_i32 = arith.constant 0 : i32
    %c0_i32_0 = arith.constant 0 : i32
    %c0_i32_1 = arith.constant 0 : i32
    return %c0_i32, %c0_i32_0 : i32, i32
  }
  func.func @transform_16(%arg0: i32) -> (i32, i32) {
    %c0_i32 = arith.constant 0 : i32
    %c0_i32_0 = arith.constant 0 : i32
    %c0_i32_1 = arith.constant 0 : i32
    return %c0_i32, %c0_i32_0 : i32, i32
  }
  func.func @transform_17(%arg0: i32) -> (i32, i32) {
    %c0_i32 = arith.constant 0 : i32
    %c0_i32_0 = arith.constant 0 : i32
    %c0_i32_1 = arith.constant 0 : i32
    return %c0_i32, %c0_i32_0 : i32, i32
  }
  func.func @transform_18(%arg0: i32) -> (i32, i32) {
    %c0_i32 = arith.constant 0 : i32
    %c0_i32_0 = arith.constant 0 : i32
    %c0_i32_1 = arith.constant 0 : i32
    return %c0_i32, %c0_i32_0 : i32, i32
  }
  func.func @transform_19(%arg0: i32) -> (i32, i32) {
    %c0_i32 = arith.constant 0 : i32
    %c0_i32_0 = arith.constant 0 : i32
    return %arg0, %c0_i32 : i32, i32
  }
  func.func @transform_20(%arg0: i32) -> (i32, i32, i32) {
    %c0_i32 = arith.constant 0 : i32
    %c0_i32_0 = arith.constant 0 : i32
    %c0_i32_1 = arith.constant 0 : i32
    return %c0_i32, %arg0, %c0_i32_0 : i32, i32, i32
  }
  func.func @transform_21(%arg0: i32) -> (i32, i32) {
    %c0_i32 = arith.constant 0 : i32
    %c0_i32_0 = arith.constant 0 : i32
    %c0_i32_1 = arith.constant 0 : i32
    return %c0_i32, %c0_i32_0 : i32, i32
  }
  func.func @transform_22(%arg0: i32) -> (i32, i32) {
    %c0_i32 = arith.constant 0 : i32
    %c0_i32_0 = arith.constant 0 : i32
    %c0_i32_1 = arith.constant 0 : i32
    return %c0_i32, %c0_i32_0 : i32, i32
  }
  func.func @transform_23(%arg0: i32) -> (i32, i32, i32) {
    %c0_i32 = arith.constant 0 : i32
    %c0_i32_0 = arith.constant 0 : i32
    %c0_i32_1 = arith.constant 0 : i32
    %c0_i32_2 = arith.constant 0 : i32
    return %c0_i32, %c0_i32_0, %c0_i32_1 : i32, i32, i32
  }
  func.func @transform_24(%arg0: i32) -> (i32, i32) {
    %c0_i32 = arith.constant 0 : i32
    %c0_i32_0 = arith.constant 0 : i32
    %c0_i32_1 = arith.constant 0 : i32
    return %c0_i32, %c0_i32_0 : i32, i32
  }
}

module attributes {stable_mosaic.version = 14 : i64} {
  func.func @_tc_mid_body(%arg0: i32, %arg1: memref<2x1000x64xf32, #tpu.memory_space<vmem>>, %arg2: memref<1x2x1000xf32, #tpu.memory_space<vmem>>, %arg3: memref<2x1000x64xf32, #tpu.memory_space<vmem>>) attributes {dimension_semantics = [#tpu.dimension_semantics<arbitrary>], iteration_bounds = array<i64: 10>, scalar_prefetch = 0 : i64, scratch_operands = 0 : i64, tpu.core_type = #tpu.core_type<tc>, window_params = [{transform_indices = @transform_0, window_bounds = array<i64: 2, 1000, 64>}, {transform_indices = @transform_1, window_bounds = array<i64: 1, 2, 1000>}, {transform_indices = @transform_2, window_bounds = array<i64: 2, 1000, 64>}]} {
    %get3A = arith.constant 0 : index
    %get3A_0 = arith.constant 0 : index
    %get3A_1 = arith.constant 0 : index
    %get3A_2 = vector.load %arg2[%get3A, %get3A_0, %get3A_1] : memref<1x2x1000xf32, #tpu.memory_space<vmem>>, vector<1x1x1000xf32>
    %get3A_3 = vector.shape_cast %get3A_2 : vector<1x1x1000xf32> to vector<1000xf32>
    %get3A_4 = arith.constant 0 : index
    %get3A_5 = arith.constant 1 : index
    %get3A_6 = arith.constant 0 : index
    %get3A_7 = vector.load %arg2[%get3A_4, %get3A_5, %get3A_6] : memref<1x2x1000xf32, #tpu.memory_space<vmem>>, vector<1x1x1000xf32>
    %get3A_8 = vector.shape_cast %get3A_7 : vector<1x1x1000xf32> to vector<1000xf32>
    %add3A = arith.addf %get3A_3, %get3A_8 : vector<1000xf32>
    %gt3A = arith.constant 0.000000e+00 : f32
    %gt3A_9 = vector.broadcast %gt3A : f32 to vector<1000xf32>
    %gt3A_10 = arith.cmpf ogt, %add3A, %gt3A_9 : vector<1000xf32>
    %max3A = arith.constant 1.000000e+00 : f32
    %max3A_11 = vector.broadcast %max3A : f32 to vector<1000xf32>
    %max3A_12 = arith.maximumf %add3A, %max3A_11 : vector<1000xf32>
    %rsqrt3A = math.rsqrt %max3A_12 : vector<1000xf32>
    %jit3A = arith.constant 0.000000e+00 : f32
    %broadcast_in_dim3A = vector.broadcast %jit3A : f32 to vector<1000xf32>
    %select_n3A = arith.select %gt3A_10, %rsqrt3A, %broadcast_in_dim3A : vector<1000xi1>, vector<1000xf32>
    %get3A_13 = arith.constant 0 : index
    %get3A_14 = arith.constant 0 : index
    %get3A_15 = arith.constant 0 : index
    %get3A_16 = vector.load %arg1[%get3A_13, %get3A_14, %get3A_15] : memref<2x1000x64xf32, #tpu.memory_space<vmem>>, vector<1x1000x64xf32>
    %get3A_17 = vector.shape_cast %get3A_16 : vector<1x1000x64xf32> to vector<1000x64xf32>
    %get3A_18 = arith.constant 1 : index
    %get3A_19 = arith.constant 0 : index
    %get3A_20 = arith.constant 0 : index
    %get3A_21 = vector.load %arg1[%get3A_18, %get3A_19, %get3A_20] : memref<2x1000x64xf32, #tpu.memory_space<vmem>>, vector<1x1000x64xf32>
    %get3A_22 = vector.shape_cast %get3A_21 : vector<1x1000x64xf32> to vector<1000x64xf32>
    %concatenate3A = tpu.concatenate %get3A_17, %get3A_22 in 1 : vector<1000x64xf32>, vector<1000x64xf32> -> vector<1000x128xf32>
    %neg3A = arith.constant 0.000000e+00 : f32
    %neg3A_23 = vector.broadcast %neg3A : f32 to vector<1000xf32>
    %neg3A_24 = arith.subf %neg3A_23, %select_n3A : vector<1000xf32>
    %mul3A = arith.mulf %neg3A_24, %select_n3A : vector<1000xf32>
    %broadcast_in_dim3A_25 = vector.shape_cast %mul3A : vector<1000xf32> to vector<1000x1xf32>
    %mul3A_26 = vector.broadcast %broadcast_in_dim3A_25 : vector<1000x1xf32> to vector<1000x128xf32>
    %mul3A_27 = arith.mulf %mul3A_26, %concatenate3A : vector<1000x128xf32>
    %slice3A = vector.extract_strided_slice %mul3A_27 {offsets = [0, 0], sizes = [1000, 64], strides = [1, 1]} : vector<1000x128xf32> to vector<1000x64xf32>
    %swap3A = arith.constant 0 : index
    %swap3A_28 = arith.constant 0 : index
    %swap3A_29 = arith.constant 0 : index
    %swap3A_30 = vector.load %arg3[%swap3A, %swap3A_28, %swap3A_29] : memref<2x1000x64xf32, #tpu.memory_space<vmem>>, vector<1x1000x64xf32>
    %swap3A_31 = vector.shape_cast %swap3A_30 : vector<1x1000x64xf32> to vector<1000x64xf32>
    %swap3A_32 = vector.shape_cast %slice3A : vector<1000x64xf32> to vector<1x1000x64xf32>
    tpu.vector_store %arg3[%swap3A, %swap3A_28, %swap3A_29], %swap3A_32 {strides = array<i32>} : memref<2x1000x64xf32, #tpu.memory_space<vmem>>, vector<1x1000x64xf32>,
    %slice3A_33 = vector.extract_strided_slice %mul3A_27 {offsets = [0, 64], sizes = [1000, 64], strides = [1, 1]} : vector<1000x128xf32> to vector<1000x64xf32>
    %swap3A_34 = arith.constant 1 : index
    %swap3A_35 = arith.constant 0 : index
    %swap3A_36 = arith.constant 0 : index
    %swap3A_37 = vector.load %arg3[%swap3A_34, %swap3A_35, %swap3A_36] : memref<2x1000x64xf32, #tpu.memory_space<vmem>>, vector<1x1000x64xf32>
    %swap3A_38 = vector.shape_cast %swap3A_37 : vector<1x1000x64xf32> to vector<1000x64xf32>
    %swap3A_39 = vector.shape_cast %slice3A_33 : vector<1000x64xf32> to vector<1x1000x64xf32>
    tpu.vector_store %arg3[%swap3A_34, %swap3A_35, %swap3A_36], %swap3A_39 {strides = array<i32>} : memref<2x1000x64xf32, #tpu.memory_space<vmem>>, vector<1x1000x64xf32>,
    return
  }
  func.func @transform_0(%arg0: i32) -> (i32, i32, i32) {
    %c0_i32 = arith.constant 0 : i32
    %c0_i32_0 = arith.constant 0 : i32
    %c0_i32_1 = arith.constant 0 : i32
    return %c0_i32, %arg0, %c0_i32_0 : i32, i32, i32
  }
  func.func @transform_1(%arg0: i32) -> (i32, i32, i32) {
    %c0_i32 = arith.constant 0 : i32
    %c0_i32_0 = arith.constant 0 : i32
    %c0_i32_1 = arith.constant 0 : i32
    return %arg0, %c0_i32, %c0_i32_0 : i32, i32, i32
  }
  func.func @transform_2(%arg0: i32) -> (i32, i32, i32) {
    %c0_i32 = arith.constant 0 : i32
    %c0_i32_0 = arith.constant 0 : i32
    %c0_i32_1 = arith.constant 0 : i32
    return %c0_i32, %arg0, %c0_i32_0 : i32, i32, i32
  }
}

module attributes {stable_mosaic.version = 14 : i64} {
  func.func @_tc_fin_body(%arg0: i32, %arg1: memref<1000x128xf32, #tpu.memory_space<vmem>>, %arg2: memref<2x1000x64xf32, #tpu.memory_space<vmem>>, %arg3: memref<2x1000x64xf32, #tpu.memory_space<vmem>>, %arg4: memref<1x2x1000xf32, #tpu.memory_space<vmem>>, %arg5: memref<1x1x1000xi32, #tpu.memory_space<vmem>>, %arg6: memref<3x128x128xf32, #tpu.memory_space<vmem>>, %arg7: memref<1x128xf32, #tpu.memory_space<vmem>>, %arg8: memref<128x128xf32, #tpu.memory_space<vmem>>, %arg9: memref<1x128xf32, #tpu.memory_space<vmem>>, %arg10: memref<64x128xf32, #tpu.memory_space<vmem>>, %arg11: memref<64x128xf32, #tpu.memory_space<vmem>>, %arg12: memref<256x128xf32, #tpu.memory_space<vmem>>, %arg13: memref<1x128xf32, #tpu.memory_space<vmem>>, %arg14: memref<64x128xf32, #tpu.memory_space<vmem>>, %arg15: memref<64x128xf32, #tpu.memory_space<vmem>>, %arg16: memref<64x128xf32, #tpu.memory_space<vmem>>) attributes {dimension_semantics = [#tpu.dimension_semantics<arbitrary>], iteration_bounds = array<i64: 10>, scalar_prefetch = 0 : i64, scratch_operands = 0 : i64, tpu.core_type = #tpu.core_type<tc>, window_params = [{transform_indices = @transform_0, window_bounds = array<i64: 1000, 128>}, {transform_indices = @transform_1, window_bounds = array<i64: 2, 1000, 64>}, {transform_indices = @transform_2, window_bounds = array<i64: 2, 1000, 64>}, {transform_indices = @transform_3, window_bounds = array<i64: 1, 2, 1000>}, {transform_indices = @transform_4, window_bounds = array<i64: 1, 1, 1000>}, {pipeline_mode = #tpu.pipeline_mode<synchronous>, transform_indices = @transform_5, window_bounds = array<i64: 3, 128, 128>}, {pipeline_mode = #tpu.pipeline_mode<synchronous>, transform_indices = @transform_6, window_bounds = array<i64: 1, 128>}, {pipeline_mode = #tpu.pipeline_mode<synchronous>, transform_indices = @transform_7, window_bounds = array<i64: 128, 128>}, {pipeline_mode = #tpu.pipeline_mode<synchronous>, transform_indices = @transform_8, window_bounds = array<i64: 1, 128>}, {pipeline_mode = #tpu.pipeline_mode<synchronous>, transform_indices = @transform_9, window_bounds = array<i64: 64, 128>}, {pipeline_mode = #tpu.pipeline_mode<synchronous>, transform_indices = @transform_10, window_bounds = array<i64: 64, 128>}, {pipeline_mode = #tpu.pipeline_mode<synchronous>, transform_indices = @transform_11, window_bounds = array<i64: 256, 128>}, {pipeline_mode = #tpu.pipeline_mode<synchronous>, transform_indices = @transform_12, window_bounds = array<i64: 1, 128>}, {pipeline_mode = #tpu.pipeline_mode<synchronous>, transform_indices = @transform_13, window_bounds = array<i64: 64, 128>}, {pipeline_mode = #tpu.pipeline_mode<synchronous>, transform_indices = @transform_14, window_bounds = array<i64: 64, 128>}, {pipeline_mode = #tpu.pipeline_mode<synchronous>, transform_indices = @transform_15, window_bounds = array<i64: 64, 128>}]} {
    %get3A = arith.constant 0 : index
    %get3A_0 = arith.constant 0 : index
    %get3A_1 = arith.constant 0 : index
    %get3A_2 = vector.load %arg4[%get3A, %get3A_0, %get3A_1] : memref<1x2x1000xf32, #tpu.memory_space<vmem>>, vector<1x1x1000xf32>
    %get3A_3 = vector.shape_cast %get3A_2 : vector<1x1x1000xf32> to vector<1000xf32>
    %get3A_4 = arith.constant 0 : index
    %get3A_5 = arith.constant 1 : index
    %get3A_6 = arith.constant 0 : index
    %get3A_7 = vector.load %arg4[%get3A_4, %get3A_5, %get3A_6] : memref<1x2x1000xf32, #tpu.memory_space<vmem>>, vector<1x1x1000xf32>
    %get3A_8 = vector.shape_cast %get3A_7 : vector<1x1x1000xf32> to vector<1000xf32>
    %add3A = arith.addf %get3A_3, %get3A_8 : vector<1000xf32>
    %gt3A = arith.constant 0.000000e+00 : f32
    %gt3A_9 = vector.broadcast %gt3A : f32 to vector<1000xf32>
    %gt3A_10 = arith.cmpf ogt, %add3A, %gt3A_9 : vector<1000xf32>
    %max3A = arith.constant 1.000000e+00 : f32
    %max3A_11 = vector.broadcast %max3A : f32 to vector<1000xf32>
    %max3A_12 = arith.maximumf %add3A, %max3A_11 : vector<1000xf32>
    %rsqrt3A = math.rsqrt %max3A_12 : vector<1000xf32>
    %jit3A = arith.constant 0.000000e+00 : f32
    %broadcast_in_dim3A = vector.broadcast %jit3A : f32 to vector<1000xf32>
    %select_n3A = arith.select %gt3A_10, %rsqrt3A, %broadcast_in_dim3A : vector<1000xi1>, vector<1000xf32>
    %get3A_13 = arith.constant 0 : index
    %get3A_14 = arith.constant 0 : index
    %get3A_15 = vector.load %arg1[%get3A_13, %get3A_14] : memref<1000x128xf32, #tpu.memory_space<vmem>>, vector<1000x128xf32>
    %max3A_16 = arith.constant 1.000000e+00 : f32
    %max3A_17 = vector.broadcast %max3A_16 : f32 to vector<1000xf32>
    %max3A_18 = arith.maximumf %add3A, %max3A_17 : vector<1000xf32>
    %sqrt3A = math.sqrt %max3A_18 : vector<1000xf32>
    %get3A_19 = arith.constant 0 : index
    %get3A_20 = arith.constant 0 : index
    %get3A_21 = arith.constant 0 : index
    %get3A_22 = vector.load %arg2[%get3A_19, %get3A_20, %get3A_21] : memref<2x1000x64xf32, #tpu.memory_space<vmem>>, vector<1x1000x64xf32>
    %get3A_23 = vector.shape_cast %get3A_22 : vector<1x1000x64xf32> to vector<1000x64xf32>
    %get3A_24 = arith.constant 1 : index
    %get3A_25 = arith.constant 0 : index
    %get3A_26 = arith.constant 0 : index
    %get3A_27 = vector.load %arg2[%get3A_24, %get3A_25, %get3A_26] : memref<2x1000x64xf32, #tpu.memory_space<vmem>>, vector<1x1000x64xf32>
    %get3A_28 = vector.shape_cast %get3A_27 : vector<1x1000x64xf32> to vector<1000x64xf32>
    %concatenate3A = tpu.concatenate %get3A_23, %get3A_28 in 1 : vector<1000x64xf32>, vector<1000x64xf32> -> vector<1000x128xf32>
    %broadcast_in_dim3A_29 = vector.shape_cast %sqrt3A : vector<1000xf32> to vector<1000x1xf32>
    %mul3A = vector.broadcast %broadcast_in_dim3A_29 : vector<1000x1xf32> to vector<1000x128xf32>
    %mul3A_30 = arith.mulf %concatenate3A, %mul3A : vector<1000x128xf32>
    %get3A_31 = arith.constant 0 : index
    %get3A_32 = arith.constant 0 : index
    %get3A_33 = arith.constant 0 : index
    %get3A_34 = vector.load %arg3[%get3A_31, %get3A_32, %get3A_33] : memref<2x1000x64xf32, #tpu.memory_space<vmem>>, vector<1x1000x64xf32>
    %get3A_35 = vector.shape_cast %get3A_34 : vector<1x1000x64xf32> to vector<1000x64xf32>
    %get3A_36 = arith.constant 1 : index
    %get3A_37 = arith.constant 0 : index
    %get3A_38 = arith.constant 0 : index
    %get3A_39 = vector.load %arg3[%get3A_36, %get3A_37, %get3A_38] : memref<2x1000x64xf32, #tpu.memory_space<vmem>>, vector<1x1000x64xf32>
    %get3A_40 = vector.shape_cast %get3A_39 : vector<1x1000x64xf32> to vector<1000x64xf32>
    %concatenate3A_41 = tpu.concatenate %get3A_35, %get3A_40 in 1 : vector<1000x64xf32>, vector<1000x64xf32> -> vector<1000x128xf32>
    %broadcast_in_dim3A_42 = vector.shape_cast %select_n3A : vector<1000xf32> to vector<1000x1xf32>
    %mul3A_43 = arith.constant -2.000000e+00 : f32
    %mul3A_44 = vector.broadcast %mul3A_43 : f32 to vector<1000x1xf32>
    %mul3A_45 = arith.mulf %mul3A_44, %broadcast_in_dim3A_42 : vector<1000x1xf32>
    %mul3A_46 = vector.broadcast %mul3A_45 : vector<1000x1xf32> to vector<1000x128xf32>
    %mul3A_47 = arith.mulf %mul3A_46, %concatenate3A_41 : vector<1000x128xf32>
    %sub3A = arith.subf %mul3A_47, %get3A_15 : vector<1000x128xf32>
    %get3A_48 = arith.constant 0 : index
    %get3A_49 = arith.constant 0 : index
    %get3A_50 = arith.constant 0 : index
    %get3A_51 = vector.load %arg6[%get3A_48, %get3A_49, %get3A_50] : memref<3x128x128xf32, #tpu.memory_space<vmem>>, vector<1x128x128xf32>
    %get3A_52 = vector.shape_cast %get3A_51 : vector<1x128x128xf32> to vector<128x128xf32>
    %dot_general3A = arith.constant dense<0.000000e+00> : vector<1000x128xf32>
    %dot_general3A_53 = tpu.matmul %get3A_15, %get3A_52, %dot_general3A {dimension_numbers = #tpu.dot_dimension_numbers<[1], [0], [0], [1], [0, 0, 1, 1], [], []>, transpose_lhs_hint = false} : vector<1000x128xf32>, vector<128x128xf32>, vector<1000x128xf32> -> vector<1000x128xf32>
    %get3A_54 = arith.constant 1 : index
    %get3A_55 = arith.constant 0 : index
    %get3A_56 = arith.constant 0 : index
    %get3A_57 = vector.load %arg6[%get3A_54, %get3A_55, %get3A_56] : memref<3x128x128xf32, #tpu.memory_space<vmem>>, vector<1x128x128xf32>
    %get3A_58 = vector.shape_cast %get3A_57 : vector<1x128x128xf32> to vector<128x128xf32>
    %dot_general3A_59 = arith.constant dense<0.000000e+00> : vector<1000x128xf32>
    %dot_general3A_60 = tpu.matmul %mul3A_30, %get3A_58, %dot_general3A_59 {dimension_numbers = #tpu.dot_dimension_numbers<[1], [0], [0], [1], [0, 0, 1, 1], [], []>, transpose_lhs_hint = false} : vector<1000x128xf32>, vector<128x128xf32>, vector<1000x128xf32> -> vector<1000x128xf32>
    %add3A_61 = arith.addf %dot_general3A_53, %dot_general3A_60 : vector<1000x128xf32>
    %get3A_62 = arith.constant 2 : index
    %get3A_63 = arith.constant 0 : index
    %get3A_64 = arith.constant 0 : index
    %get3A_65 = vector.load %arg6[%get3A_62, %get3A_63, %get3A_64] : memref<3x128x128xf32, #tpu.memory_space<vmem>>, vector<1x128x128xf32>
    %get3A_66 = vector.shape_cast %get3A_65 : vector<1x128x128xf32> to vector<128x128xf32>
    %dot_general3A_67 = arith.constant dense<0.000000e+00> : vector<1000x128xf32>
    %dot_general3A_68 = tpu.matmul %sub3A, %get3A_66, %dot_general3A_67 {dimension_numbers = #tpu.dot_dimension_numbers<[1], [0], [0], [1], [0, 0, 1, 1], [], []>, transpose_lhs_hint = false} : vector<1000x128xf32>, vector<128x128xf32>, vector<1000x128xf32> -> vector<1000x128xf32>
    %add3A_69 = arith.addf %add3A_61, %dot_general3A_68 : vector<1000x128xf32>
    %get3A_70 = arith.constant 0 : index
    %get3A_71 = arith.constant 0 : index
    %get3A_72 = vector.load %arg7[%get3A_70, %get3A_71] : memref<1x128xf32, #tpu.memory_space<vmem>>, vector<1x128xf32>
    %add3A_73 = vector.broadcast %get3A_72 : vector<1x128xf32> to vector<1000x128xf32>
    %add3A_74 = arith.addf %add3A_69, %add3A_73 : vector<1000x128xf32>
    %ge3A = arith.constant 0.000000e+00 : f32
    %ge3A_75 = vector.broadcast %ge3A : f32 to vector<1000x128xf32>
    %ge3A_76 = arith.cmpf oge, %add3A_74, %ge3A_75 : vector<1000x128xf32>
    %mul3A_77 = arith.constant 0.00999999977 : f32
    %mul3A_78 = vector.broadcast %mul3A_77 : f32 to vector<1000x128xf32>
    %mul3A_79 = arith.mulf %mul3A_78, %add3A_74 : vector<1000x128xf32>
    %select_n3A_80 = arith.select %ge3A_76, %add3A_74, %mul3A_79 : vector<1000x128xi1>, vector<1000x128xf32>
    %get3A_81 = arith.constant 0 : index
    %get3A_82 = arith.constant 0 : index
    %get3A_83 = vector.load %arg8[%get3A_81, %get3A_82] : memref<128x128xf32, #tpu.memory_space<vmem>>, vector<128x128xf32>
    %dot_general3A_84 = arith.constant dense<0.000000e+00> : vector<1000x128xf32>
    %dot_general3A_85 = tpu.matmul %select_n3A_80, %get3A_83, %dot_general3A_84 {dimension_numbers = #tpu.dot_dimension_numbers<[1], [0], [0], [1], [0, 0, 1, 1], [], []>, transpose_lhs_hint = false} : vector<1000x128xf32>, vector<128x128xf32>, vector<1000x128xf32> -> vector<1000x128xf32>
    %get3A_86 = arith.constant 0 : index
    %get3A_87 = arith.constant 0 : index
    %get3A_88 = vector.load %arg9[%get3A_86, %get3A_87] : memref<1x128xf32, #tpu.memory_space<vmem>>, vector<1x128xf32>
    %add3A_89 = vector.broadcast %get3A_88 : vector<1x128xf32> to vector<1000x128xf32>
    %add3A_90 = arith.addf %dot_general3A_85, %add3A_89 : vector<1000x128xf32>
    %ge3A_91 = arith.constant 0.000000e+00 : f32
    %ge3A_92 = vector.broadcast %ge3A_91 : f32 to vector<1000x128xf32>
    %ge3A_93 = arith.cmpf oge, %add3A_90, %ge3A_92 : vector<1000x128xf32>
    %mul3A_94 = arith.constant 0.00999999977 : f32
    %mul3A_95 = vector.broadcast %mul3A_94 : f32 to vector<1000x128xf32>
    %mul3A_96 = arith.mulf %mul3A_95, %add3A_90 : vector<1000x128xf32>
    %select_n3A_97 = arith.select %ge3A_93, %add3A_90, %mul3A_96 : vector<1000x128xi1>, vector<1000x128xf32>
    %get3A_98 = arith.constant 0 : index
    %get3A_99 = arith.constant 0 : index
    %get3A_100 = arith.constant 0 : index
    %get3A_101 = vector.load %arg5[%get3A_98, %get3A_99, %get3A_100] : memref<1x1x1000xi32, #tpu.memory_space<vmem>>, vector<1x1x1000xi32>
    %get3A_102 = vector.shape_cast %get3A_101 : vector<1x1x1000xi32> to vector<1000xi32>
    %broadcast_in_dim3A_103 = vector.shape_cast %get3A_102 : vector<1000xi32> to vector<1000x1xi32>
    %iota3A = tpu.iota {dimensions = array<i32: 1>} : vector<1000x64xi32>
    %eq3A = vector.broadcast %broadcast_in_dim3A_103 : vector<1000x1xi32> to vector<1000x64xi32>
    %eq3A_104 = arith.cmpi eq, %eq3A, %iota3A : vector<1000x64xi32>
    %convert_element_type3A = arith.extui %eq3A_104 : vector<1000x64xi1> to vector<1000x64xi32>
    %convert_element_type3A_105 = arith.sitofp %convert_element_type3A : vector<1000x64xi32> to vector<1000x64xf32>
    %get3A_106 = arith.constant 0 : index
    %get3A_107 = arith.constant 0 : index
    %get3A_108 = vector.load %arg10[%get3A_106, %get3A_107] : memref<64x128xf32, #tpu.memory_space<vmem>>, vector<64x128xf32>
    %dot_general3A_109 = arith.constant dense<0.000000e+00> : vector<1000x128xf32>
    %dot_general3A_110 = tpu.matmul %convert_element_type3A_105, %get3A_108, %dot_general3A_109 {dimension_numbers = #tpu.dot_dimension_numbers<[1], [0], [0], [1], [0, 0, 1, 1], [], []>, transpose_lhs_hint = false} : vector<1000x64xf32>, vector<64x128xf32>, vector<1000x128xf32> -> vector<1000x128xf32>
    %mul3A_111 = arith.mulf %select_n3A_97, %dot_general3A_110 : vector<1000x128xf32>
    %reduce_sum3A = arith.constant dense<0.000000e+00> : vector<1000xf32>
    %reduce_sum3A_112 = vector.multi_reduction <add>, %mul3A_111, %reduce_sum3A [1] : vector<1000x128xf32> to vector<1000xf32>
    %broadcast_in_dim3A_113 = vector.shape_cast %reduce_sum3A_112 : vector<1000xf32> to vector<1000x1xf32>
    %mul3A_114 = vector.broadcast %broadcast_in_dim3A_113 : vector<1000x1xf32> to vector<1000x128xf32>
    %mul3A_115 = arith.mulf %mul3A_114, %select_n3A_97 : vector<1000x128xf32>
    %dot_general3A_116 = arith.constant dense<0.000000e+00> : vector<64x128xf32>
    %dot_general3A_117 = tpu.matmul %convert_element_type3A_105, %mul3A_115, %dot_general3A_116 {dimension_numbers = #tpu.dot_dimension_numbers<[0], [0], [1], [1], [0, 1, 1, 1], [], []>, transpose_lhs_hint = false} : vector<1000x64xf32>, vector<1000x128xf32>, vector<64x128xf32> -> vector<64x128xf32>
    %broadcast_in_dim3A_118 = arith.constant 1.000000e+00 : f32
    %broadcast_in_dim3A_119 = vector.broadcast %broadcast_in_dim3A_118 : f32 to vector<1000x128xf32>
    %dot_general3A_120 = arith.constant dense<0.000000e+00> : vector<64x128xf32>
    %dot_general3A_121 = tpu.matmul %convert_element_type3A_105, %broadcast_in_dim3A_119, %dot_general3A_120 {dimension_numbers = #tpu.dot_dimension_numbers<[0], [0], [1], [1], [0, 1, 1, 1], [], []>, transpose_lhs_hint = false} : vector<1000x64xf32>, vector<1000x128xf32>, vector<64x128xf32> -> vector<64x128xf32>
    %eq3A_122 = arith.constant 0 : i32
    %eq3A_123 = arith.cmpi eq, %arg0, %eq3A_122 : i32
    %convert_element_type3A_124 = arith.extui %eq3A_123 : i1 to i32
    %cond3A = arith.constant 0 : i32
    %cond3A_125 = arith.cmpi ne, %convert_element_type3A_124, %cond3A : i32
    scf.if %cond3A_125 {
      %broadcast_in_dim3A_144 = arith.constant 0.000000e+00 : f32
      %broadcast_in_dim3A_145 = vector.broadcast %broadcast_in_dim3A_144 : f32 to vector<64x128xf32>
      %swap3A_146 = arith.constant 0 : index
      %swap3A_147 = arith.constant 0 : index
      %swap3A_148 = vector.load %arg14[%swap3A_146, %swap3A_147] : memref<64x128xf32, #tpu.memory_space<vmem>>, vector<64x128xf32>
      tpu.vector_store %arg14[%swap3A_146, %swap3A_147], %broadcast_in_dim3A_145 {strides = array<i32>} : memref<64x128xf32, #tpu.memory_space<vmem>>, vector<64x128xf32>,
      %broadcast_in_dim3A_149 = arith.constant 0.000000e+00 : f32
      %broadcast_in_dim3A_150 = vector.broadcast %broadcast_in_dim3A_149 : f32 to vector<64x128xf32>
      %swap3A_151 = arith.constant 0 : index
      %swap3A_152 = arith.constant 0 : index
      %swap3A_153 = vector.load %arg15[%swap3A_151, %swap3A_152] : memref<64x128xf32, #tpu.memory_space<vmem>>, vector<64x128xf32>
      tpu.vector_store %arg15[%swap3A_151, %swap3A_152], %broadcast_in_dim3A_150 {strides = array<i32>} : memref<64x128xf32, #tpu.memory_space<vmem>>, vector<64x128xf32>,
    } else {
    }
    %get3A_126 = arith.constant 0 : index
    %get3A_127 = arith.constant 0 : index
    %get3A_128 = vector.load %arg14[%get3A_126, %get3A_127] : memref<64x128xf32, #tpu.memory_space<vmem>>, vector<64x128xf32>
    %add3A_129 = arith.addf %get3A_128, %dot_general3A_117 : vector<64x128xf32>
    %swap3A = arith.constant 0 : index
    %swap3A_130 = arith.constant 0 : index
    %swap3A_131 = vector.load %arg14[%swap3A, %swap3A_130] : memref<64x128xf32, #tpu.memory_space<vmem>>, vector<64x128xf32>
    tpu.vector_store %arg14[%swap3A, %swap3A_130], %add3A_129 {strides = array<i32>} : memref<64x128xf32, #tpu.memory_space<vmem>>, vector<64x128xf32>,
    %get3A_132 = arith.constant 0 : index
    %get3A_133 = arith.constant 0 : index
    %get3A_134 = vector.load %arg15[%get3A_132, %get3A_133] : memref<64x128xf32, #tpu.memory_space<vmem>>, vector<64x128xf32>
    %add3A_135 = arith.addf %get3A_134, %dot_general3A_121 : vector<64x128xf32>
    %swap3A_136 = arith.constant 0 : index
    %swap3A_137 = arith.constant 0 : index
    %swap3A_138 = vector.load %arg15[%swap3A_136, %swap3A_137] : memref<64x128xf32, #tpu.memory_space<vmem>>, vector<64x128xf32>
    tpu.vector_store %arg15[%swap3A_136, %swap3A_137], %add3A_135 {strides = array<i32>} : memref<64x128xf32, #tpu.memory_space<vmem>>, vector<64x128xf32>,
    %eq3A_139 = arith.constant 9 : i32
    %eq3A_140 = arith.cmpi eq, %arg0, %eq3A_139 : i32
    %convert_element_type3A_141 = arith.extui %eq3A_140 : i1 to i32
    %cond3A_142 = arith.constant 0 : i32
    %cond3A_143 = arith.cmpi ne, %convert_element_type3A_141, %cond3A_142 : i32
    scf.if %cond3A_143 {
      %get3A_144 = arith.constant 0 : index
      %get3A_145 = arith.constant 0 : index
      %get3A_146 = vector.load %arg14[%get3A_144, %get3A_145] : memref<64x128xf32, #tpu.memory_space<vmem>>, vector<64x128xf32>
      %get3A_147 = arith.constant 0 : index
      %get3A_148 = arith.constant 0 : index
      %get3A_149 = vector.load %arg15[%get3A_147, %get3A_148] : memref<64x128xf32, #tpu.memory_space<vmem>>, vector<64x128xf32>
      %max3A_150 = arith.constant 1.000000e+00 : f32
      %max3A_151 = vector.broadcast %max3A_150 : f32 to vector<64x128xf32>
      %max3A_152 = arith.maximumf %get3A_149, %max3A_151 : vector<64x128xf32>
      %div3A = arith.divf %get3A_146, %max3A_152 : vector<64x128xf32>
      %get3A_153 = arith.constant 0 : index
      %get3A_154 = arith.constant 0 : index
      %get3A_155 = vector.load %arg12[%get3A_153, %get3A_154] : memref<256x128xf32, #tpu.memory_space<vmem>>, vector<128x128xf32>
      %dot_general3A_156 = arith.constant dense<0.000000e+00> : vector<64x128xf32>
      %dot_general3A_157 = tpu.matmul %div3A, %get3A_155, %dot_general3A_156 {dimension_numbers = #tpu.dot_dimension_numbers<[1], [0], [0], [1], [0, 0, 1, 1], [], []>, transpose_lhs_hint = false} : vector<64x128xf32>, vector<128x128xf32>, vector<64x128xf32> -> vector<64x128xf32>
      %get3A_158 = arith.constant 0 : index
      %get3A_159 = arith.constant 0 : index
      %get3A_160 = vector.load %arg11[%get3A_158, %get3A_159] : memref<64x128xf32, #tpu.memory_space<vmem>>, vector<64x128xf32>
      %get3A_161 = arith.constant 128 : index
      %get3A_162 = arith.constant 0 : index
      %get3A_163 = vector.load %arg12[%get3A_161, %get3A_162] : memref<256x128xf32, #tpu.memory_space<vmem>>, vector<128x128xf32>
      %dot_general3A_164 = arith.constant dense<0.000000e+00> : vector<64x128xf32>
      %dot_general3A_165 = tpu.matmul %get3A_160, %get3A_163, %dot_general3A_164 {dimension_numbers = #tpu.dot_dimension_numbers<[1], [0], [0], [1], [0, 0, 1, 1], [], []>, transpose_lhs_hint = false} : vector<64x128xf32>, vector<128x128xf32>, vector<64x128xf32> -> vector<64x128xf32>
      %add3A_166 = arith.addf %dot_general3A_157, %dot_general3A_165 : vector<64x128xf32>
      %get3A_167 = arith.constant 0 : index
      %get3A_168 = arith.constant 0 : index
      %get3A_169 = vector.load %arg13[%get3A_167, %get3A_168] : memref<1x128xf32, #tpu.memory_space<vmem>>, vector<1x128xf32>
      %add3A_170 = vector.broadcast %get3A_169 : vector<1x128xf32> to vector<64x128xf32>
      %add3A_171 = arith.addf %add3A_166, %add3A_170 : vector<64x128xf32>
      %swap3A_172 = arith.constant 0 : index
      %swap3A_173 = arith.constant 0 : index
      %swap3A_174 = vector.load %arg16[%swap3A_172, %swap3A_173] : memref<64x128xf32, #tpu.memory_space<vmem>>, vector<64x128xf32>
      tpu.vector_store %arg16[%swap3A_172, %swap3A_173], %add3A_171 {strides = array<i32>} : memref<64x128xf32, #tpu.memory_space<vmem>>, vector<64x128xf32>,
    } else {
    }
    return
  }
  func.func @transform_0(%arg0: i32) -> (i32, i32) {
    %c0_i32 = arith.constant 0 : i32
    %c0_i32_0 = arith.constant 0 : i32
    return %arg0, %c0_i32 : i32, i32
  }
  func.func @transform_1(%arg0: i32) -> (i32, i32, i32) {
    %c0_i32 = arith.constant 0 : i32
    %c0_i32_0 = arith.constant 0 : i32
    %c0_i32_1 = arith.constant 0 : i32
    return %c0_i32, %arg0, %c0_i32_0 : i32, i32, i32
  }
  func.func @transform_2(%arg0: i32) -> (i32, i32, i32) {
    %c0_i32 = arith.constant 0 : i32
    %c0_i32_0 = arith.constant 0 : i32
    %c0_i32_1 = arith.constant 0 : i32
    return %c0_i32, %arg0, %c0_i32_0 : i32, i32, i32
  }
  func.func @transform_3(%arg0: i32) -> (i32, i32, i32) {
    %c0_i32 = arith.constant 0 : i32
    %c0_i32_0 = arith.constant 0 : i32
    %c0_i32_1 = arith.constant 0 : i32
    return %arg0, %c0_i32, %c0_i32_0 : i32, i32, i32
  }
  func.func @transform_4(%arg0: i32) -> (i32, i32, i32) {
    %c0_i32 = arith.constant 0 : i32
    %c0_i32_0 = arith.constant 0 : i32
    %c0_i32_1 = arith.constant 0 : i32
    return %arg0, %c0_i32, %c0_i32_0 : i32, i32, i32
  }
  func.func @transform_5(%arg0: i32) -> (i32, i32, i32) {
    %c0_i32 = arith.constant 0 : i32
    %c0_i32_0 = arith.constant 0 : i32
    %c0_i32_1 = arith.constant 0 : i32
    %c0_i32_2 = arith.constant 0 : i32
    return %c0_i32, %c0_i32_0, %c0_i32_1 : i32, i32, i32
  }
  func.func @transform_6(%arg0: i32) -> (i32, i32) {
    %c0_i32 = arith.constant 0 : i32
    %c0_i32_0 = arith.constant 0 : i32
    %c0_i32_1 = arith.constant 0 : i32
    return %c0_i32, %c0_i32_0 : i32, i32
  }
  func.func @transform_7(%arg0: i32) -> (i32, i32) {
    %c0_i32 = arith.constant 0 : i32
    %c0_i32_0 = arith.constant 0 : i32
    %c0_i32_1 = arith.constant 0 : i32
    return %c0_i32, %c0_i32_0 : i32, i32
  }
  func.func @transform_8(%arg0: i32) -> (i32, i32) {
    %c0_i32 = arith.constant 0 : i32
    %c0_i32_0 = arith.constant 0 : i32
    %c0_i32_1 = arith.constant 0 : i32
    return %c0_i32, %c0_i32_0 : i32, i32
  }
  func.func @transform_9(%arg0: i32) -> (i32, i32) {
    %c0_i32 = arith.constant 0 : i32
    %c0_i32_0 = arith.constant 0 : i32
    %c0_i32_1 = arith.constant 0 : i32
    return %c0_i32, %c0_i32_0 : i32, i32
  }
  func.func @transform_10(%arg0: i32) -> (i32, i32) {
    %c0_i32 = arith.constant 0 : i32
    %c0_i32_0 = arith.constant 0 : i32
    %c0_i32_1 = arith.constant 0 : i32
    return %c0_i32, %c0_i32_0 : i32, i32
  }
  func.func @transform_11(%arg0: i32) -> (i32, i32) {
    %c0_i32 = arith.constant 0 : i32
    %c0_i32_0 = arith.constant 0 : i32
    %c0_i32_1 = arith.constant 0 : i32
    return %c0_i32, %c0_i32_0 : i32, i32
  }
  func.func @transform_12(%arg0: i32) -> (i32, i32) {
    %c0_i32 = arith.constant 0 : i32
    %c0_i32_0 = arith.constant 0 : i32
    %c0_i32_1 = arith.constant 0 : i32
    return %c0_i32, %c0_i32_0 : i32, i32
  }
  func.func @transform_13(%arg0: i32) -> (i32, i32) {
    %c0_i32 = arith.constant 0 : i32
    %c0_i32_0 = arith.constant 0 : i32
    %c0_i32_1 = arith.constant 0 : i32
    return %c0_i32, %c0_i32_0 : i32, i32
  }
  func.func @transform_14(%arg0: i32) -> (i32, i32) {
    %c0_i32 = arith.constant 0 : i32
    %c0_i32_0 = arith.constant 0 : i32
    %c0_i32_1 = arith.constant 0 : i32
    return %c0_i32, %c0_i32_0 : i32, i32
  }
  func.func @transform_15(%arg0: i32) -> (i32, i32) {
    %c0_i32 = arith.constant 0 : i32
    %c0_i32_0 = arith.constant 0 : i32
    %c0_i32_1 = arith.constant 0 : i32
    return %c0_i32, %c0_i32_0 : i32, i32
  }
}

</mosaic_0001>

<sc_bundles>
// kernel: kernel.11.cloned.1.call-start
scs
__scs_entry_jumppad:
0x0: {  	(pc) =	sbr.rel $0x88, $3  }
0x1: {  	(tag) =	ssettag $0x0;
	lr =	simm.s32 $0x1  }
0x2: {  	[smem:$0x3F89] =	sst lr;
	_ =	strace $0xD0000000  }
0x3: {  	_ = 	snop  }
0x4: {  	_ = 	snop  }
0x5: {  	_ = 	snop  }
0x6: {  	_ = 	snop  }
0x7: {  	_ = 	snop  }
__scs_overlays_trampoline_lowered:
0x8: {  	[smem:$0x3F98] =	sst s0  }
0x9: {  	[smem:$0x3F99] =	sst s1  }
0xa: {  	[smem:$0x3F9A] =	sst s2  }
0xb: {  	[smem:$0x3F9B] =	sst s3  }
0xc: {  	[smem:$0x3F9C] =	sst s4  }
0xd: {  	[smem:$0x3F9D] =	sst s5  }
0xe: {  	[smem:$0x3F9E] =	sst s6  }
0xf: {  	[smem:$0x3F9F] =	sst s7  }
0x10: {  	[smem:$0x3FA0] =	sst s8  }
0x11: {  	[smem:$0x3FA1] =	sst s9;
	s0 =	simm.s32 @!p0 $0x0  }
0x12: {  	s1 =	sld [smem:$0x3F87];
	s0 =	simm.s32 @p0 $0x1  }
0x13: {  	[smem:$0x3FA2] =	sst s0;
	s0 =	simm.s32 @!p1 $0x0  }
0x14: {  	s2 =	sld [smem:$0x3F86];
	s0 =	simm.s32 @p1 $0x1  }
0x15: {  	[smem:$0x3FA3] =	sst s0;
	s0 =	simm.s32 @!p2 $0x0  }
0x16: {  	s3 =	sld [smem:$0x3FDB];
	s0 =	simm.s32 @p2 $0x1  }
0x17: {  	s4 =	simm.s32 $0x1BF5;
	[smem:$0x3FA5] =	sst s0  }
0x18: {  	s0 =	sld [smem:$0x3F88];
	_ =	swait.ge [sflag:s4], $0x0  }
0x19: {  	s7 =	sld [smem:$0x3F89]  }
0x1a: {  	s8 =	sadd.s32 $0xFFFFE003, lr  }
0x1b: {  	s9 =	sadd.s32 $0xFFFFFEF7, lr;
	s5 =	simm.s32 $0xFFFFFFFF;
	p2 =	slt.u32 s8, $0xFFFFF086  }
0x1c: {  	p1 =	slt.u32 s9, $0xF7A;
	s5 =	simm.s32 @!p2 $0x0  }
0x1d: {  	s5 =	simm.s32 @p1 $0x1;
	p0 =	seq.s32 s7, s2  }
0x1e: {  	s7 =	smul.u32 @!p0 $0xF7A, s2;
	p2 =	seq.s32 @!p0 s5, $0x0  }
0x1f: {  	s9 =	smul.u32 $0xF7A, s1;
	s8 =	simm.s32 @!p0 $0x1BF5;
	p2 =	por !p2, p0  }
0x20: {  	[sflag:s8] =	ssyncset.s32 @!p0 $0xFFFFF086;
	s6 =	sadd.s32 @!p0 s3, s7;
	s7 =	simm.s32 @!p0 $0x108  }
0x21: {  	s3 =	sadd.s32 s3, s9;
	s6 =	sadd.s32 @!p0 $0x88, s6;
	s7 =	simm.s32 @p2 $0x1082  }
0x22: {  	[simem:s7], [sflag:s8] =	dma.local @!p0 [hbm:s6], $0xF7A  }
0x23: {  	s9 =	sor.u32 $0xD0000000, s2;
	s6 =	simm.s32 $0x108;
	_ =	swait.ge @!p0 [sflag:s8], $0x0  }
0x24: {  	s3 =	sadd.s32 $0x88, s3;
	s6 =	simm.s32 @!p1 $0x1082;
	[sflag:s4] =	ssyncset.s32 $0xFFFFF086  }
0x25: {  	[simem:s6], [sflag:s4] =	dma.local [hbm:s3], $0xF7A  }
0x26: {  	[smem:$0x3F89] =	sst s1;
	(tag) =	ssettag s2;
	_ =	strace s9  }
0x27: {  	s1 =	sld [smem:$0x3F99]  }
0x28: {  	s2 =	sld [smem:$0x3F9A]  }
0x29: {  	s4 =	sld [smem:$0x3F9C]  }
0x2a: {  	p0 =	seq.s32 s5, $0x0;
	s5 =	sld [smem:$0x3F9D]  }
0x2b: {  	s6 =	sld [smem:$0x3F9E]  }
0x2c: {  	s7 =	sld [smem:$0x3F9F]  }
0x2d: {  	s3 =	simm.s32 $0x108;
	s8 =	sld [smem:$0x3FA0]  }
0x2e: {  	s3 =	simm.s32 @!p0 $0x1082;
	s9 =	sld [smem:$0x3FA1]  }
0x2f: {  	lr =	sadd.s32 s0, s3;
	s0 =	sld [smem:$0x3F98]  }
0x30: {  	s3 =	sld [smem:$0x3F9B]  }
0x31: {  	[smem:$0x3FA4] =	sst s10  }
0x32: {  	s10 =	sld [smem:$0x3FA2];
	_ =	sdelay $0x3  }
0x33: {  	p0 =	seq.s32 s10, $0x1;
	s10 =	sld [smem:$0x3FA4];
	_ =	sdelay $0x3  }
0x34: {  	[smem:$0x3FA4] =	sst s10  }
0x35: {  	s10 =	sld [smem:$0x3FA3];
	_ =	sdelay $0x3  }
0x36: {  	p1 =	seq.s32 s10, $0x1;
	s10 =	sld [smem:$0x3FA4];
	_ =	sdelay $0x3  }
0x37: {  	[smem:$0x3FA4] =	sst s10  }
0x38: {  	s10 =	sld [smem:$0x3FA5]  }
0x39: {  	_ = 	snop;
	(pc) =	sbr.ind lr, $3  }
0x3a: {  	_ = 	snop  }
0x3b: {  	_ = 	snop  }
0x3c: {  	p2 =	seq.s32 s10, $0x1;
	s10 =	sld [smem:$0x3FA4]  }
0x3d: {  	_ =	shalt  }
0x3e: {  	_ =	shalt  }
0x3f: {  	_ =	shalt  }
0x40: {  	_ =	shalt  }
0x41: {  	_ =	shalt  }
0x42: {  	_ =	shalt  }
0x43: {  	_ =	shalt  }
0x44: {  	_ =	shalt  }
0x45: {  	_ =	shalt  }
0x46: {  	_ =	shalt  }
0x47: {  	_ =	shalt  }
0x48: {  	_ =	shalt  }
0x49: {  	_ =	shalt  }
0x4a: {  	_ =	shalt  }
0x4b: {  	_ =	shalt  }
0x4c: {  	_ =	shalt  }
0x4d: {  	_ =	shalt  }
0x4e: {  	_ =	shalt  }
0x4f: {  	_ =	shalt  }
0x50: {  	_ =	shalt  }
0x51: {  	_ =	shalt  }
0x52: {  	_ =	shalt  }
0x53: {  	_ =	shalt  }
0x54: {  	_ =	shalt  }
0x55: {  	_ =	shalt  }
0x56: {  	_ =	shalt  }
0x57: {  	_ =	shalt  }
0x58: {  	_ =	shalt  }
0x59: {  	_ =	shalt  }
0x5a: {  	_ =	shalt  }
0x5b: {  	_ =	shalt  }
0x5c: {  	_ =	shalt  }
0x5d: {  	_ =	shalt  }
0x5e: {  	_ =	shalt  }
0x5f: {  	_ =	shalt  }
0x60: {  	_ =	shalt  }
0x61: {  	_ =	shalt  }
0x62: {  	_ =	shalt  }
0x63: {  	_ =	shalt  }
0x64: {  	_ =	shalt  }
0x65: {  	_ =	shalt  }
0x66: {  	_ =	shalt  }
0x67: {  	_ =	shalt  }
0x68: {  	_ =	shalt  }
0x69: {  	_ =	shalt  }
0x6a: {  	_ =	shalt  }
0x6b: {  	_ =	shalt  }
0x6c: {  	_ =	shalt  }
0x6d: {  	_ =	shalt  }
0x6e: {  	_ =	shalt  }
0x6f: {  	_ =	shalt  }
0x70: {  	_ =	shalt  }
0x71: {  	_ =	shalt  }
0x72: {  	_ =	shalt  }
0x73: {  	_ =	shalt  }
0x74: {  	_ =	shalt  }
0x75: {  	_ =	shalt  }
0x76: {  	_ =	shalt  }
0x77: {  	_ =	shalt  }
0x78: {  	_ =	shalt  }
0x79: {  	_ =	shalt  }
0x7a: {  	_ =	shalt  }
0x7b: {  	_ =	shalt  }
0x7c: {  	_ =	shalt  }
0x7d: {  	_ =	shalt  }
0x7e: {  	_ =	shalt  }
0x7f: {  	_ =	shalt  }
0x80: {  	_ =	shalt  }
0x81: {  	_ =	shalt  }
0x82: {  	_ =	shalt  }
0x83: {  	_ =	shalt  }
0x84: {  	_ =	shalt  }
0x85: {  	_ =	shalt  }
0x86: {  	_ =	shalt  }
0x87: {  	_ =	shalt  }
.Lfunc_end0:
.L_simem_size_0:
called_computation.1_lowered:
.L_overlay_start_0:
0x88: {  	s2 =	sld [smem:$0x3FD9]  }
0x89: {  	s3 =	sld [smem:$0x3FFE];
	_ =	sdelay $0x1  }
0x8a: {  	s1 =	srdreg.scid  }
0x8b: {  	s0 =	sand.u32 $0x1, s1  }
0x8c: {  	s16 =	sshll.u32 s0, $0xA;
	s2 =	sadd.s32 s3, s2  }
0x8d: {  	s2 =	sadd.s32 s2, s16  }
0x8e: {  	[smem:$0x3FB0] =	sst s2  }
0x8f: {  	_ = 	snop  }
0x90: {  	(tm) =	ssettm $0x1  }
0x91: {  	s17 =	sld [smem:$0x3FFB];
	_ =	sdelay $0x3  }
0x92: {  	_ =	strace s17  }
0x93: {  	s2 =	sld [smem:$0x3FFC];
	_ =	sdelay $0x3  }
0x94: {  	_ =	strace s2  }
0x95: {  	s2 =	sld [smem:$0x3FFD];
	_ =	sdelay $0x3  }
0x96: {  	_ =	strace s2  }
0x97: {  	_ =	strace $0x8FFFFFFF  }
0x98: {  	s18 =	sld [smem:$0x3FDB];
	_ =	sdelay $0x1  }
0x99: {  	s19 =	simm.s32 $_scs_section_size  }
0x9a: {  	s4 =	simm.s32 $_size__tile_overlayer_lowered;
	s5 =	simm.s32 $_tile_overlayer_lowered  }
0x9b: {  	s22 =	simm.s32 $0x1BFF;
	s21 =	sshll.u32 s5, $0x1;
	s2 =	sadd.s32 s19, s18  }
0x9c: {  	s6 =	simm.s32 $0x0;
	s20 =	sshll.u32 s4, $0x1;
	s4 =	sadd.s32 s21, s2  }
0x9d: {  	[timem:s6], [sflag:s22] =	dma.local [hbm:s4], s20  }
0x9e: {  	_ =	swait.ge [sflag:s22], s20  }
0x9f: {  	s3 =	ssub.s32 $0x0, s20;
	[sflag:s22] =	ssyncset.done $0x0  }
0xa0: {  	[sflag:s22] =	ssyncadd.s32 s3;
	_ =	sdelay $0x1  }
0xa1: {  	s23 =	simm.s32 $0x1B8B  }
0xa2: {  	_ =	swait.ge [sflag:s23], $0x1  }
0xa3: {  	[sflag:s23] =	ssyncset.done $0x0  }
0xa4: {  	s25 =	simm.s32 $0x1B8E;
	s24 =	sld [smem:$0x3FFE];
	[sflag:s23] =	ssyncadd.s32 $0xFFFFFFFF  }
0xa5: {  	s26 =	simm.s32 $execute0_lowered;
	[smem:$0x3FD2] =	sst s25  }
0xa6: {  	s4 =	sshll.u32 s26, $0x1;
	_ =	strace $0x80000049;
	[dreg:$0x1] =	wrdreg $0xFFFFFFFF  }
0xa7: {  	s28 =	simm.s32 $_size_execute0_lowered;
	s2 =	sadd.s32 s2, s4;
	[dreg:$0x0] =	wrdreg $0x0  }
0xa8: {  	s4 =	sshll.u32 s28, $0x1;
	[dreg:$0x2] =	wrdreg s2  }
0xa9: {  	[dreg:$0x3] =	wrdreg s4  }
0xaa: {  	[dreg:$0x4] =	wrdreg $0xC0  }
0xab: {  	_ =	task [dreg:s6], $0x5FFFF  }
0xac: {  	[dreg:$0x1] =	wrdreg $0xFFFFFFFF  }
0xad: {  	[dreg:$0x0] =	wrdreg $0x60  }
0xae: {  	[dreg:$0x2] =	wrdreg s24  }
0xaf: {  	[dreg:$0x3] =	wrdreg $0xB0000  }
0xb0: {  	[dreg:$0x4] =	wrdreg $0x9  }
0xb1: {  	_ =	task.clear_ibuf [dreg:s6], $0x5FFFF;
	_ =	strace $0x90000049  }
0xb2: {  	s29 =	simm.s32 $0x9;
	_ =	strace $0x8000004B  }
0xb3: {  	_ =	swait.ge [sflag:s29], $0x1  }
0xb4: {  	[sflag:s29] =	ssyncadd.s32 $0xFFFFFFFF  }
0xb5: {  	_ =	strace $0x9000004B  }
0xb6: {  	_ =	sfence  }
0xb7: {  	s30 =	sld [smem:$0x0];
	_ =	sdelay $0x2  }
0xb8: {  	s31 =	sshll.u32 s1, $0xD;
	s1 =	sshrl.u32 s1, $0x2  }
0xb9: {  	s3 =	sand.u32 $0x4000, s31;
	s1 =	sadd.s32 s1, s30  }
0xba: {  	s0 =	sor.u32 s3, s0;
	s1 =	sshll.u32 s1, $0x11  }
0xbb: {  	s0 =	sor.u32 s1, s0  }
0xbc: {  	s0 =	sadd.s32 $0x8F2B, s0  }
0xbd: {  	[sflag:s0] =	ssyncadd.remote.s32 $0x1  }
0xbe: {  	_ =	sfence.sel $0xFFFF  }
0xbf: {  	[dreg:$0x0] =	wrdreg $0xFFFFFFFF;
	(pc) =	sbr.abs _section_cstart, $3  }
0xc0: {  	[dreg:$0x1] =	wrdreg $0xFFFFFFFF  }
0xc1: {  	_ =	task.clear_ibuf [dreg:s6], $0x2FFFF;
	_ =	strace $0x9FFFFFFF  }
0xc2: {  	(tm) =	ssettm $0x7FFFFFFF  }
0xc3: {  	_ =	shalt  }
tec
execute0_lowered:
.L_overlay_start_1:
0x0: {  	(tag) =	ssettag $0x1  }
0x1: {  	s5 =	rddreg [dreg:$0x0];
	s0 =	srdreg.scid  }
0x2: {  	s2 =	rddreg [dreg:$0x1];
	s1 =	stileid.u32  }
0x3: {  	s3 =	simm.s32 $0x0;
	s17 =	simm.s32 $0x7000;
	s7 =	smul.u32 $0xA000, s1  }
0x4: {  	s18 =	simm.s32 $0x1;
	s19 =	simm.s32 $0x2;
	s12 =	smul.u32 $0xA00, s1  }
0x5: {  	s20 =	simm.s32 $0x0;
	s6 =	sand.u32 $0x1, s0;
	s29 =	smul.u32 $0x5000, s1  }
0x6: {  	[smem:$0x7FF] =	sst s3;
	s10 =	sadd.s32 $0xE800, s5;
	s4 =	smul.u32 $0x13880, s6  }
0x7: {  	s11 =	sadd.s32 $0x3C00, s5;
	s8 =	smul.u32 $0xA0000, s6;
	s6 =	ssub.s32 $0x2, s6  }
0x8: {  	s30 =	sshll.u32 s1, $0x6;
	_ =	strace $0x8000004A;
	s28 =	sshrl.u32 s6, $0x1  }
0x9: {  	s15 =	sadd.s32 s7, s2;
	s16 =	sshrl.u32 s29, $0x3;
	s9 =	sadd.s32 s4, s5  }
0xa: {  	s4 =	sadd.s32 $0x3FA00, s5;
	s8 =	sadd.s32 s7, s8;
	s14 =	ssub.s32 s6, s28  }
0xb: {  	s6 =	sadd.s32 s10, s12;
	s7 =	sadd.s32 s11, s12;
	s31 =	sadd.s32 $0x500, s16  }
0xc: {  	s16 =	simm.s32 $0x5000;
	s8 =	sshrl.u32 s8, $0x3;
	s12 =	smax.u32 s14, $0x1  }
0xd: {  	s14 =	simm.s32 $0x3;
	s13 =	sadd.s32 s8, s5;
	s5 =	sor.u32 $0x1C03, s30  }
0xe: {  	s8 =	sadd.s32 $0x18800, s9;
	s9 =	sadd.s32 s10, s31;
	s10 =	sadd.s32 s11, s31  }
0xf: {  	s11 =	sadd.s32 $0x40E00, s13;
	s13 =	sshrl.u32 s15, $0x3;
	s15 =	simm.s32 $0x80  }
.LBB2_1:
0x10: {  	[spmem:s13], [sflag:s5] =	dma.local [hbm:s4], $0x1400  }
0x11: {  	_ =	swait.ge [sflag:s14], $0x1400  }
0x12: {  	[sflag:s14] =	ssyncset.done $0x0  }
0x13: {  	[sflag:s14] =	ssyncadd.s32 $0xFFFFEC00  }
0x14: {  	[bflag:$0x0] =	sbarrier.arrive $0xFFFF  }
0x15: {  	[tilespmem:s3], [sflag:$0x3] =	stream.linear.gather [hbm4b:s6+s3], $0x2800, $0x38;
	[tilespmem:$0x15000] =	vst v63  }
0x16: {  	s23 =	simm.s32 $0x2800;
	s22 =	smul.u32 $0xAB, s3;
	_ =	swait.ge [sflag:s14], $0x2800  }
0x17: {  	s21 =	simm.s32 $0x1;
	s25 =	simm.s32 $0x2;
	[sflag:s14] =	ssyncset.done $0x0  }
0x18: {  	p0 =	por $0x0, $0x0;
	s26 =	simm.s32 $0x100;
	[sflag:s14] =	ssyncadd.s32 $0xFFFFD800  }
0x19: {  	[tilespmem:s23], [sflag:$0x3] =	stream.linear.gather [hbm4b:s7+s3], $0x2800, $0x38;
	[tilespmem:$0x15000] =	vst v63  }
0x1a: {  	p1 =	por @!p0 $0x1, $0x1;
	s24 =	sshrl.u32 s22, $0x9;
	_ =	swait.ge [sflag:s14], $0x2800  }
0x1b: {  	s28 =	smul.u32 @!p0 $0xAB, s25;
	s24 =	sand.u32 $0x7F, s24;
	[sflag:s14] =	ssyncset.done $0x0  }
0x1c: {  	s25 =	simm.s32 $0x2;
	s24 =	smul.u32 $0x3, s24;
	[sflag:s14] =	ssyncadd.s32 $0xFFFFD800  }
0x1d: {  	[tilespmem:s16], [sflag:$0x1] =	stream.indirect.gather [hbm4b:s8+s15], $0x40, s3, s15, $0xb8;
	[tilespmem:$0x15000] =	vst v63  }
0x1e: {  	s22 =	smul.u32 $0xAB, s21;
	p1 =	por p1, p0;
	s24 =	ssub.s32 $0x0, s24  }
0x1f: {  	[tilespmem:s17], [sflag:$0x1] =	stream.indirect.gather [hbm4b:s8+s15], $0x40, s15, s15, $0xb8;
	[tilespmem:$0x15000] =	vst v63  }
0x20: {  	s28 =	sshrl.u32 @!p0 s28, $0x9;
	s24 =	sand.u32 $0xFF, s24;
	_ =	swait.ge [sflag:s18], $0x2000  }
0x21: {  	s28 =	sand.u32 @!p0 $0x7F, s28;
	s24 =	sshll.u32 s24, $0xD;
	[sflag:s18] =	ssyncset.done $0x0  }
0x22: {  	s30 =	smul.u32 @!p0 $0x3, s28;
	s24 =	sadd.s32 $0x5000, s24;
	[sflag:s18] =	ssyncadd.s32 $0xFFFFE000  }
0x23: {  	[spmem:s2] =	stream.indirect.scatter.add.f32 [tilespmem:s24], [sflag:$0x2], $0x40, s23, s15, $0xb8;
	[tilespmem:$0x15000] =	vst v63  }
0x24: {  	s29 =	simm.s32 @!p1 $0x2;
	s28 =	simm.s32 @!p0 $0x80;
	s23 =	ssub.s32 @!p0 $0x2, s30  }
0x25: {  	s24 =	simm.s32 $0x2880;
	_ =	swait.ge @!p1 [sflag:s29], $0x2000;
	s23 =	sand.u32 @!p0 $0xFF, s23  }
0x26: {  	[sflag:s29] =	ssyncset.done @!p1 $0x0;
	s30 =	sshll.u32 @!p0 s23, $0xD;
	s23 =	simm.s32 $0x180  }
.LBB2_2:
0x27: {  	s31 =	smul.u32 $0xAB, s25  }
0x28: {  	[sflag:s29] =	ssyncadd.s32 @!p1 $0xFFFFE000;
	s29 =	sadd.s32 @!p0 $0x5000, s30;
	s30 =	smov.u32 s25  }
0x29: {  	[tilespmem:s29], [sflag:$0x1] =	stream.indirect.gather @!p0 [hbm4b:s8+s28], $0x40, s26, s28, $0xb8;
	[tilespmem:$0x15000] =	vst v63  }
0x2a: {  	s26 =	sshrl.u32 s22, $0x9  }
0x2b: {  	s25 =	sadd.s32 $0x1, s25;
	s22 =	smov.u32 s31;
	s26 =	sand.u32 $0x7F, s26  }
0x2c: {  	p0 =	sgt.u32 s21, $0x4D;
	s31 =	sadd.s32 $0x2, s21;
	s29 =	smul.u32 $0x3, s26  }
0x2d: {  	p1 =	seq.s32 @!p0 s21, $0x0;
	s28 =	simm.s32 @!p0 $0x80;
	s0 =	smul.u32 @!p0 $0xAB, s31  }
0x2e: {  	p2 =	sne.s32 s25, $0x50;
	s26 =	smov.u32 s23;
	p1 =	por p1, p0  }
0x2f: {  	s29 =	ssub.s32 s21, s29;
	s21 =	smov.u32 s30;
	s0 =	sshrl.u32 @!p0 s0, $0x9  }
0x30: {  	s29 =	sand.u32 $0xFF, s29;
	s0 =	sand.u32 @!p0 $0x7F, s0;
	_ =	swait.ge [sflag:s18], $0x2000  }
0x31: {  	s29 =	sshll.u32 s29, $0xD;
	s0 =	smul.u32 @!p0 $0x3, s0;
	[sflag:s18] =	ssyncset.done $0x0  }
.Ltmp0:
0x32: {  	s29 =	sadd.s32 $0x5000, s29;
	[sflag:s18] =	ssyncadd.s32 $0xFFFFE000;
	(pc) =	sbr.rel @p2 .LBB2_2-.Ltmp0, $4  }
0x33: {  	[spmem:s2] =	stream.indirect.scatter.add.f32 [tilespmem:s29], [sflag:$0x2], $0x40, s24, s15, $0xb8;
	[tilespmem:$0x15000] =	vst v63  }
0x34: {  	s0 =	ssub.s32 @!p0 s31, s0;
	s29 =	simm.s32 @!p1 $0x2  }
0x35: {  	s0 =	sand.u32 @!p0 $0xFF, s0;
	s24 =	sadd.s32 $0x80, s24;
	_ =	swait.ge @!p1 [sflag:s29], $0x2000  }
0x36: {  	s23 =	sadd.s32 $0x80, s23;
	s30 =	sshll.u32 @!p0 s0, $0xD;
	[sflag:s29] =	ssyncset.done @!p1 $0x0  }
0x37: {  	[sflag:s29] =	ssyncadd.s32 @!p1 $0xFFFFE000;
	s0 =	sadd.s32 @!p0 $0x5000, s30;
	s25 =	sshrl.u32 s22, $0x9  }
0x38: {  	[tilespmem:s0], [sflag:$0x1] =	stream.indirect.gather @!p0 [hbm4b:s8+s28], $0x40, s26, s28, $0xb8;
	[tilespmem:$0x15000] =	vst v63  }
0x39: {  	s0 =	sand.u32 $0x7F, s25  }
0x3a: {  	s22 =	sadd.s32 $0x2, s21;
	p0 =	sgt.u32 s21, $0x4D;
	s0 =	smul.u32 $0x3, s0  }
0x3b: {  	s25 =	smul.u32 @!p0 $0xAB, s22  }
0x3c: {  	p1 =	seq.s32 @!p0 s21, $0x0;
	_ =	swait.ge [sflag:s18], $0x2000;
	s0 =	ssub.s32 s21, s0  }
0x3d: {  	p1 =	por p1, p0;
	s21 =	sshrl.u32 @!p0 s25, $0x9;
	s0 =	sand.u32 $0xFF, s0  }
0x3e: {  	[sflag:s18] =	ssyncset.done $0x0;
	s21 =	sand.u32 @!p0 $0x7F, s21;
	s0 =	sshll.u32 s0, $0xD  }
0x3f: {  	[sflag:s18] =	ssyncadd.s32 $0xFFFFE000;
	s21 =	smul.u32 @!p0 $0x3, s21;
	s0 =	sadd.s32 $0x5000, s0  }
0x40: {  	[spmem:s2] =	stream.indirect.scatter.add.f32 [tilespmem:s0], [sflag:$0x2], $0x40, s24, s15, $0xb8;
	[tilespmem:$0x15000] =	vst v63  }
0x41: {  	s0 =	simm.s32 @!p1 $0x2;
	s21 =	ssub.s32 @!p0 s22, s21  }
0x42: {  	_ =	swait.ge @!p1 [sflag:s0], $0x2000;
	s21 =	sand.u32 @!p0 $0xFF, s21  }
0x43: {  	[sflag:s0] =	ssyncset.done @!p1 $0x0;
	s21 =	sshll.u32 @!p0 s21, $0xD  }
0x44: {  	s22 =	simm.s32 @!p0 $0x80;
	[sflag:s0] =	ssyncadd.s32 @!p1 $0xFFFFE000;
	s0 =	sadd.s32 @!p0 $0x5000, s21  }
0x45: {  	[tilespmem:s0], [sflag:$0x1] =	stream.indirect.gather @!p0 [hbm4b:s8+s22], $0x40, s23, s22, $0xb8;
	[tilespmem:$0x15000] =	vst v63  }
0x46: {  	_ =	swait.ge [sflag:s19], $0x2000  }
0x47: {  	[sflag:s19] =	ssyncset.done $0x0  }
0x48: {  	[sflag:s19] =	ssyncadd.s32 $0xFFFFE000  }
0x49: {  	_ =	swait.ge [sflag:s19], $0x2000  }
0x4a: {  	[sflag:s19] =	ssyncset.done $0x0  }
0x4b: {  	[sflag:s19] =	ssyncadd.s32 $0xFFFFE000  }
0x4c: {  	_ =	swait.ge [sflag:s19], $0x2000  }
0x4d: {  	[sflag:s19] =	ssyncset.done $0x0  }
0x4e: {  	s26 =	simm.s32 $0x0;
	[sflag:s19] =	ssyncadd.s32 $0xFFFFE000  }
0x4f: {  	[tilespmem:s26], [sflag:$0x3] =	stream.linear.gather [hbm4b:s9+s26], $0x2800, $0x38;
	[tilespmem:$0x15000] =	vst v63  }
0x50: {  	s31 =	simm.s32 $0x2800;
	s25 =	simm.s32 $0x2;
	_ =	swait.ge [sflag:s14], $0x2800  }
0x51: {  	s21 =	simm.s32 $0x1;
	s0 =	smul.u32 $0xAB, s26;
	[sflag:s14] =	ssyncset.done $0x0  }
0x52: {  	s24 =	simm.s32 $0x2;
	s22 =	smul.u32 $0xAB, s21;
	[sflag:s14] =	ssyncadd.s32 $0xFFFFD800  }
0x53: {  	[tilespmem:s31], [sflag:$0x3] =	stream.linear.gather [hbm4b:s10+s26], $0x2800, $0x38;
	[tilespmem:$0x15000] =	vst v63  }
0x54: {  	p0 =	por $0x0, $0x0;
	s0 =	sshrl.u32 s0, $0x9;
	_ =	swait.ge [sflag:s14], $0x2800  }
0x55: {  	s23 =	simm.s32 $0x180;
	s0 =	sand.u32 $0x7F, s0;
	[sflag:s14] =	ssyncset.done $0x0  }
0x56: {  	p1 =	por @!p0 $0x1, $0x1;
	s0 =	smul.u32 $0x3, s0;
	[sflag:s14] =	ssyncadd.s32 $0xFFFFD800  }
0x57: {  	[tilespmem:s16], [sflag:$0x1] =	stream.indirect.gather [hbm4b:s8+s15], $0x40, s26, s15, $0xb8;
	[tilespmem:$0x15000] =	vst v63  }
0x58: {  	s24 =	smul.u32 @!p0 $0xAB, s24;
	p1 =	por p1, p0;
	s0 =	ssub.s32 $0x0, s0  }
0x59: {  	[tilespmem:s17], [sflag:$0x1] =	stream.indirect.gather [hbm4b:s8+s15], $0x40, s15, s15, $0xb8;
	[tilespmem:$0x15000] =	vst v63  }
0x5a: {  	s24 =	sshrl.u32 @!p0 s24, $0x9;
	s0 =	sand.u32 $0xFF, s0;
	_ =	swait.ge [sflag:s18], $0x2000  }
0x5b: {  	s24 =	sand.u32 @!p0 $0x7F, s24;
	s0 =	sshll.u32 s0, $0xD;
	[sflag:s18] =	ssyncset.done $0x0  }
0x5c: {  	s24 =	smul.u32 @!p0 $0x3, s24;
	s0 =	sadd.s32 $0x5000, s0;
	[sflag:s18] =	ssyncadd.s32 $0xFFFFE000  }
0x5d: {  	[spmem:s2] =	stream.indirect.scatter.add.f32 [tilespmem:s0], [sflag:$0x2], $0x40, s31, s15, $0xb8;
	[tilespmem:$0x15000] =	vst v63  }
0x5e: {  	s28 =	simm.s32 @!p0 $0x80;
	s29 =	simm.s32 @!p1 $0x2;
	s0 =	ssub.s32 @!p0 $0x2, s24  }
0x5f: {  	s26 =	simm.s32 $0x100;
	_ =	swait.ge @!p1 [sflag:s29], $0x2000;
	s0 =	sand.u32 @!p0 $0xFF, s0  }
0x60: {  	s24 =	simm.s32 $0x2880;
	[sflag:s29] =	ssyncset.done @!p1 $0x0;
	s30 =	sshll.u32 @!p0 s0, $0xD  }
.LBB2_4:
0x61: {  	s0 =	smul.u32 $0xAB, s25;
	[sflag:s29] =	ssyncadd.s32 @!p1 $0xFFFFE000;
	s29 =	sadd.s32 @!p0 $0x5000, s30  }
0x62: {  	s30 =	smov.u32 s25;
	s25 =	sadd.s32 $0x1, s25;
	s31 =	sadd.s32 $0x2, s21  }
0x63: {  	[tilespmem:s29], [sflag:$0x1] =	stream.indirect.gather @!p0 [hbm4b:s8+s28], $0x40, s26, s28, $0xb8;
	[tilespmem:$0x15000] =	vst v63  }
0x64: {  	s26 =	sshrl.u32 s22, $0x9;
	p0 =	sgt.u32 s21, $0x4D;
	s22 =	smov.u32 s0  }
0x65: {  	s0 =	sand.u32 $0x7F, s26;
	s29 =	smul.u32 @!p0 $0xAB, s31  }
0x66: {  	p1 =	seq.s32 @!p0 s21, $0x0;
	s28 =	simm.s32 @!p0 $0x80;
	s0 =	smul.u32 $0x3, s0  }
0x67: {  	p2 =	sne.s32 s25, $0x50;
	s26 =	smov.u32 s23;
	p1 =	por p1, p0  }
0x68: {  	s29 =	sshrl.u32 @!p0 s29, $0x9;
	s0 =	ssub.s32 s21, s0;
	s21 =	smov.u32 s30  }
0x69: {  	s29 =	sand.u32 @!p0 $0x7F, s29;
	s0 =	sand.u32 $0xFF, s0;
	_ =	swait.ge [sflag:s18], $0x2000  }
0x6a: {  	s30 =	smul.u32 @!p0 $0x3, s29;
	s0 =	sshll.u32 s0, $0xD;
	[sflag:s18] =	ssyncset.done $0x0  }
.Ltmp1:
0x6b: {  	s0 =	sadd.s32 $0x5000, s0;
	[sflag:s18] =	ssyncadd.s32 $0xFFFFE000;
	(pc) =	sbr.rel @p2 .LBB2_4-.Ltmp1, $4  }
0x6c: {  	[spmem:s2] =	stream.indirect.scatter.add.f32 [tilespmem:s0], [sflag:$0x2], $0x40, s24, s15, $0xb8;
	[tilespmem:$0x15000] =	vst v63  }
0x6d: {  	s29 =	simm.s32 @!p1 $0x2;
	s0 =	ssub.s32 @!p0 s31, s30  }
0x6e: {  	s24 =	sadd.s32 $0x80, s24;
	s0 =	sand.u32 @!p0 $0xFF, s0;
	_ =	swait.ge @!p1 [sflag:s29], $0x2000  }
0x6f: {  	s23 =	sadd.s32 $0x80, s23;
	s30 =	sshll.u32 @!p0 s0, $0xD;
	[sflag:s29] =	ssyncset.done @!p1 $0x0  }
0x70: {  	[sflag:s29] =	ssyncadd.s32 @!p1 $0xFFFFE000;
	s0 =	sadd.s32 @!p0 $0x5000, s30;
	s31 =	sshrl.u32 s22, $0x9  }
0x71: {  	[tilespmem:s0], [sflag:$0x1] =	stream.indirect.gather @!p0 [hbm4b:s8+s28], $0x40, s26, s28, $0xb8;
	[tilespmem:$0x15000] =	vst v63  }
0x72: {  	s0 =	sand.u32 $0x7F, s31  }
0x73: {  	s22 =	sadd.s32 $0x2, s21;
	p0 =	sgt.u32 s21, $0x4D;
	s0 =	smul.u32 $0x3, s0  }
0x74: {  	s25 =	smul.u32 @!p0 $0xAB, s22  }
0x75: {  	p1 =	seq.s32 @!p0 s21, $0x0;
	_ =	swait.ge [sflag:s18], $0x2000;
	s0 =	ssub.s32 s21, s0  }
0x76: {  	p1 =	por p1, p0;
	s21 =	sshrl.u32 @!p0 s25, $0x9;
	s0 =	sand.u32 $0xFF, s0  }
0x77: {  	[sflag:s18] =	ssyncset.done $0x0;
	s21 =	sand.u32 @!p0 $0x7F, s21;
	s0 =	sshll.u32 s0, $0xD  }
0x78: {  	[sflag:s18] =	ssyncadd.s32 $0xFFFFE000;
	s21 =	smul.u32 @!p0 $0x3, s21;
	s0 =	sadd.s32 $0x5000, s0  }
0x79: {  	[spmem:s2] =	stream.indirect.scatter.add.f32 [tilespmem:s0], [sflag:$0x2], $0x40, s24, s15, $0xb8;
	[tilespmem:$0x15000] =	vst v63  }
0x7a: {  	s0 =	simm.s32 @!p1 $0x2;
	s21 =	ssub.s32 @!p0 s22, s21  }
0x7b: {  	_ =	swait.ge @!p1 [sflag:s0], $0x2000;
	s21 =	sand.u32 @!p0 $0xFF, s21  }
0x7c: {  	[sflag:s0] =	ssyncset.done @!p1 $0x0;
	s21 =	sshll.u32 @!p0 s21, $0xD  }
0x7d: {  	s22 =	simm.s32 @!p0 $0x80;
	[sflag:s0] =	ssyncadd.s32 @!p1 $0xFFFFE000;
	s0 =	sadd.s32 @!p0 $0x5000, s21  }
0x7e: {  	[tilespmem:s0], [sflag:$0x1] =	stream.indirect.gather @!p0 [hbm4b:s8+s22], $0x40, s23, s22, $0xb8;
	[tilespmem:$0x15000] =	vst v63  }
0x7f: {  	_ =	swait.ge [sflag:s19], $0x2000  }
0x80: {  	[sflag:s19] =	ssyncset.done $0x0  }
0x81: {  	[sflag:s19] =	ssyncadd.s32 $0xFFFFE000  }
0x82: {  	_ =	swait.ge [sflag:s19], $0x2000  }
0x83: {  	[sflag:s19] =	ssyncset.done $0x0  }
0x84: {  	[sflag:s19] =	ssyncadd.s32 $0xFFFFE000  }
0x85: {  	_ =	swait.ge [sflag:s19], $0x2000  }
0x86: {  	s20 =	sadd.s32 $0x1, s20;
	[sflag:s19] =	ssyncset.done $0x0  }
0x87: {  	p0 =	sne.s32 s20, s12;
	[sflag:s19] =	ssyncadd.s32 $0xFFFFE000  }
.Ltmp2:
0x88: {  	[bflag:$0x0] =	sbarrier.arrive $0xFFFF;
	(pc) =	sbr.rel @p0 .LBB2_1-.Ltmp2, $4  }
0x89: {  	[hbm:s11], [sflag:s5] =	dma.local [spmem:s13], $0x1400  }
0x8a: {  	_ =	swait.ge [sflag:s14], $0x1400  }
0x8b: {  	[sflag:s14] =	ssyncset.done $0x0  }
0x8c: {  	[sflag:s14] =	ssyncadd.s32 $0xFFFFEC00  }
0x8d: {  	_ =	sfence.sel $0x180000  }
0x8e: {  	[bflag:$0x0] =	sbarrier.arrive $0xFFFF  }
0x8f: {  	_ =	strace $0x9000004A  }
0x90: {  	[bflag:$0x2] =	sbarrier.arrive $0xFFFF  }
0x91: {  	p0 =	sne.s32 s1, $0x0;
	s0 =	rddreg [dreg:$0x2]  }
0x92: {  	s0 =	sadd.s32 @!p0 $0x100000, s0  }
0x93: {  	[sflag:s0] =	ssyncadd.tile.s32 @!p0 $0x1;
	_ =	shalt  }
.Lfunc_end2:
_tile_overlayer_lowered:
.L_overlay_start_2:
0x94: {  	(tag) =	ssettag $0x2  }
0x95: {  	s0 =	rddreg [dreg:$0x0];
	s2 =	stileid.u32  }
0x96: {  	s1 =	rddreg [dreg:$0x1];
	p0 =	sne.s32 s2, $0x0  }
0x97: {  	s3 =	rddreg [dreg:$0x2];
	[bflag:$0x3] =	sbarrier.arrive $0xFFFF;
	s2 =	simm.s32 @!p0 $0x1C03  }
0x98: {  	[timem:s3], [sflag:s2] =	dma.local @!p0 [hbm:s0], s1  }
0x99: {  	s0 =	simm.s32 @!p0 $0x3  }
0x9a: {  	_ =	swait.ge @!p0 [sflag:s0], s1  }
0x9b: {  	s1 =	ssub.s32 @!p0 $0x0, s1;
	[sflag:s0] =	ssyncset.done @!p0 $0x0  }
0x9c: {  	[sflag:s0] =	ssyncadd.s32 @!p0 s1  }
0x9d: {  	[bflag:$0x3] =	sbarrier.arrive $0xFFFF  }
0x9e: {  	_ =	shalt  }

// kernel: kernel.14.cloned.1.call-start
scs
__scs_entry_jumppad:
0x0: {  	(pc) =	sbr.rel $0x88, $3  }
0x1: {  	(tag) =	ssettag $0x0;
	lr =	simm.s32 $0x1  }
0x2: {  	[smem:$0x3F89] =	sst lr;
	_ =	strace $0xD0000000  }
0x3: {  	_ = 	snop  }
0x4: {  	_ = 	snop  }
0x5: {  	_ = 	snop  }
0x6: {  	_ = 	snop  }
0x7: {  	_ = 	snop  }
__scs_overlays_trampoline_lowered:
0x8: {  	[smem:$0x3F98] =	sst s0  }
0x9: {  	[smem:$0x3F99] =	sst s1  }
0xa: {  	[smem:$0x3F9A] =	sst s2  }
0xb: {  	[smem:$0x3F9B] =	sst s3  }
0xc: {  	[smem:$0x3F9C] =	sst s4  }
0xd: {  	[smem:$0x3F9D] =	sst s5  }
0xe: {  	[smem:$0x3F9E] =	sst s6  }
0xf: {  	[smem:$0x3F9F] =	sst s7  }
0x10: {  	[smem:$0x3FA0] =	sst s8  }
0x11: {  	[smem:$0x3FA1] =	sst s9;
	s0 =	simm.s32 @!p0 $0x0  }
0x12: {  	s1 =	sld [smem:$0x3F87];
	s0 =	simm.s32 @p0 $0x1  }
0x13: {  	[smem:$0x3FA2] =	sst s0;
	s0 =	simm.s32 @!p1 $0x0  }
0x14: {  	s2 =	sld [smem:$0x3F86];
	s0 =	simm.s32 @p1 $0x1  }
0x15: {  	[smem:$0x3FA3] =	sst s0;
	s0 =	simm.s32 @!p2 $0x0  }
0x16: {  	s3 =	sld [smem:$0x3FDB];
	s0 =	simm.s32 @p2 $0x1  }
0x17: {  	s4 =	simm.s32 $0x1BF5;
	[smem:$0x3FA5] =	sst s0  }
0x18: {  	s0 =	sld [smem:$0x3F88];
	_ =	swait.ge [sflag:s4], $0x0  }
0x19: {  	s7 =	sld [smem:$0x3F89]  }
0x1a: {  	s8 =	sadd.s32 $0xFFFFE003, lr  }
0x1b: {  	s9 =	sadd.s32 $0xFFFFFEF7, lr;
	s5 =	simm.s32 $0xFFFFFFFF;
	p2 =	slt.u32 s8, $0xFFFFF086  }
0x1c: {  	p1 =	slt.u32 s9, $0xF7A;
	s5 =	simm.s32 @!p2 $0x0  }
0x1d: {  	s5 =	simm.s32 @p1 $0x1;
	p0 =	seq.s32 s7, s2  }
0x1e: {  	s7 =	smul.u32 @!p0 $0xF7A, s2;
	p2 =	seq.s32 @!p0 s5, $0x0  }
0x1f: {  	s9 =	smul.u32 $0xF7A, s1;
	s8 =	simm.s32 @!p0 $0x1BF5;
	p2 =	por !p2, p0  }
0x20: {  	[sflag:s8] =	ssyncset.s32 @!p0 $0xFFFFF086;
	s6 =	sadd.s32 @!p0 s3, s7;
	s7 =	simm.s32 @!p0 $0x108  }
0x21: {  	s3 =	sadd.s32 s3, s9;
	s6 =	sadd.s32 @!p0 $0x88, s6;
	s7 =	simm.s32 @p2 $0x1082  }
0x22: {  	[simem:s7], [sflag:s8] =	dma.local @!p0 [hbm:s6], $0xF7A  }
0x23: {  	s9 =	sor.u32 $0xD0000000, s2;
	s6 =	simm.s32 $0x108;
	_ =	swait.ge @!p0 [sflag:s8], $0x0  }
0x24: {  	s3 =	sadd.s32 $0x88, s3;
	s6 =	simm.s32 @!p1 $0x1082;
	[sflag:s4] =	ssyncset.s32 $0xFFFFF086  }
0x25: {  	[simem:s6], [sflag:s4] =	dma.local [hbm:s3], $0xF7A  }
0x26: {  	[smem:$0x3F89] =	sst s1;
	(tag) =	ssettag s2;
	_ =	strace s9  }
0x27: {  	s1 =	sld [smem:$0x3F99]  }
0x28: {  	s2 =	sld [smem:$0x3F9A]  }
0x29: {  	s4 =	sld [smem:$0x3F9C]  }
0x2a: {  	p0 =	seq.s32 s5, $0x0;
	s5 =	sld [smem:$0x3F9D]  }
0x2b: {  	s6 =	sld [smem:$0x3F9E]  }
0x2c: {  	s7 =	sld [smem:$0x3F9F]  }
0x2d: {  	s3 =	simm.s32 $0x108;
	s8 =	sld [smem:$0x3FA0]  }
0x2e: {  	s3 =	simm.s32 @!p0 $0x1082;
	s9 =	sld [smem:$0x3FA1]  }
0x2f: {  	lr =	sadd.s32 s0, s3;
	s0 =	sld [smem:$0x3F98]  }
0x30: {  	s3 =	sld [smem:$0x3F9B]  }
0x31: {  	[smem:$0x3FA4] =	sst s10  }
0x32: {  	s10 =	sld [smem:$0x3FA2];
	_ =	sdelay $0x3  }
0x33: {  	p0 =	seq.s32 s10, $0x1;
	s10 =	sld [smem:$0x3FA4];
	_ =	sdelay $0x3  }
0x34: {  	[smem:$0x3FA4] =	sst s10  }
0x35: {  	s10 =	sld [smem:$0x3FA3];
	_ =	sdelay $0x3  }
0x36: {  	p1 =	seq.s32 s10, $0x1;
	s10 =	sld [smem:$0x3FA4];
	_ =	sdelay $0x3  }
0x37: {  	[smem:$0x3FA4] =	sst s10  }
0x38: {  	s10 =	sld [smem:$0x3FA5]  }
0x39: {  	_ = 	snop;
	(pc) =	sbr.ind lr, $3  }
0x3a: {  	_ = 	snop  }
0x3b: {  	_ = 	snop  }
0x3c: {  	p2 =	seq.s32 s10, $0x1;
	s10 =	sld [smem:$0x3FA4]  }
0x3d: {  	_ =	shalt  }
0x3e: {  	_ =	shalt  }
0x3f: {  	_ =	shalt  }
0x40: {  	_ =	shalt  }
0x41: {  	_ =	shalt  }
0x42: {  	_ =	shalt  }
0x43: {  	_ =	shalt  }
0x44: {  	_ =	shalt  }
0x45: {  	_ =	shalt  }
0x46: {  	_ =	shalt  }
0x47: {  	_ =	shalt  }
0x48: {  	_ =	shalt  }
0x49: {  	_ =	shalt  }
0x4a: {  	_ =	shalt  }
0x4b: {  	_ =	shalt  }
0x4c: {  	_ =	shalt  }
0x4d: {  	_ =	shalt  }
0x4e: {  	_ =	shalt  }
0x4f: {  	_ =	shalt  }
0x50: {  	_ =	shalt  }
0x51: {  	_ =	shalt  }
0x52: {  	_ =	shalt  }
0x53: {  	_ =	shalt  }
0x54: {  	_ =	shalt  }
0x55: {  	_ =	shalt  }
0x56: {  	_ =	shalt  }
0x57: {  	_ =	shalt  }
0x58: {  	_ =	shalt  }
0x59: {  	_ =	shalt  }
0x5a: {  	_ =	shalt  }
0x5b: {  	_ =	shalt  }
0x5c: {  	_ =	shalt  }
0x5d: {  	_ =	shalt  }
0x5e: {  	_ =	shalt  }
0x5f: {  	_ =	shalt  }
0x60: {  	_ =	shalt  }
0x61: {  	_ =	shalt  }
0x62: {  	_ =	shalt  }
0x63: {  	_ =	shalt  }
0x64: {  	_ =	shalt  }
0x65: {  	_ =	shalt  }
0x66: {  	_ =	shalt  }
0x67: {  	_ =	shalt  }
0x68: {  	_ =	shalt  }
0x69: {  	_ =	shalt  }
0x6a: {  	_ =	shalt  }
0x6b: {  	_ =	shalt  }
0x6c: {  	_ =	shalt  }
0x6d: {  	_ =	shalt  }
0x6e: {  	_ =	shalt  }
0x6f: {  	_ =	shalt  }
0x70: {  	_ =	shalt  }
0x71: {  	_ =	shalt  }
0x72: {  	_ =	shalt  }
0x73: {  	_ =	shalt  }
0x74: {  	_ =	shalt  }
0x75: {  	_ =	shalt  }
0x76: {  	_ =	shalt  }
0x77: {  	_ =	shalt  }
0x78: {  	_ =	shalt  }
0x79: {  	_ =	shalt  }
0x7a: {  	_ =	shalt  }
0x7b: {  	_ =	shalt  }
0x7c: {  	_ =	shalt  }
0x7d: {  	_ =	shalt  }
0x7e: {  	_ =	shalt  }
0x7f: {  	_ =	shalt  }
0x80: {  	_ =	shalt  }
0x81: {  	_ =	shalt  }
0x82: {  	_ =	shalt  }
0x83: {  	_ =	shalt  }
0x84: {  	_ =	shalt  }
0x85: {  	_ =	shalt  }
0x86: {  	_ =	shalt  }
0x87: {  	_ =	shalt  }
.Lfunc_end0:
.L_simem_size_0:
called_computation.2_lowered:
.L_overlay_start_0:
0x88: {  	s2 =	sld [smem:$0x3FD9]  }
0x89: {  	s3 =	sld [smem:$0x3FFE];
	_ =	sdelay $0x1  }
0x8a: {  	s1 =	srdreg.scid  }
0x8b: {  	s0 =	sand.u32 $0x1, s1  }
0x8c: {  	s16 =	sshll.u32 s0, $0xA;
	s2 =	sadd.s32 s3, s2  }
0x8d: {  	s2 =	sadd.s32 s2, s16  }
0x8e: {  	[smem:$0x3FB0] =	sst s2  }
0x8f: {  	_ = 	snop  }
0x90: {  	(tm) =	ssettm $0x1  }
0x91: {  	s17 =	sld [smem:$0x3FFB];
	_ =	sdelay $0x3  }
0x92: {  	_ =	strace s17  }
0x93: {  	s2 =	sld [smem:$0x3FFC];
	_ =	sdelay $0x3  }
0x94: {  	_ =	strace s2  }
0x95: {  	s2 =	sld [smem:$0x3FFD];
	_ =	sdelay $0x3  }
0x96: {  	_ =	strace s2  }
0x97: {  	_ =	strace $0x8FFFFFFF  }
0x98: {  	s18 =	sld [smem:$0x3FDB];
	_ =	sdelay $0x1  }
0x99: {  	s19 =	simm.s32 $_scs_section_size  }
0x9a: {  	s4 =	simm.s32 $_size__tile_overlayer_lowered;
	s5 =	simm.s32 $_tile_overlayer_lowered  }
0x9b: {  	s22 =	simm.s32 $0x1BFF;
	s21 =	sshll.u32 s5, $0x1;
	s2 =	sadd.s32 s19, s18  }
0x9c: {  	s6 =	simm.s32 $0x0;
	s20 =	sshll.u32 s4, $0x1;
	s4 =	sadd.s32 s21, s2  }
0x9d: {  	[timem:s6], [sflag:s22] =	dma.local [hbm:s4], s20  }
0x9e: {  	_ =	swait.ge [sflag:s22], s20  }
0x9f: {  	s3 =	ssub.s32 $0x0, s20;
	[sflag:s22] =	ssyncset.done $0x0  }
0xa0: {  	[sflag:s22] =	ssyncadd.s32 s3;
	_ =	sdelay $0x1  }
0xa1: {  	s23 =	simm.s32 $0x1B8B  }
0xa2: {  	_ =	swait.ge [sflag:s23], $0x1  }
0xa3: {  	[sflag:s23] =	ssyncset.done $0x0  }
0xa4: {  	s25 =	simm.s32 $0x1B8E;
	s24 =	sld [smem:$0x3FFE];
	[sflag:s23] =	ssyncadd.s32 $0xFFFFFFFF  }
0xa5: {  	s26 =	simm.s32 $execute0_lowered;
	[smem:$0x3FD2] =	sst s25  }
0xa6: {  	s4 =	sshll.u32 s26, $0x1;
	_ =	strace $0x8000004C;
	[dreg:$0x1] =	wrdreg $0xFFFFFFFF  }
0xa7: {  	s28 =	simm.s32 $_size_execute0_lowered;
	s2 =	sadd.s32 s2, s4;
	[dreg:$0x0] =	wrdreg $0x0  }
0xa8: {  	s4 =	sshll.u32 s28, $0x1;
	[dreg:$0x2] =	wrdreg s2  }
0xa9: {  	[dreg:$0x3] =	wrdreg s4  }
0xaa: {  	[dreg:$0x4] =	wrdreg $0xC0  }
0xab: {  	_ =	task [dreg:s6], $0x5FFFF  }
0xac: {  	[dreg:$0x1] =	wrdreg $0xFFFFFFFF  }
0xad: {  	[dreg:$0x0] =	wrdreg $0x60  }
0xae: {  	[dreg:$0x2] =	wrdreg s24  }
0xaf: {  	[dreg:$0x3] =	wrdreg $0xB0000  }
0xb0: {  	[dreg:$0x4] =	wrdreg $0x9  }
0xb1: {  	_ =	task.clear_ibuf [dreg:s6], $0x5FFFF;
	_ =	strace $0x9000004C  }
0xb2: {  	s29 =	simm.s32 $0x9;
	_ =	strace $0x8000004E  }
0xb3: {  	_ =	swait.ge [sflag:s29], $0x1  }
0xb4: {  	[sflag:s29] =	ssyncadd.s32 $0xFFFFFFFF  }
0xb5: {  	_ =	strace $0x9000004E  }
0xb6: {  	_ =	sfence  }
0xb7: {  	s30 =	sld [smem:$0x0];
	_ =	sdelay $0x2  }
0xb8: {  	s31 =	sshll.u32 s1, $0xD;
	s1 =	sshrl.u32 s1, $0x2  }
0xb9: {  	s3 =	sand.u32 $0x4000, s31;
	s1 =	sadd.s32 s1, s30  }
0xba: {  	s0 =	sor.u32 s3, s0;
	s1 =	sshll.u32 s1, $0x11  }
0xbb: {  	s0 =	sor.u32 s1, s0  }
0xbc: {  	s0 =	sadd.s32 $0x8F2B, s0  }
0xbd: {  	[sflag:s0] =	ssyncadd.remote.s32 $0x1  }
0xbe: {  	_ =	sfence.sel $0xFFFF  }
0xbf: {  	[dreg:$0x0] =	wrdreg $0xFFFFFFFF;
	(pc) =	sbr.abs _section_cstart, $3  }
0xc0: {  	[dreg:$0x1] =	wrdreg $0xFFFFFFFF  }
0xc1: {  	_ =	task.clear_ibuf [dreg:s6], $0x2FFFF;
	_ =	strace $0x9FFFFFFF  }
0xc2: {  	(tm) =	ssettm $0x7FFFFFFF  }
0xc3: {  	_ =	shalt  }
tec
execute0_lowered:
.L_overlay_start_1:
0x0: {  	(tag) =	ssettag $0x1  }
0x1: {  	s5 =	rddreg [dreg:$0x0];
	s0 =	srdreg.scid  }
0x2: {  	s2 =	rddreg [dreg:$0x1];
	s1 =	stileid.u32  }
0x3: {  	s3 =	simm.s32 $0x0;
	s17 =	simm.s32 $0x7000;
	s7 =	smul.u32 $0xA000, s1  }
0x4: {  	s18 =	simm.s32 $0x1;
	s19 =	simm.s32 $0x2;
	s12 =	smul.u32 $0xA00, s1  }
0x5: {  	s20 =	simm.s32 $0x0;
	s6 =	sand.u32 $0x1, s0;
	s29 =	smul.u32 $0x5000, s1  }
0x6: {  	[smem:$0x7FF] =	sst s3;
	s10 =	sadd.s32 $0xE800, s5;
	s4 =	smul.u32 $0x13880, s6  }
0x7: {  	s11 =	sadd.s32 $0x3C00, s5;
	s8 =	smul.u32 $0xA0000, s6;
	s6 =	ssub.s32 $0x2, s6  }
0x8: {  	s30 =	sshll.u32 s1, $0x6;
	_ =	strace $0x8000004D;
	s28 =	sshrl.u32 s6, $0x1  }
0x9: {  	s15 =	sadd.s32 s7, s2;
	s16 =	sshrl.u32 s29, $0x3;
	s9 =	sadd.s32 s4, s5  }
0xa: {  	s4 =	sadd.s32 $0x3FA00, s5;
	s8 =	sadd.s32 s7, s8;
	s14 =	ssub.s32 s6, s28  }
0xb: {  	s6 =	sadd.s32 s10, s12;
	s7 =	sadd.s32 s11, s12;
	s31 =	sadd.s32 $0x500, s16  }
0xc: {  	s16 =	simm.s32 $0x5000;
	s8 =	sshrl.u32 s8, $0x3;
	s12 =	smax.u32 s14, $0x1  }
0xd: {  	s14 =	simm.s32 $0x3;
	s13 =	sadd.s32 s8, s5;
	s5 =	sor.u32 $0x1C03, s30  }
0xe: {  	s8 =	sadd.s32 $0x18800, s9;
	s9 =	sadd.s32 s10, s31;
	s10 =	sadd.s32 s11, s31  }
0xf: {  	s11 =	sadd.s32 $0x40E00, s13;
	s13 =	sshrl.u32 s15, $0x3;
	s15 =	simm.s32 $0x80  }
.LBB2_1:
0x10: {  	[spmem:s13], [sflag:s5] =	dma.local [hbm:s4], $0x1400  }
0x11: {  	_ =	swait.ge [sflag:s14], $0x1400  }
0x12: {  	[sflag:s14] =	ssyncset.done $0x0  }
0x13: {  	[sflag:s14] =	ssyncadd.s32 $0xFFFFEC00  }
0x14: {  	[bflag:$0x0] =	sbarrier.arrive $0xFFFF  }
0x15: {  	[tilespmem:s3], [sflag:$0x3] =	stream.linear.gather [hbm4b:s6+s3], $0x2800, $0x38;
	[tilespmem:$0x15000] =	vst v63  }
0x16: {  	s23 =	simm.s32 $0x2800;
	s22 =	smul.u32 $0xAB, s3;
	_ =	swait.ge [sflag:s14], $0x2800  }
0x17: {  	s21 =	simm.s32 $0x1;
	s25 =	simm.s32 $0x2;
	[sflag:s14] =	ssyncset.done $0x0  }
0x18: {  	p0 =	por $0x0, $0x0;
	s26 =	simm.s32 $0x100;
	[sflag:s14] =	ssyncadd.s32 $0xFFFFD800  }
0x19: {  	[tilespmem:s23], [sflag:$0x3] =	stream.linear.gather [hbm4b:s7+s3], $0x2800, $0x38;
	[tilespmem:$0x15000] =	vst v63  }
0x1a: {  	p1 =	por @!p0 $0x1, $0x1;
	s24 =	sshrl.u32 s22, $0x9;
	_ =	swait.ge [sflag:s14], $0x2800  }
0x1b: {  	s28 =	smul.u32 @!p0 $0xAB, s25;
	s24 =	sand.u32 $0x7F, s24;
	[sflag:s14] =	ssyncset.done $0x0  }
0x1c: {  	s25 =	simm.s32 $0x2;
	s24 =	smul.u32 $0x3, s24;
	[sflag:s14] =	ssyncadd.s32 $0xFFFFD800  }
0x1d: {  	[tilespmem:s16], [sflag:$0x1] =	stream.indirect.gather [hbm4b:s8+s15], $0x40, s3, s15, $0xb8;
	[tilespmem:$0x15000] =	vst v63  }
0x1e: {  	s22 =	smul.u32 $0xAB, s21;
	p1 =	por p1, p0;
	s24 =	ssub.s32 $0x0, s24  }
0x1f: {  	[tilespmem:s17], [sflag:$0x1] =	stream.indirect.gather [hbm4b:s8+s15], $0x40, s15, s15, $0xb8;
	[tilespmem:$0x15000] =	vst v63  }
0x20: {  	s28 =	sshrl.u32 @!p0 s28, $0x9;
	s24 =	sand.u32 $0xFF, s24;
	_ =	swait.ge [sflag:s18], $0x2000  }
0x21: {  	s28 =	sand.u32 @!p0 $0x7F, s28;
	s24 =	sshll.u32 s24, $0xD;
	[sflag:s18] =	ssyncset.done $0x0  }
0x22: {  	s30 =	smul.u32 @!p0 $0x3, s28;
	s24 =	sadd.s32 $0x5000, s24;
	[sflag:s18] =	ssyncadd.s32 $0xFFFFE000  }
0x23: {  	[spmem:s2] =	stream.indirect.scatter.add.f32 [tilespmem:s24], [sflag:$0x2], $0x40, s23, s15, $0xb8;
	[tilespmem:$0x15000] =	vst v63  }
0x24: {  	s29 =	simm.s32 @!p1 $0x2;
	s28 =	simm.s32 @!p0 $0x80;
	s23 =	ssub.s32 @!p0 $0x2, s30  }
0x25: {  	s24 =	simm.s32 $0x2880;
	_ =	swait.ge @!p1 [sflag:s29], $0x2000;
	s23 =	sand.u32 @!p0 $0xFF, s23  }
0x26: {  	[sflag:s29] =	ssyncset.done @!p1 $0x0;
	s30 =	sshll.u32 @!p0 s23, $0xD;
	s23 =	simm.s32 $0x180  }
.LBB2_2:
0x27: {  	s31 =	smul.u32 $0xAB, s25  }
0x28: {  	[sflag:s29] =	ssyncadd.s32 @!p1 $0xFFFFE000;
	s29 =	sadd.s32 @!p0 $0x5000, s30;
	s30 =	smov.u32 s25  }
0x29: {  	[tilespmem:s29], [sflag:$0x1] =	stream.indirect.gather @!p0 [hbm4b:s8+s28], $0x40, s26, s28, $0xb8;
	[tilespmem:$0x15000] =	vst v63  }
0x2a: {  	s26 =	sshrl.u32 s22, $0x9  }
0x2b: {  	s25 =	sadd.s32 $0x1, s25;
	s22 =	smov.u32 s31;
	s26 =	sand.u32 $0x7F, s26  }
0x2c: {  	p0 =	sgt.u32 s21, $0x4D;
	s31 =	sadd.s32 $0x2, s21;
	s29 =	smul.u32 $0x3, s26  }
0x2d: {  	p1 =	seq.s32 @!p0 s21, $0x0;
	s28 =	simm.s32 @!p0 $0x80;
	s0 =	smul.u32 @!p0 $0xAB, s31  }
0x2e: {  	p2 =	sne.s32 s25, $0x50;
	s26 =	smov.u32 s23;
	p1 =	por p1, p0  }
0x2f: {  	s29 =	ssub.s32 s21, s29;
	s21 =	smov.u32 s30;
	s0 =	sshrl.u32 @!p0 s0, $0x9  }
0x30: {  	s29 =	sand.u32 $0xFF, s29;
	s0 =	sand.u32 @!p0 $0x7F, s0;
	_ =	swait.ge [sflag:s18], $0x2000  }
0x31: {  	s29 =	sshll.u32 s29, $0xD;
	s0 =	smul.u32 @!p0 $0x3, s0;
	[sflag:s18] =	ssyncset.done $0x0  }
.Ltmp0:
0x32: {  	s29 =	sadd.s32 $0x5000, s29;
	[sflag:s18] =	ssyncadd.s32 $0xFFFFE000;
	(pc) =	sbr.rel @p2 .LBB2_2-.Ltmp0, $4  }
0x33: {  	[spmem:s2] =	stream.indirect.scatter.add.f32 [tilespmem:s29], [sflag:$0x2], $0x40, s24, s15, $0xb8;
	[tilespmem:$0x15000] =	vst v63  }
0x34: {  	s0 =	ssub.s32 @!p0 s31, s0;
	s29 =	simm.s32 @!p1 $0x2  }
0x35: {  	s0 =	sand.u32 @!p0 $0xFF, s0;
	s24 =	sadd.s32 $0x80, s24;
	_ =	swait.ge @!p1 [sflag:s29], $0x2000  }
0x36: {  	s23 =	sadd.s32 $0x80, s23;
	s30 =	sshll.u32 @!p0 s0, $0xD;
	[sflag:s29] =	ssyncset.done @!p1 $0x0  }
0x37: {  	[sflag:s29] =	ssyncadd.s32 @!p1 $0xFFFFE000;
	s0 =	sadd.s32 @!p0 $0x5000, s30;
	s25 =	sshrl.u32 s22, $0x9  }
0x38: {  	[tilespmem:s0], [sflag:$0x1] =	stream.indirect.gather @!p0 [hbm4b:s8+s28], $0x40, s26, s28, $0xb8;
	[tilespmem:$0x15000] =	vst v63  }
0x39: {  	s0 =	sand.u32 $0x7F, s25  }
0x3a: {  	s22 =	sadd.s32 $0x2, s21;
	p0 =	sgt.u32 s21, $0x4D;
	s0 =	smul.u32 $0x3, s0  }
0x3b: {  	s25 =	smul.u32 @!p0 $0xAB, s22  }
0x3c: {  	p1 =	seq.s32 @!p0 s21, $0x0;
	_ =	swait.ge [sflag:s18], $0x2000;
	s0 =	ssub.s32 s21, s0  }
0x3d: {  	p1 =	por p1, p0;
	s21 =	sshrl.u32 @!p0 s25, $0x9;
	s0 =	sand.u32 $0xFF, s0  }
0x3e: {  	[sflag:s18] =	ssyncset.done $0x0;
	s21 =	sand.u32 @!p0 $0x7F, s21;
	s0 =	sshll.u32 s0, $0xD  }
0x3f: {  	[sflag:s18] =	ssyncadd.s32 $0xFFFFE000;
	s21 =	smul.u32 @!p0 $0x3, s21;
	s0 =	sadd.s32 $0x5000, s0  }
0x40: {  	[spmem:s2] =	stream.indirect.scatter.add.f32 [tilespmem:s0], [sflag:$0x2], $0x40, s24, s15, $0xb8;
	[tilespmem:$0x15000] =	vst v63  }
0x41: {  	s0 =	simm.s32 @!p1 $0x2;
	s21 =	ssub.s32 @!p0 s22, s21  }
0x42: {  	_ =	swait.ge @!p1 [sflag:s0], $0x2000;
	s21 =	sand.u32 @!p0 $0xFF, s21  }
0x43: {  	[sflag:s0] =	ssyncset.done @!p1 $0x0;
	s21 =	sshll.u32 @!p0 s21, $0xD  }
0x44: {  	s22 =	simm.s32 @!p0 $0x80;
	[sflag:s0] =	ssyncadd.s32 @!p1 $0xFFFFE000;
	s0 =	sadd.s32 @!p0 $0x5000, s21  }
0x45: {  	[tilespmem:s0], [sflag:$0x1] =	stream.indirect.gather @!p0 [hbm4b:s8+s22], $0x40, s23, s22, $0xb8;
	[tilespmem:$0x15000] =	vst v63  }
0x46: {  	_ =	swait.ge [sflag:s19], $0x2000  }
0x47: {  	[sflag:s19] =	ssyncset.done $0x0  }
0x48: {  	[sflag:s19] =	ssyncadd.s32 $0xFFFFE000  }
0x49: {  	_ =	swait.ge [sflag:s19], $0x2000  }
0x4a: {  	[sflag:s19] =	ssyncset.done $0x0  }
0x4b: {  	[sflag:s19] =	ssyncadd.s32 $0xFFFFE000  }
0x4c: {  	_ =	swait.ge [sflag:s19], $0x2000  }
0x4d: {  	[sflag:s19] =	ssyncset.done $0x0  }
0x4e: {  	s26 =	simm.s32 $0x0;
	[sflag:s19] =	ssyncadd.s32 $0xFFFFE000  }
0x4f: {  	[tilespmem:s26], [sflag:$0x3] =	stream.linear.gather [hbm4b:s9+s26], $0x2800, $0x38;
	[tilespmem:$0x15000] =	vst v63  }
0x50: {  	s31 =	simm.s32 $0x2800;
	s25 =	simm.s32 $0x2;
	_ =	swait.ge [sflag:s14], $0x2800  }
0x51: {  	s21 =	simm.s32 $0x1;
	s0 =	smul.u32 $0xAB, s26;
	[sflag:s14] =	ssyncset.done $0x0  }
0x52: {  	s24 =	simm.s32 $0x2;
	s22 =	smul.u32 $0xAB, s21;
	[sflag:s14] =	ssyncadd.s32 $0xFFFFD800  }
0x53: {  	[tilespmem:s31], [sflag:$0x3] =	stream.linear.gather [hbm4b:s10+s26], $0x2800, $0x38;
	[tilespmem:$0x15000] =	vst v63  }
0x54: {  	p0 =	por $0x0, $0x0;
	s0 =	sshrl.u32 s0, $0x9;
	_ =	swait.ge [sflag:s14], $0x2800  }
0x55: {  	s23 =	simm.s32 $0x180;
	s0 =	sand.u32 $0x7F, s0;
	[sflag:s14] =	ssyncset.done $0x0  }
0x56: {  	p1 =	por @!p0 $0x1, $0x1;
	s0 =	smul.u32 $0x3, s0;
	[sflag:s14] =	ssyncadd.s32 $0xFFFFD800  }
0x57: {  	[tilespmem:s16], [sflag:$0x1] =	stream.indirect.gather [hbm4b:s8+s15], $0x40, s26, s15, $0xb8;
	[tilespmem:$0x15000] =	vst v63  }
0x58: {  	s24 =	smul.u32 @!p0 $0xAB, s24;
	p1 =	por p1, p0;
	s0 =	ssub.s32 $0x0, s0  }
0x59: {  	[tilespmem:s17], [sflag:$0x1] =	stream.indirect.gather [hbm4b:s8+s15], $0x40, s15, s15, $0xb8;
	[tilespmem:$0x15000] =	vst v63  }
0x5a: {  	s24 =	sshrl.u32 @!p0 s24, $0x9;
	s0 =	sand.u32 $0xFF, s0;
	_ =	swait.ge [sflag:s18], $0x2000  }
0x5b: {  	s24 =	sand.u32 @!p0 $0x7F, s24;
	s0 =	sshll.u32 s0, $0xD;
	[sflag:s18] =	ssyncset.done $0x0  }
0x5c: {  	s24 =	smul.u32 @!p0 $0x3, s24;
	s0 =	sadd.s32 $0x5000, s0;
	[sflag:s18] =	ssyncadd.s32 $0xFFFFE000  }
0x5d: {  	[spmem:s2] =	stream.indirect.scatter.add.f32 [tilespmem:s0], [sflag:$0x2], $0x40, s31, s15, $0xb8;
	[tilespmem:$0x15000] =	vst v63  }
0x5e: {  	s28 =	simm.s32 @!p0 $0x80;
	s29 =	simm.s32 @!p1 $0x2;
	s0 =	ssub.s32 @!p0 $0x2, s24  }
0x5f: {  	s26 =	simm.s32 $0x100;
	_ =	swait.ge @!p1 [sflag:s29], $0x2000;
	s0 =	sand.u32 @!p0 $0xFF, s0  }
0x60: {  	s24 =	simm.s32 $0x2880;
	[sflag:s29] =	ssyncset.done @!p1 $0x0;
	s30 =	sshll.u32 @!p0 s0, $0xD  }
.LBB2_4:
0x61: {  	s0 =	smul.u32 $0xAB, s25;
	[sflag:s29] =	ssyncadd.s32 @!p1 $0xFFFFE000;
	s29 =	sadd.s32 @!p0 $0x5000, s30  }
0x62: {  	s30 =	smov.u32 s25;
	s25 =	sadd.s32 $0x1, s25;
	s31 =	sadd.s32 $0x2, s21  }
0x63: {  	[tilespmem:s29], [sflag:$0x1] =	stream.indirect.gather @!p0 [hbm4b:s8+s28], $0x40, s26, s28, $0xb8;
	[tilespmem:$0x15000] =	vst v63  }
0x64: {  	s26 =	sshrl.u32 s22, $0x9;
	p0 =	sgt.u32 s21, $0x4D;
	s22 =	smov.u32 s0  }
0x65: {  	s0 =	sand.u32 $0x7F, s26;
	s29 =	smul.u32 @!p0 $0xAB, s31  }
0x66: {  	p1 =	seq.s32 @!p0 s21, $0x0;
	s28 =	simm.s32 @!p0 $0x80;
	s0 =	smul.u32 $0x3, s0  }
0x67: {  	p2 =	sne.s32 s25, $0x50;
	s26 =	smov.u32 s23;
	p1 =	por p1, p0  }
0x68: {  	s29 =	sshrl.u32 @!p0 s29, $0x9;
	s0 =	ssub.s32 s21, s0;
	s21 =	smov.u32 s30  }
0x69: {  	s29 =	sand.u32 @!p0 $0x7F, s29;
	s0 =	sand.u32 $0xFF, s0;
	_ =	swait.ge [sflag:s18], $0x2000  }
0x6a: {  	s30 =	smul.u32 @!p0 $0x3, s29;
	s0 =	sshll.u32 s0, $0xD;
	[sflag:s18] =	ssyncset.done $0x0  }
.Ltmp1:
0x6b: {  	s0 =	sadd.s32 $0x5000, s0;
	[sflag:s18] =	ssyncadd.s32 $0xFFFFE000;
	(pc) =	sbr.rel @p2 .LBB2_4-.Ltmp1, $4  }
0x6c: {  	[spmem:s2] =	stream.indirect.scatter.add.f32 [tilespmem:s0], [sflag:$0x2], $0x40, s24, s15, $0xb8;
	[tilespmem:$0x15000] =	vst v63  }
0x6d: {  	s29 =	simm.s32 @!p1 $0x2;
	s0 =	ssub.s32 @!p0 s31, s30  }
0x6e: {  	s24 =	sadd.s32 $0x80, s24;
	s0 =	sand.u32 @!p0 $0xFF, s0;
	_ =	swait.ge @!p1 [sflag:s29], $0x2000  }
0x6f: {  	s23 =	sadd.s32 $0x80, s23;
	s30 =	sshll.u32 @!p0 s0, $0xD;
	[sflag:s29] =	ssyncset.done @!p1 $0x0  }
0x70: {  	[sflag:s29] =	ssyncadd.s32 @!p1 $0xFFFFE000;
	s0 =	sadd.s32 @!p0 $0x5000, s30;
	s31 =	sshrl.u32 s22, $0x9  }
0x71: {  	[tilespmem:s0], [sflag:$0x1] =	stream.indirect.gather @!p0 [hbm4b:s8+s28], $0x40, s26, s28, $0xb8;
	[tilespmem:$0x15000] =	vst v63  }
0x72: {  	s0 =	sand.u32 $0x7F, s31  }
0x73: {  	s22 =	sadd.s32 $0x2, s21;
	p0 =	sgt.u32 s21, $0x4D;
	s0 =	smul.u32 $0x3, s0  }
0x74: {  	s25 =	smul.u32 @!p0 $0xAB, s22  }
0x75: {  	p1 =	seq.s32 @!p0 s21, $0x0;
	_ =	swait.ge [sflag:s18], $0x2000;
	s0 =	ssub.s32 s21, s0  }
0x76: {  	p1 =	por p1, p0;
	s21 =	sshrl.u32 @!p0 s25, $0x9;
	s0 =	sand.u32 $0xFF, s0  }
0x77: {  	[sflag:s18] =	ssyncset.done $0x0;
	s21 =	sand.u32 @!p0 $0x7F, s21;
	s0 =	sshll.u32 s0, $0xD  }
0x78: {  	[sflag:s18] =	ssyncadd.s32 $0xFFFFE000;
	s21 =	smul.u32 @!p0 $0x3, s21;
	s0 =	sadd.s32 $0x5000, s0  }
0x79: {  	[spmem:s2] =	stream.indirect.scatter.add.f32 [tilespmem:s0], [sflag:$0x2], $0x40, s24, s15, $0xb8;
	[tilespmem:$0x15000] =	vst v63  }
0x7a: {  	s0 =	simm.s32 @!p1 $0x2;
	s21 =	ssub.s32 @!p0 s22, s21  }
0x7b: {  	_ =	swait.ge @!p1 [sflag:s0], $0x2000;
	s21 =	sand.u32 @!p0 $0xFF, s21  }
0x7c: {  	[sflag:s0] =	ssyncset.done @!p1 $0x0;
	s21 =	sshll.u32 @!p0 s21, $0xD  }
0x7d: {  	s22 =	simm.s32 @!p0 $0x80;
	[sflag:s0] =	ssyncadd.s32 @!p1 $0xFFFFE000;
	s0 =	sadd.s32 @!p0 $0x5000, s21  }
0x7e: {  	[tilespmem:s0], [sflag:$0x1] =	stream.indirect.gather @!p0 [hbm4b:s8+s22], $0x40, s23, s22, $0xb8;
	[tilespmem:$0x15000] =	vst v63  }
0x7f: {  	_ =	swait.ge [sflag:s19], $0x2000  }
0x80: {  	[sflag:s19] =	ssyncset.done $0x0  }
0x81: {  	[sflag:s19] =	ssyncadd.s32 $0xFFFFE000  }
0x82: {  	_ =	swait.ge [sflag:s19], $0x2000  }
0x83: {  	[sflag:s19] =	ssyncset.done $0x0  }
0x84: {  	[sflag:s19] =	ssyncadd.s32 $0xFFFFE000  }
0x85: {  	_ =	swait.ge [sflag:s19], $0x2000  }
0x86: {  	s20 =	sadd.s32 $0x1, s20;
	[sflag:s19] =	ssyncset.done $0x0  }
0x87: {  	p0 =	sne.s32 s20, s12;
	[sflag:s19] =	ssyncadd.s32 $0xFFFFE000  }
.Ltmp2:
0x88: {  	[bflag:$0x0] =	sbarrier.arrive $0xFFFF;
	(pc) =	sbr.rel @p0 .LBB2_1-.Ltmp2, $4  }
0x89: {  	[hbm:s11], [sflag:s5] =	dma.local [spmem:s13], $0x1400  }
0x8a: {  	_ =	swait.ge [sflag:s14], $0x1400  }
0x8b: {  	[sflag:s14] =	ssyncset.done $0x0  }
0x8c: {  	[sflag:s14] =	ssyncadd.s32 $0xFFFFEC00  }
0x8d: {  	_ =	sfence.sel $0x180000  }
0x8e: {  	[bflag:$0x0] =	sbarrier.arrive $0xFFFF  }
0x8f: {  	_ =	strace $0x9000004D  }
0x90: {  	[bflag:$0x2] =	sbarrier.arrive $0xFFFF  }
0x91: {  	p0 =	sne.s32 s1, $0x0;
	s0 =	rddreg [dreg:$0x2]  }
0x92: {  	s0 =	sadd.s32 @!p0 $0x100000, s0  }
0x93: {  	[sflag:s0] =	ssyncadd.tile.s32 @!p0 $0x1;
	_ =	shalt  }
.Lfunc_end2:
_tile_overlayer_lowered:
.L_overlay_start_2:
0x94: {  	(tag) =	ssettag $0x2  }
0x95: {  	s0 =	rddreg [dreg:$0x0];
	s2 =	stileid.u32  }
0x96: {  	s1 =	rddreg [dreg:$0x1];
	p0 =	sne.s32 s2, $0x0  }
0x97: {  	s3 =	rddreg [dreg:$0x2];
	[bflag:$0x3] =	sbarrier.arrive $0xFFFF;
	s2 =	simm.s32 @!p0 $0x1C03  }
0x98: {  	[timem:s3], [sflag:s2] =	dma.local @!p0 [hbm:s0], s1  }
0x99: {  	s0 =	simm.s32 @!p0 $0x3  }
0x9a: {  	_ =	swait.ge @!p0 [sflag:s0], s1  }
0x9b: {  	s1 =	ssub.s32 @!p0 $0x0, s1;
	[sflag:s0] =	ssyncset.done @!p0 $0x0  }
0x9c: {  	[sflag:s0] =	ssyncadd.s32 @!p0 s1  }
0x9d: {  	[bflag:$0x3] =	sbarrier.arrive $0xFFFF  }
0x9e: {  	_ =	shalt  }

// kernel: kernel.8.cloned.1.call-start
scs
__scs_entry_jumppad:
0x0: {  	(pc) =	sbr.rel $0x88, $3  }
0x1: {  	(tag) =	ssettag $0x0;
	lr =	simm.s32 $0x1  }
0x2: {  	[smem:$0x3F89] =	sst lr;
	_ =	strace $0xD0000000  }
0x3: {  	_ = 	snop  }
0x4: {  	_ = 	snop  }
0x5: {  	_ = 	snop  }
0x6: {  	_ = 	snop  }
0x7: {  	_ = 	snop  }
__scs_overlays_trampoline_lowered:
0x8: {  	[smem:$0x3F98] =	sst s0  }
0x9: {  	[smem:$0x3F99] =	sst s1  }
0xa: {  	[smem:$0x3F9A] =	sst s2  }
0xb: {  	[smem:$0x3F9B] =	sst s3  }
0xc: {  	[smem:$0x3F9C] =	sst s4  }
0xd: {  	[smem:$0x3F9D] =	sst s5  }
0xe: {  	[smem:$0x3F9E] =	sst s6  }
0xf: {  	[smem:$0x3F9F] =	sst s7  }
0x10: {  	[smem:$0x3FA0] =	sst s8  }
0x11: {  	[smem:$0x3FA1] =	sst s9;
	s0 =	simm.s32 @!p0 $0x0  }
0x12: {  	s1 =	sld [smem:$0x3F87];
	s0 =	simm.s32 @p0 $0x1  }
0x13: {  	[smem:$0x3FA2] =	sst s0;
	s0 =	simm.s32 @!p1 $0x0  }
0x14: {  	s2 =	sld [smem:$0x3F86];
	s0 =	simm.s32 @p1 $0x1  }
0x15: {  	[smem:$0x3FA3] =	sst s0;
	s0 =	simm.s32 @!p2 $0x0  }
0x16: {  	s3 =	sld [smem:$0x3FDB];
	s0 =	simm.s32 @p2 $0x1  }
0x17: {  	s4 =	simm.s32 $0x1BF5;
	[smem:$0x3FA5] =	sst s0  }
0x18: {  	s0 =	sld [smem:$0x3F88];
	_ =	swait.ge [sflag:s4], $0x0  }
0x19: {  	s7 =	sld [smem:$0x3F89]  }
0x1a: {  	s8 =	sadd.s32 $0xFFFFE003, lr  }
0x1b: {  	s9 =	sadd.s32 $0xFFFFFEF7, lr;
	s5 =	simm.s32 $0xFFFFFFFF;
	p2 =	slt.u32 s8, $0xFFFFF086  }
0x1c: {  	p1 =	slt.u32 s9, $0xF7A;
	s5 =	simm.s32 @!p2 $0x0  }
0x1d: {  	s5 =	simm.s32 @p1 $0x1;
	p0 =	seq.s32 s7, s2  }
0x1e: {  	s7 =	smul.u32 @!p0 $0xF7A, s2;
	p2 =	seq.s32 @!p0 s5, $0x0  }
0x1f: {  	s9 =	smul.u32 $0xF7A, s1;
	s8 =	simm.s32 @!p0 $0x1BF5;
	p2 =	por !p2, p0  }
0x20: {  	[sflag:s8] =	ssyncset.s32 @!p0 $0xFFFFF086;
	s6 =	sadd.s32 @!p0 s3, s7;
	s7 =	simm.s32 @!p0 $0x108  }
0x21: {  	s3 =	sadd.s32 s3, s9;
	s6 =	sadd.s32 @!p0 $0x88, s6;
	s7 =	simm.s32 @p2 $0x1082  }
0x22: {  	[simem:s7], [sflag:s8] =	dma.local @!p0 [hbm:s6], $0xF7A  }
0x23: {  	s9 =	sor.u32 $0xD0000000, s2;
	s6 =	simm.s32 $0x108;
	_ =	swait.ge @!p0 [sflag:s8], $0x0  }
0x24: {  	s3 =	sadd.s32 $0x88, s3;
	s6 =	simm.s32 @!p1 $0x1082;
	[sflag:s4] =	ssyncset.s32 $0xFFFFF086  }
0x25: {  	[simem:s6], [sflag:s4] =	dma.local [hbm:s3], $0xF7A  }
0x26: {  	[smem:$0x3F89] =	sst s1;
	(tag) =	ssettag s2;
	_ =	strace s9  }
0x27: {  	s1 =	sld [smem:$0x3F99]  }
0x28: {  	s2 =	sld [smem:$0x3F9A]  }
0x29: {  	s4 =	sld [smem:$0x3F9C]  }
0x2a: {  	p0 =	seq.s32 s5, $0x0;
	s5 =	sld [smem:$0x3F9D]  }
0x2b: {  	s6 =	sld [smem:$0x3F9E]  }
0x2c: {  	s7 =	sld [smem:$0x3F9F]  }
0x2d: {  	s3 =	simm.s32 $0x108;
	s8 =	sld [smem:$0x3FA0]  }
0x2e: {  	s3 =	simm.s32 @!p0 $0x1082;
	s9 =	sld [smem:$0x3FA1]  }
0x2f: {  	lr =	sadd.s32 s0, s3;
	s0 =	sld [smem:$0x3F98]  }
0x30: {  	s3 =	sld [smem:$0x3F9B]  }
0x31: {  	[smem:$0x3FA4] =	sst s10  }
0x32: {  	s10 =	sld [smem:$0x3FA2];
	_ =	sdelay $0x3  }
0x33: {  	p0 =	seq.s32 s10, $0x1;
	s10 =	sld [smem:$0x3FA4];
	_ =	sdelay $0x3  }
0x34: {  	[smem:$0x3FA4] =	sst s10  }
0x35: {  	s10 =	sld [smem:$0x3FA3];
	_ =	sdelay $0x3  }
0x36: {  	p1 =	seq.s32 s10, $0x1;
	s10 =	sld [smem:$0x3FA4];
	_ =	sdelay $0x3  }
0x37: {  	[smem:$0x3FA4] =	sst s10  }
0x38: {  	s10 =	sld [smem:$0x3FA5]  }
0x39: {  	_ = 	snop;
	(pc) =	sbr.ind lr, $3  }
0x3a: {  	_ = 	snop  }
0x3b: {  	_ = 	snop  }
0x3c: {  	p2 =	seq.s32 s10, $0x1;
	s10 =	sld [smem:$0x3FA4]  }
0x3d: {  	_ =	shalt  }
0x3e: {  	_ =	shalt  }
0x3f: {  	_ =	shalt  }
0x40: {  	_ =	shalt  }
0x41: {  	_ =	shalt  }
0x42: {  	_ =	shalt  }
0x43: {  	_ =	shalt  }
0x44: {  	_ =	shalt  }
0x45: {  	_ =	shalt  }
0x46: {  	_ =	shalt  }
0x47: {  	_ =	shalt  }
0x48: {  	_ =	shalt  }
0x49: {  	_ =	shalt  }
0x4a: {  	_ =	shalt  }
0x4b: {  	_ =	shalt  }
0x4c: {  	_ =	shalt  }
0x4d: {  	_ =	shalt  }
0x4e: {  	_ =	shalt  }
0x4f: {  	_ =	shalt  }
0x50: {  	_ =	shalt  }
0x51: {  	_ =	shalt  }
0x52: {  	_ =	shalt  }
0x53: {  	_ =	shalt  }
0x54: {  	_ =	shalt  }
0x55: {  	_ =	shalt  }
0x56: {  	_ =	shalt  }
0x57: {  	_ =	shalt  }
0x58: {  	_ =	shalt  }
0x59: {  	_ =	shalt  }
0x5a: {  	_ =	shalt  }
0x5b: {  	_ =	shalt  }
0x5c: {  	_ =	shalt  }
0x5d: {  	_ =	shalt  }
0x5e: {  	_ =	shalt  }
0x5f: {  	_ =	shalt  }
0x60: {  	_ =	shalt  }
0x61: {  	_ =	shalt  }
0x62: {  	_ =	shalt  }
0x63: {  	_ =	shalt  }
0x64: {  	_ =	shalt  }
0x65: {  	_ =	shalt  }
0x66: {  	_ =	shalt  }
0x67: {  	_ =	shalt  }
0x68: {  	_ =	shalt  }
0x69: {  	_ =	shalt  }
0x6a: {  	_ =	shalt  }
0x6b: {  	_ =	shalt  }
0x6c: {  	_ =	shalt  }
0x6d: {  	_ =	shalt  }
0x6e: {  	_ =	shalt  }
0x6f: {  	_ =	shalt  }
0x70: {  	_ =	shalt  }
0x71: {  	_ =	shalt  }
0x72: {  	_ =	shalt  }
0x73: {  	_ =	shalt  }
0x74: {  	_ =	shalt  }
0x75: {  	_ =	shalt  }
0x76: {  	_ =	shalt  }
0x77: {  	_ =	shalt  }
0x78: {  	_ =	shalt  }
0x79: {  	_ =	shalt  }
0x7a: {  	_ =	shalt  }
0x7b: {  	_ =	shalt  }
0x7c: {  	_ =	shalt  }
0x7d: {  	_ =	shalt  }
0x7e: {  	_ =	shalt  }
0x7f: {  	_ =	shalt  }
0x80: {  	_ =	shalt  }
0x81: {  	_ =	shalt  }
0x82: {  	_ =	shalt  }
0x83: {  	_ =	shalt  }
0x84: {  	_ =	shalt  }
0x85: {  	_ =	shalt  }
0x86: {  	_ =	shalt  }
0x87: {  	_ =	shalt  }
.Lfunc_end0:
.L_simem_size_0:
called_computation_lowered:
.L_overlay_start_0:
0x88: {  	s2 =	sld [smem:$0x3FD9]  }
0x89: {  	s3 =	sld [smem:$0x3FFE];
	_ =	sdelay $0x1  }
0x8a: {  	s1 =	srdreg.scid  }
0x8b: {  	s0 =	sand.u32 $0x1, s1  }
0x8c: {  	s17 =	sshll.u32 s0, $0xA;
	s2 =	sadd.s32 s3, s2  }
0x8d: {  	s2 =	sadd.s32 s2, s17  }
0x8e: {  	[smem:$0x3FB0] =	sst s2  }
0x8f: {  	_ = 	snop  }
0x90: {  	s2 =	sld [smem:$0x3FD0];
	(tm) =	ssettm $0x1  }
0x91: {  	s18 =	sld [smem:$0x3FFB];
	_ =	sdelay $0x3  }
0x92: {  	_ =	strace s18  }
0x93: {  	s3 =	sld [smem:$0x3FFC];
	_ =	sdelay $0x3  }
0x94: {  	_ =	strace s3  }
0x95: {  	s3 =	sld [smem:$0x3FFD];
	_ =	sdelay $0x3  }
0x96: {  	_ =	strace s3  }
0x97: {  	_ =	strace $0x8FFFFFFF  }
0x98: {  	s19 =	sld [smem:$0x3FDB];
	_ =	sdelay $0x1  }
0x99: {  	s4 =	simm.s32 $_scs_section_size  }
0x9a: {  	s5 =	simm.s32 $_size__tile_overlayer_lowered;
	s6 =	simm.s32 $_tile_overlayer_lowered  }
0x9b: {  	s22 =	simm.s32 $0x1BFF;
	s21 =	sshll.u32 s6, $0x1;
	s3 =	sadd.s32 s4, s19  }
0x9c: {  	s7 =	simm.s32 $0x0;
	s20 =	sshll.u32 s5, $0x1;
	s5 =	sadd.s32 s21, s3  }
0x9d: {  	[timem:s7], [sflag:s22] =	dma.local [hbm:s5], s20  }
0x9e: {  	_ =	swait.ge [sflag:s22], s20  }
0x9f: {  	s4 =	ssub.s32 $0x0, s20;
	[sflag:s22] =	ssyncset.done $0x0  }
0xa0: {  	[sflag:s22] =	ssyncadd.s32 s4;
	_ =	sdelay $0x1  }
0xa1: {  	s23 =	simm.s32 $0x1B8B  }
0xa2: {  	_ =	swait.ge [sflag:s23], $0x1  }
0xa3: {  	[sflag:s23] =	ssyncset.done $0x0  }
0xa4: {  	s25 =	simm.s32 $0x1B8E;
	s24 =	sld [smem:$0x3FFE];
	[sflag:s23] =	ssyncadd.s32 $0xFFFFFFFF  }
0xa5: {  	s26 =	simm.s32 $execute0_lowered;
	[smem:$0x3FD2] =	sst s25  }
0xa6: {  	s5 =	sshll.u32 s26, $0x1;
	_ =	strace $0x80000046;
	[dreg:$0x1] =	wrdreg $0xFFFFFFFF  }
0xa7: {  	s28 =	simm.s32 $_size_execute0_lowered;
	s3 =	sadd.s32 s3, s5;
	[dreg:$0x0] =	wrdreg $0x0  }
0xa8: {  	s5 =	sshll.u32 s28, $0x1;
	[dreg:$0x2] =	wrdreg s3  }
0xa9: {  	[dreg:$0x3] =	wrdreg s5  }
0xaa: {  	[dreg:$0x4] =	wrdreg $0xC0  }
0xab: {  	_ =	task [dreg:s7], $0x5FFFF  }
0xac: {  	[dreg:$0x1] =	wrdreg $0xFFFFFFFF  }
0xad: {  	[dreg:$0x0] =	wrdreg $0x60  }
0xae: {  	[dreg:$0x2] =	wrdreg s24  }
0xaf: {  	[dreg:$0x3] =	wrdreg s2  }
0xb0: {  	[dreg:$0x4] =	wrdreg $0x28800  }
0xb1: {  	[dreg:$0x5] =	wrdreg $0x9  }
0xb2: {  	_ =	task.clear_ibuf [dreg:s7], $0x6FFFF;
	_ =	strace $0x90000046  }
0xb3: {  	s29 =	simm.s32 $0x9;
	_ =	strace $0x80000048  }
0xb4: {  	_ =	swait.ge [sflag:s29], $0x1  }
0xb5: {  	[sflag:s29] =	ssyncadd.s32 $0xFFFFFFFF  }
0xb6: {  	_ =	strace $0x90000048  }
0xb7: {  	_ =	sfence  }
0xb8: {  	s30 =	sld [smem:$0x0];
	_ =	sdelay $0x2  }
0xb9: {  	s31 =	sshll.u32 s1, $0xD;
	s1 =	sshrl.u32 s1, $0x2  }
0xba: {  	s3 =	sand.u32 $0x4000, s31;
	s1 =	sadd.s32 s1, s30  }
0xbb: {  	s0 =	sor.u32 s3, s0;
	s1 =	sshll.u32 s1, $0x11  }
0xbc: {  	s0 =	sor.u32 s1, s0  }
0xbd: {  	s0 =	sadd.s32 $0x8F2B, s0  }
0xbe: {  	[sflag:s0] =	ssyncadd.remote.s32 $0x1  }
0xbf: {  	_ =	sfence.sel $0xFFFF  }
0xc0: {  	[dreg:$0x0] =	wrdreg $0xFFFFFFFF;
	(pc) =	sbr.abs _section_cstart, $3  }
0xc1: {  	[dreg:$0x1] =	wrdreg $0xFFFFFFFF  }
0xc2: {  	_ =	task.clear_ibuf [dreg:s7], $0x2FFFF;
	_ =	strace $0x9FFFFFFF  }
0xc3: {  	(tm) =	ssettm $0x7FFFFFFF  }
tec
execute0_lowered:
.L_overlay_start_1:
0x0: {  	(tag) =	ssettag $0x1  }
0x1: {  	s6 =	rddreg [dreg:$0x0]  }
0x2: {  	s2 =	rddreg [dreg:$0x1]  }
0x3: {  	s0 =	srdreg.scid;
	s3 =	rddreg [dreg:$0x2]  }
0x4: {  	s1 =	stileid.u32;
	s4 =	simm.s32 $0x0;
	s13 =	simm.s32 $0x80  }
0x5: {  	s14 =	simm.s32 $0x0;
	s5 =	sand.u32 $0x1, s0;
	s0 =	rddreg [dreg:$0x3]  }
0x6: {  	s8 =	smul.u32 $0x280, s1;
	[smem:$0x7FF] =	sst s4;
	s11 =	sshll.u32 s1, $0x6  }
0x7: {  	s7 =	sshll.u32 s5, $0x4;
	s9 =	smul.u32 $0x2800, s5;
	_ =	strace $0x80000047  }
0x8: {  	s10 =	ssub.s32 $0x2, s5;
	s5 =	sadd.s32 $0xDC00, s6;
	s11 =	sor.u32 $0x1C01, s11  }
0x9: {  	s7 =	sor.u32 s1, s7;
	s31 =	sshrl.u32 s10, $0x1;
	s12 =	sadd.s32 s8, s3  }
0xa: {  	s7 =	smul.u32 $0x500, s7;
	s9 =	sadd.s32 s8, s9;
	s10 =	ssub.s32 s10, s31  }
0xb: {  	s12 =	sshrl.u32 s12, $0x3;
	s9 =	sshrl.u32 s9, $0x3;
	s8 =	smax.u32 s10, $0x1  }
0xc: {  	s10 =	simm.s32 $0x2800;
	s7 =	sadd.s32 s7, s6;
	s9 =	sadd.s32 s9, s6  }
0xd: {  	s6 =	sadd.s32 $0x3C00, s7;
	s7 =	sadd.s32 $0xDE00, s9;
	s9 =	simm.s32 $0x1  }
.LBB2_1:
0xe: {  	[tilespmem:s4], [sflag:$0x1] =	stream.linear.gather [hbm4b:s6+s4], $0x2800, $0x38;
	[tilespmem:$0x2B00] =	vst v63  }
0xf: {  	_ =	swait.ge [sflag:s9], $0x2800  }
0x10: {  	[sflag:s9] =	ssyncset.done $0x0  }
0x11: {  	[sflag:s9] =	ssyncadd.s32 $0xFFFFD800  }
0x12: {  	[tilespmem:s10], [sflag:$0x1] =	stream.linear.gather [hbm4b:s2+s4], $0x80, $0x38;
	[tilespmem:$0x2B00] =	vst v63  }
0x13: {  	_ =	swait.ge [sflag:s9], $0x80  }
0x14: {  	[sflag:s9] =	ssyncset.done $0x0  }
0x15: {  	[sflag:s9] =	ssyncadd.s32 $0xFFFFFF80  }
0x16: {  	[spmem:s12], [sflag:s11] =	dma.local [hbm:s5], $0x50  }
0x17: {  	_ =	swait.ge [sflag:s9], $0x50  }
0x18: {  	[sflag:s9] =	ssyncset.done $0x0  }
0x19: {  	[sflag:s9] =	ssyncadd.s32 $0xFFFFFFB0  }
0x1a: {  	s15 =	simm.s32 $0x0;
	[bflag:$0x0] =	sbarrier.arrive $0xFFFF  }
0x1b: {  	[spmem:s3] =	stream.indirect.scatter.add.f32 [tilespmem:s10], [sflag:$0x1], $0x1, s15, s13, $0xb8;
	[tilespmem:$0x2B00] =	vst v63  }
0x1c: {  	_ =	swait.ge [sflag:s9], $0x80  }
0x1d: {  	s15 =	simm.s32 $0x200;
	[sflag:s9] =	ssyncset.done $0x0  }
.LBB2_2:
0x1e: {  	s16 =	sshra.s32 s15, $0x2;
	[sflag:s9] =	ssyncadd.s32 $0xFFFFFF80;
	p0 =	sne.s32 s15, $0x9E00  }
0x1f: {  	[spmem:s3] =	stream.indirect.scatter.add.f32 [tilespmem:s10], [sflag:$0x1], $0x1, s16, s13, $0xb8;
	[tilespmem:$0x2B00] =	vst v63  }
.Ltmp0:
0x20: {  	_ = 	snop;
	(pc) =	sbr.rel @p0 .LBB2_2-.Ltmp0, $4  }
0x21: {  	_ = 	snop  }
0x22: {  	s15 =	sadd.s32 $0x200, s15  }
0x23: {  	_ =	swait.ge [sflag:s9], $0x80  }
0x24: {  	[sflag:s9] =	ssyncset.done $0x0  }
0x25: {  	s14 =	sadd.s32 $0x1, s14  }
0x26: {  	[sflag:s9] =	ssyncadd.s32 $0xFFFFFF80;
	p0 =	sne.s32 s14, s8  }
.Ltmp1:
0x27: {  	[bflag:$0x0] =	sbarrier.arrive $0xFFFF;
	(pc) =	sbr.rel @p0 .LBB2_1-.Ltmp1, $4  }
0x28: {  	[hbm:s7], [sflag:s11] =	dma.local [spmem:s12], $0x50  }
0x29: {  	_ =	swait.ge [sflag:s9], $0x50  }
0x2a: {  	[sflag:s9] =	ssyncset.done $0x0  }
0x2b: {  	[sflag:s9] =	ssyncadd.s32 $0xFFFFFFB0  }
0x2c: {  	_ =	sfence.sel $0x180000  }
0x2d: {  	[bflag:$0x0] =	sbarrier.arrive $0xFFFF  }
0x2e: {  	p0 =	sne.s32 s1, $0x0;
	_ =	strace $0x90000047  }
0x2f: {  	s0 =	sadd.s32 @!p0 $0x100000, s0;
	[bflag:$0x2] =	sbarrier.arrive $0xFFFF  }
0x30: {  	[sflag:s0] =	ssyncadd.tile.s32 @!p0 $0x1;
	_ =	shalt  }
.Lfunc_end2:
_tile_overlayer_lowered:
.L_overlay_start_2:
0x31: {  	(tag) =	ssettag $0x2  }
0x32: {  	s0 =	rddreg [dreg:$0x0];
	s2 =	stileid.u32  }
0x33: {  	s1 =	rddreg [dreg:$0x1];
	p0 =	sne.s32 s2, $0x0  }
0x34: {  	s3 =	rddreg [dreg:$0x2];
	[bflag:$0x3] =	sbarrier.arrive $0xFFFF;
	s2 =	simm.s32 @!p0 $0x1C01  }
0x35: {  	[timem:s3], [sflag:s2] =	dma.local @!p0 [hbm:s0], s1  }
0x36: {  	s0 =	simm.s32 @!p0 $0x1  }
0x37: {  	_ =	swait.ge @!p0 [sflag:s0], s1  }
0x38: {  	s1 =	ssub.s32 @!p0 $0x0, s1;
	[sflag:s0] =	ssyncset.done @!p0 $0x0  }
0x39: {  	[sflag:s0] =	ssyncadd.s32 @!p0 s1  }
0x3a: {  	[bflag:$0x3] =	sbarrier.arrive $0xFFFF  }
0x3b: {  	_ =	shalt  }

</sc_bundles>
